<compile_context>
chip_gen: v7x
topology: tpu7x:2x2x1
jax: 0.10.2.dev20260603
libtpu: 0.0.44.dev20260713+nightly
codegen_flags: <defaults>
</compile_context>

<pallas_src>
import functools

import jax
import jax.numpy as jnp
from jax import lax
from jax.experimental import pallas as pl
from jax.experimental.pallas import tpu as pltpu
from jax.experimental.pallas import tpu_sc as plsc

DIM = 768
N_ART = 32 * 512
N_Q = 32 * 64
N_OPT = 32 * 5 * 48

NUM_CORES = 2
NUM_SUBCORES = 16
NW = NUM_CORES * NUM_SUBCORES


def _sc_gather(word_emb, ids, row_off, rows_per_w, chunk):
    n_rows = rows_per_w * NW
    n = rows_per_w // chunk
    depth = min(2, n)
    mesh = plsc.VectorSubcoreMesh(core_axis_name="c", subcore_axis_name="s")

    @functools.partial(
        pl.kernel,
        mesh=mesh,
        out_type=jax.ShapeDtypeStruct((n_rows, DIM), jnp.float32),
        scratch_types=(
            [pltpu.VMEM((rows_per_w,), jnp.int32)]
            + [pltpu.VMEM((chunk, DIM), jnp.float32)] * depth
            + [pltpu.SemaphoreType.DMA] * (2 * depth)
        ),
    )
    def k(table_hbm, idx_hbm, out_hbm, idx_v, *bufs_sems):
        bufs = bufs_sems[:depth]
        gsems = bufs_sems[depth:2 * depth]
        wsems = bufs_sems[2 * depth:]
        wid = lax.axis_index("s") * NUM_CORES + lax.axis_index("c")
        base = wid * rows_per_w
        pltpu.sync_copy(idx_hbm.at[pl.ds(row_off + base, rows_per_w)], idx_v)

        def gather(c):
            cp = pltpu.make_async_copy(
                table_hbm.at[idx_v.at[pl.ds(c * chunk, chunk)]],
                bufs[c % depth], gsems[c % depth])
            cp.start()
            return cp

        def write(c):
            cp = pltpu.make_async_copy(
                bufs[c % depth],
                out_hbm.at[pl.ds(base + c * chunk, chunk)],
                wsems[c % depth])
            cp.start()
            return cp

        gathers = [gather(c0) for c0 in range(max(1, depth - 1))]
        writes = []
        for c in range(n):
            nxt = c + max(1, depth - 1)
            if nxt < n and nxt > len(gathers) - 1:
                if nxt - depth >= 0:
                    writes[nxt - depth].wait()
                gathers.append(gather(nxt))
            gathers[c].wait()
            writes.append(write(c))
        for c in range(max(0, n - depth), n):
            writes[c].wait()

    return k(word_emb, ids)


def _ln_body(g_ref, add_ref, gam_ref, bet_ref, o_ref):
    rows = g_ref.shape[0]
    add = add_ref[...]
    if add.shape[0] != rows:
        reps = rows // add.shape[0]
        add = jnp.broadcast_to(add[None], (reps,) + add.shape).reshape(rows,
                                                                       DIM)
    x = g_ref[...] + add
    mu = jnp.mean(x, axis=1, keepdims=True)
    xc = x - mu
    var = jnp.mean(xc * xc, axis=1, keepdims=True)
    o_ref[...] = xc * lax.rsqrt(var + 1e-12) * gam_ref[...] + bet_ref[...]


def _ln_alias_body(g_ref, _old_ref, add_ref, gam_ref, bet_ref, o_ref):
    _ln_body(g_ref, add_ref, gam_ref, bet_ref, o_ref)


def _ln_call(gathered, addtab, gamma2d, beta2d, block, out_rows=None):
    nrows = gathered.shape[0]
    grid = nrows // block
    add_rows = addtab.shape[0]
    if out_rows is None:
        out_rows = nrows
    return pl.pallas_call(
        _ln_body,
        grid=(grid,),
        in_specs=[
            pl.BlockSpec((block, DIM), lambda i: (i, 0)),
            pl.BlockSpec((add_rows, DIM), lambda i: (0, 0)),
            pl.BlockSpec((1, DIM), lambda i: (0, 0)),
            pl.BlockSpec((1, DIM), lambda i: (0, 0)),
        ],
        out_specs=pl.BlockSpec((block, DIM), lambda i: (i, 0)),
        out_shape=jax.ShapeDtypeStruct((out_rows, DIM), jnp.float32),
    )(gathered, addtab, gamma2d, beta2d)


def _ln_call_alias(gathered, partial_out, addtab, gamma2d, beta2d, block,
                   blk_off):
    nrows = gathered.shape[0]
    grid = nrows // block
    add_rows = addtab.shape[0]
    return pl.pallas_call(
        _ln_alias_body,
        grid=(grid,),
        in_specs=[
            pl.BlockSpec((block, DIM), lambda i: (i, 0)),
            pl.BlockSpec((8, 128), lambda i: (0, 0)),
            pl.BlockSpec((add_rows, DIM), lambda i: (0, 0)),
            pl.BlockSpec((1, DIM), lambda i: (0, 0)),
            pl.BlockSpec((1, DIM), lambda i: (0, 0)),
        ],
        out_specs=pl.BlockSpec((block, DIM), lambda i: (i + blk_off, 0)),
        out_shape=jax.ShapeDtypeStruct(partial_out.shape, jnp.float32),
        input_output_aliases={1: 0},
    )(gathered, partial_out, addtab, gamma2d, beta2d)


def kernel(article_tokens, question_tokens, options_tokens, word_emb,
           pos_emb, tok_type_emb, gamma, beta):
    art_ids = article_tokens.reshape(-1).astype(jnp.int32)
    q_ids = question_tokens.reshape(-1).astype(jnp.int32)
    opt_ids = options_tokens.reshape(-1).astype(jnp.int32)
    half = N_ART // 2

    goh = _sc_gather(word_emb, opt_ids, 0, rows_per_w=80, chunk=40)
    ga1 = _sc_gather(word_emb, art_ids, 0, rows_per_w=256, chunk=64)
    gor = _sc_gather(word_emb, opt_ids, 2560, rows_per_w=160, chunk=40)
    ga2 = _sc_gather(word_emb, art_ids, half, rows_per_w=256, chunk=64)
    gq = _sc_gather(word_emb, q_ids, 0, rows_per_w=64, chunk=64)

    addvec = pos_emb + tok_type_emb[0]
    q_add = addvec[:64]
    o_add = addvec[:1]
    g2 = gamma.reshape(1, DIM)
    b2 = beta.reshape(1, DIM)

    art1 = _ln_call(ga1, addvec, g2, b2, block=512, out_rows=N_ART)
    opt1 = _ln_call(goh, o_add, g2, b2, block=512, out_rows=N_OPT)
    opt = _ln_call_alias(gor, opt1, o_add, g2, b2, block=512, blk_off=5)
    art = _ln_call_alias(ga2, art1, addvec, g2, b2, block=512,
                         blk_off=half // 512)
    q = _ln_call(gq, q_add, g2, b2, block=512)

    return (art.reshape(32, 512, DIM),
            q.reshape(32, 64, DIM),
            opt.reshape(32, 5, 48, DIM))

# --- scband reference (transcript-rebuilt; emitter-appended) ---
"""Pipeline reference for scband-gabert-embeddings-60705067761909 (READ-ONLY COPY).

The authoritative reference and input builder live on the scoring server;
editing this copy changes nothing except your own understanding.
"""

import jax, jax.numpy as jnp
import numpy as np

VOCAB = 30522
MAXPOS = 512
DIM = 768


def setup_inputs(seed: int = 0) -> dict:
    key = jax.random.key(seed)
    ks = jax.random.split(key, 8)
    article_tokens = jax.random.randint(ks[0], (32, 512), 0, VOCAB, dtype=jnp.int64 if jax.config.jax_enable_x64 else jnp.int32)
    question_tokens = jax.random.randint(ks[1], (32, 64), 0, VOCAB, dtype=jnp.int64 if jax.config.jax_enable_x64 else jnp.int32)
    options_tokens = jax.random.randint(ks[2], (32, 5, 48), 0, VOCAB, dtype=jnp.int64 if jax.config.jax_enable_x64 else jnp.int32)
    word_emb = jax.random.normal(ks[3], (VOCAB, DIM), dtype=jnp.float32) * 0.02
    pos_emb = jax.random.normal(ks[4], (MAXPOS, DIM), dtype=jnp.float32) * 0.02
    tok_type_emb = jax.random.normal(ks[5], (2, DIM), dtype=jnp.float32) * 0.02
    gamma = jnp.ones((DIM,), dtype=jnp.float32)
    beta = jnp.zeros((DIM,), dtype=jnp.float32)
    return {
        'article_tokens': article_tokens,
        'question_tokens': question_tokens,
        'options_tokens': options_tokens,
        'word_emb': word_emb,
        'pos_emb': pos_emb,
        'tok_type_emb': tok_type_emb,
        'gamma': gamma,
        'beta': beta,
    }


def _bert_embed(ids, word, pos, tok, gamma, beta):
    # BertEmbeddings: word + position + token_type(=0), then LayerNorm (eps=1e-12).
    # seq_length is ids.shape[1] (matches HF semantics; for [B,1,L] option slices
    # only position 0 is used, exactly as the torch.gather-based original).
    L = ids.shape[1]
    e = jnp.take(word, ids, axis=0)  # [..., DIM]
    e = e + pos[:L] + tok[0]
    mu = jnp.mean(e, axis=-1, keepdims=True)
    var = jnp.mean((e - mu) ** 2, axis=-1, keepdims=True)
    return (e - mu) * jax.lax.rsqrt(var + 1e-12) * gamma + beta


def reference(article_tokens, question_tokens, options_tokens, word_emb, pos_emb, tok_type_emb, gamma, beta):
    article_embeds = _bert_embed(article_tokens, word_emb, pos_emb, tok_type_emb, gamma, beta)
    question_embeds = _bert_embed(question_tokens, word_emb, pos_emb, tok_type_emb, gamma, beta)
    # process_options: gather each option i as [B,1,L_o], embed, concat on dim 1
    options_embeds = jnp.concatenate(
        [_bert_embed(options_tokens[:, i:i + 1, :], word_emb, pos_emb, tok_type_emb, gamma, beta) for i in range(5)],
        axis=1,
    )
    return (article_embeds, question_embeds, options_embeds)

if __name__ == "__main__":
    import jax
    _d = setup_inputs()
    print(jax.jit(kernel)(*tuple(_d.values())))

</pallas_src>

<mosaic_0001>
#map = affine_map<(d0, d1) -> (0, 0)>
#map1 = affine_map<(d0, d1) -> (0)>
module attributes {stable_mosaic.version = 14 : i64} {
  func.func @k(%arg0: i32, %arg1: i32, %arg2: memref<30522x768xf32, #tpu.memory_space<hbm>>, %arg3: memref<16384xi32, #tpu.memory_space<hbm>>, %arg4: memref<8192x768xf32, #tpu.memory_space<hbm>>, %arg5: memref<256xi32, #tpu.memory_space<vmem>>, %arg6: memref<64x768xf32, #tpu.memory_space<vmem>>, %arg7: memref<64x768xf32, #tpu.memory_space<vmem>>, %arg8: memref<!tpu.dma_semaphore, #tpu.memory_space<semaphore_mem>>, %arg9: memref<!tpu.dma_semaphore, #tpu.memory_space<semaphore_mem>>, %arg10: memref<!tpu.dma_semaphore, #tpu.memory_space<semaphore_mem>>, %arg11: memref<!tpu.dma_semaphore, #tpu.memory_space<semaphore_mem>>) attributes {dimension_semantics = [#tpu.dimension_semantics<core_parallel>, #tpu.dimension_semantics<subcore_parallel>], iteration_bounds = array<i64: 2, 16>, scalar_prefetch = 0 : i64, scratch_operands = 7 : i64, tpu.core_type = #tpu.core_type<sc_vector_subcore>, window_params = [{transform_indices = #map}, {transform_indices = #map1}, {transform_indices = #map}]} {
    %mul3A = arith.constant 2 : i32
    %mul3A_0 = arith.muli %arg1, %mul3A : i32
    %add3A = arith.addi %mul3A_0, %arg0 : i32
    %mul3A_1 = arith.constant 256 : i32
    %mul3A_2 = arith.muli %add3A, %mul3A_1 : i32
    %add3A_3 = arith.constant 8192 : i32
    %add3A_4 = arith.addi %add3A_3, %mul3A_2 : i32
    "tpu.region"() ({
      %run_scoped3A = tpu.sem_alloc : memref<!tpu.dma_semaphore, #tpu.memory_space<semaphore_mem>>
      %dma_start3A_83 = tpu.memref_slice %arg3[%add3A_4] : memref<16384xi32, #tpu.memory_space<hbm>> -> memref<256xi32, #tpu.memory_space<hbm>>
      %dma_start3A_84 = tpu.memref_slice %arg3[%add3A_4] : memref<16384xi32, #tpu.memory_space<hbm>> -> memref<256xi32, #tpu.memory_space<hbm>>
      tpu.enqueue_dma source(%dma_start3A_84 : memref<256xi32, #tpu.memory_space<hbm>>) target(%arg5 : memref<256xi32, #tpu.memory_space<vmem>>) target_semaphore(%run_scoped3A : memref<!tpu.dma_semaphore, #tpu.memory_space<semaphore_mem>>)
      %dma_wait3A_85 = tpu.memref_slice %arg3[%add3A_4] : memref<16384xi32, #tpu.memory_space<hbm>> -> memref<256xi32, #tpu.memory_space<hbm>>
      %dma_wait3A_86 = tpu.memref_slice %arg3[%add3A_4] : memref<16384xi32, #tpu.memory_space<hbm>> -> memref<256xi32, #tpu.memory_space<hbm>>
      tpu.wait_dma2 semaphore(%run_scoped3A : memref<!tpu.dma_semaphore, #tpu.memory_space<semaphore_mem>>) src(%dma_wait3A_86 : memref<256xi32, #tpu.memory_space<hbm>>) dst(%arg5 : memref<256xi32, #tpu.memory_space<vmem>>)
      tpu.yield
    }) : () -> ()
    %dma_start3A = arith.constant 0 : i32
    %dma_start3A_5 = tpu.memref_slice %arg5[%dma_start3A] : memref<256xi32, #tpu.memory_space<vmem>> -> memref<64xi32, #tpu.memory_space<vmem>>
    %dma_start3A_6 = arith.constant 0 : i32
    %dma_start3A_7 = arith.constant 0 : i32
    %dma_start3A_8 = tpu.memref_slice %arg2[%dma_start3A_6, %dma_start3A_7] : memref<30522x768xf32, #tpu.memory_space<hbm>> -> memref<30522x768xf32, #tpu.memory_space<hbm>>
    tpu.enqueue_indirect_dma source(%dma_start3A_8 : memref<30522x768xf32, #tpu.memory_space<hbm>>) target(%arg6 : memref<64x768xf32, #tpu.memory_space<vmem>>) offsets(%dma_start3A_5 : memref<64xi32, #tpu.memory_space<vmem>>) semaphore(%arg8 : memref<!tpu.dma_semaphore, #tpu.memory_space<semaphore_mem>>)
    %dma_start3A_9 = arith.constant 64 : i32
    %dma_start3A_10 = tpu.memref_slice %arg5[%dma_start3A_9] : memref<256xi32, #tpu.memory_space<vmem>> -> memref<64xi32, #tpu.memory_space<vmem>>
    %dma_start3A_11 = arith.constant 0 : i32
    %dma_start3A_12 = arith.constant 0 : i32
    %dma_start3A_13 = tpu.memref_slice %arg2[%dma_start3A_11, %dma_start3A_12] : memref<30522x768xf32, #tpu.memory_space<hbm>> -> memref<30522x768xf32, #tpu.memory_space<hbm>>
    tpu.enqueue_indirect_dma source(%dma_start3A_13 : memref<30522x768xf32, #tpu.memory_space<hbm>>) target(%arg7 : memref<64x768xf32, #tpu.memory_space<vmem>>) offsets(%dma_start3A_10 : memref<64xi32, #tpu.memory_space<vmem>>) semaphore(%arg9 : memref<!tpu.dma_semaphore, #tpu.memory_space<semaphore_mem>>)
    %dma_wait3A = arith.constant 0 : i32
    %dma_wait3A_14 = tpu.memref_slice %arg5[%dma_wait3A] : memref<256xi32, #tpu.memory_space<vmem>> -> memref<64xi32, #tpu.memory_space<vmem>>
    %dma_wait3A_15 = arith.constant 0 : i32
    %dma_wait3A_16 = arith.constant 0 : i32
    %dma_wait3A_17 = tpu.memref_slice %arg2[%dma_wait3A_15, %dma_wait3A_16] : memref<30522x768xf32, #tpu.memory_space<hbm>> -> memref<30522x768xf32, #tpu.memory_space<hbm>>
    tpu.wait_indirect_dma semaphore(%arg8 : memref<!tpu.dma_semaphore, #tpu.memory_space<semaphore_mem>>) src(%dma_wait3A_17 : memref<30522x768xf32, #tpu.memory_space<hbm>>) dst(%arg6 : memref<64x768xf32, #tpu.memory_space<vmem>>)
    %add3A_18 = arith.constant 0 : i32
    %add3A_19 = arith.addi %mul3A_2, %add3A_18 : i32
    %dma_start3A_20 = arith.constant 0 : i32
    %dma_start3A_21 = tpu.memref_slice %arg4[%add3A_19, %dma_start3A_20] : memref<8192x768xf32, #tpu.memory_space<hbm>> -> memref<64x768xf32, #tpu.memory_space<hbm>>
    %dma_start3A_22 = arith.constant 0 : i32
    %dma_start3A_23 = tpu.memref_slice %arg4[%add3A_19, %dma_start3A_22] : memref<8192x768xf32, #tpu.memory_space<hbm>> -> memref<64x768xf32, #tpu.memory_space<hbm>>
    tpu.enqueue_dma source(%arg6 : memref<64x768xf32, #tpu.memory_space<vmem>>) target(%dma_start3A_23 : memref<64x768xf32, #tpu.memory_space<hbm>>) target_semaphore(%arg10 : memref<!tpu.dma_semaphore, #tpu.memory_space<semaphore_mem>>)
    %dma_wait3A_24 = arith.constant 0 : i32
    %dma_wait3A_25 = tpu.memref_slice %arg4[%add3A_19, %dma_wait3A_24] : memref<8192x768xf32, #tpu.memory_space<hbm>> -> memref<64x768xf32, #tpu.memory_space<hbm>>
    %dma_wait3A_26 = arith.constant 0 : i32
    %dma_wait3A_27 = tpu.memref_slice %arg4[%add3A_19, %dma_wait3A_26] : memref<8192x768xf32, #tpu.memory_space<hbm>> -> memref<64x768xf32, #tpu.memory_space<hbm>>
    tpu.wait_dma2 semaphore(%arg10 : memref<!tpu.dma_semaphore, #tpu.memory_space<semaphore_mem>>) src(%arg6 : memref<64x768xf32, #tpu.memory_space<vmem>>) dst(%dma_wait3A_27 : memref<64x768xf32, #tpu.memory_space<hbm>>)
    %dma_start3A_28 = arith.constant 128 : i32
    %dma_start3A_29 = tpu.memref_slice %arg5[%dma_start3A_28] : memref<256xi32, #tpu.memory_space<vmem>> -> memref<64xi32, #tpu.memory_space<vmem>>
    %dma_start3A_30 = arith.constant 0 : i32
    %dma_start3A_31 = arith.constant 0 : i32
    %dma_start3A_32 = tpu.memref_slice %arg2[%dma_start3A_30, %dma_start3A_31] : memref<30522x768xf32, #tpu.memory_space<hbm>> -> memref<30522x768xf32, #tpu.memory_space<hbm>>
    tpu.enqueue_indirect_dma source(%dma_start3A_32 : memref<30522x768xf32, #tpu.memory_space<hbm>>) target(%arg6 : memref<64x768xf32, #tpu.memory_space<vmem>>) offsets(%dma_start3A_29 : memref<64xi32, #tpu.memory_space<vmem>>) semaphore(%arg8 : memref<!tpu.dma_semaphore, #tpu.memory_space<semaphore_mem>>)
    %dma_wait3A_33 = arith.constant 64 : i32
    %dma_wait3A_34 = tpu.memref_slice %arg5[%dma_wait3A_33] : memref<256xi32, #tpu.memory_space<vmem>> -> memref<64xi32, #tpu.memory_space<vmem>>
    %dma_wait3A_35 = arith.constant 0 : i32
    %dma_wait3A_36 = arith.constant 0 : i32
    %dma_wait3A_37 = tpu.memref_slice %arg2[%dma_wait3A_35, %dma_wait3A_36] : memref<30522x768xf32, #tpu.memory_space<hbm>> -> memref<30522x768xf32, #tpu.memory_space<hbm>>
    tpu.wait_indirect_dma semaphore(%arg9 : memref<!tpu.dma_semaphore, #tpu.memory_space<semaphore_mem>>) src(%dma_wait3A_37 : memref<30522x768xf32, #tpu.memory_space<hbm>>) dst(%arg7 : memref<64x768xf32, #tpu.memory_space<vmem>>)
    %add3A_38 = arith.constant 64 : i32
    %add3A_39 = arith.addi %mul3A_2, %add3A_38 : i32
    %dma_start3A_40 = arith.constant 0 : i32
    %dma_start3A_41 = tpu.memref_slice %arg4[%add3A_39, %dma_start3A_40] : memref<8192x768xf32, #tpu.memory_space<hbm>> -> memref<64x768xf32, #tpu.memory_space<hbm>>
    %dma_start3A_42 = arith.constant 0 : i32
    %dma_start3A_43 = tpu.memref_slice %arg4[%add3A_39, %dma_start3A_42] : memref<8192x768xf32, #tpu.memory_space<hbm>> -> memref<64x768xf32, #tpu.memory_space<hbm>>
    tpu.enqueue_dma source(%arg7 : memref<64x768xf32, #tpu.memory_space<vmem>>) target(%dma_start3A_43 : memref<64x768xf32, #tpu.memory_space<hbm>>) target_semaphore(%arg11 : memref<!tpu.dma_semaphore, #tpu.memory_space<semaphore_mem>>)
    %dma_wait3A_44 = arith.constant 0 : i32
    %dma_wait3A_45 = tpu.memref_slice %arg4[%add3A_39, %dma_wait3A_44] : memref<8192x768xf32, #tpu.memory_space<hbm>> -> memref<64x768xf32, #tpu.memory_space<hbm>>
    %dma_wait3A_46 = arith.constant 0 : i32
    %dma_wait3A_47 = tpu.memref_slice %arg4[%add3A_39, %dma_wait3A_46] : memref<8192x768xf32, #tpu.memory_space<hbm>> -> memref<64x768xf32, #tpu.memory_space<hbm>>
    tpu.wait_dma2 semaphore(%arg11 : memref<!tpu.dma_semaphore, #tpu.memory_space<semaphore_mem>>) src(%arg7 : memref<64x768xf32, #tpu.memory_space<vmem>>) dst(%dma_wait3A_47 : memref<64x768xf32, #tpu.memory_space<hbm>>)
    %dma_start3A_48 = arith.constant 192 : i32
    %dma_start3A_49 = tpu.memref_slice %arg5[%dma_start3A_48] : memref<256xi32, #tpu.memory_space<vmem>> -> memref<64xi32, #tpu.memory_space<vmem>>
    %dma_start3A_50 = arith.constant 0 : i32
    %dma_start3A_51 = arith.constant 0 : i32
    %dma_start3A_52 = tpu.memref_slice %arg2[%dma_start3A_50, %dma_start3A_51] : memref<30522x768xf32, #tpu.memory_space<hbm>> -> memref<30522x768xf32, #tpu.memory_space<hbm>>
    tpu.enqueue_indirect_dma source(%dma_start3A_52 : memref<30522x768xf32, #tpu.memory_space<hbm>>) target(%arg7 : memref<64x768xf32, #tpu.memory_space<vmem>>) offsets(%dma_start3A_49 : memref<64xi32, #tpu.memory_space<vmem>>) semaphore(%arg9 : memref<!tpu.dma_semaphore, #tpu.memory_space<semaphore_mem>>)
    %dma_wait3A_53 = arith.constant 128 : i32
    %dma_wait3A_54 = tpu.memref_slice %arg5[%dma_wait3A_53] : memref<256xi32, #tpu.memory_space<vmem>> -> memref<64xi32, #tpu.memory_space<vmem>>
    %dma_wait3A_55 = arith.constant 0 : i32
    %dma_wait3A_56 = arith.constant 0 : i32
    %dma_wait3A_57 = tpu.memref_slice %arg2[%dma_wait3A_55, %dma_wait3A_56] : memref<30522x768xf32, #tpu.memory_space<hbm>> -> memref<30522x768xf32, #tpu.memory_space<hbm>>
    tpu.wait_indirect_dma semaphore(%arg8 : memref<!tpu.dma_semaphore, #tpu.memory_space<semaphore_mem>>) src(%dma_wait3A_57 : memref<30522x768xf32, #tpu.memory_space<hbm>>) dst(%arg6 : memref<64x768xf32, #tpu.memory_space<vmem>>)
    %add3A_58 = arith.constant 128 : i32
    %add3A_59 = arith.addi %mul3A_2, %add3A_58 : i32
    %dma_start3A_60 = arith.constant 0 : i32
    %dma_start3A_61 = tpu.memref_slice %arg4[%add3A_59, %dma_start3A_60] : memref<8192x768xf32, #tpu.memory_space<hbm>> -> memref<64x768xf32, #tpu.memory_space<hbm>>
    %dma_start3A_62 = arith.constant 0 : i32
    %dma_start3A_63 = tpu.memref_slice %arg4[%add3A_59, %dma_start3A_62] : memref<8192x768xf32, #tpu.memory_space<hbm>> -> memref<64x768xf32, #tpu.memory_space<hbm>>
    tpu.enqueue_dma source(%arg6 : memref<64x768xf32, #tpu.memory_space<vmem>>) target(%dma_start3A_63 : memref<64x768xf32, #tpu.memory_space<hbm>>) target_semaphore(%arg10 : memref<!tpu.dma_semaphore, #tpu.memory_space<semaphore_mem>>)
    %dma_wait3A_64 = arith.constant 192 : i32
    %dma_wait3A_65 = tpu.memref_slice %arg5[%dma_wait3A_64] : memref<256xi32, #tpu.memory_space<vmem>> -> memref<64xi32, #tpu.memory_space<vmem>>
    %dma_wait3A_66 = arith.constant 0 : i32
    %dma_wait3A_67 = arith.constant 0 : i32
    %dma_wait3A_68 = tpu.memref_slice %arg2[%dma_wait3A_66, %dma_wait3A_67] : memref<30522x768xf32, #tpu.memory_space<hbm>> -> memref<30522x768xf32, #tpu.memory_space<hbm>>
    tpu.wait_indirect_dma semaphore(%arg9 : memref<!tpu.dma_semaphore, #tpu.memory_space<semaphore_mem>>) src(%dma_wait3A_68 : memref<30522x768xf32, #tpu.memory_space<hbm>>) dst(%arg7 : memref<64x768xf32, #tpu.memory_space<vmem>>)
    %add3A_69 = arith.constant 192 : i32
    %add3A_70 = arith.addi %mul3A_2, %add3A_69 : i32
    %dma_start3A_71 = arith.constant 0 : i32
    %dma_start3A_72 = tpu.memref_slice %arg4[%add3A_70, %dma_start3A_71] : memref<8192x768xf32, #tpu.memory_space<hbm>> -> memref<64x768xf32, #tpu.memory_space<hbm>>
    %dma_start3A_73 = arith.constant 0 : i32
    %dma_start3A_74 = tpu.memref_slice %arg4[%add3A_70, %dma_start3A_73] : memref<8192x768xf32, #tpu.memory_space<hbm>> -> memref<64x768xf32, #tpu.memory_space<hbm>>
    tpu.enqueue_dma source(%arg7 : memref<64x768xf32, #tpu.memory_space<vmem>>) target(%dma_start3A_74 : memref<64x768xf32, #tpu.memory_space<hbm>>) target_semaphore(%arg11 : memref<!tpu.dma_semaphore, #tpu.memory_space<semaphore_mem>>)
    %dma_wait3A_75 = arith.constant 0 : i32
    %dma_wait3A_76 = tpu.memref_slice %arg4[%add3A_59, %dma_wait3A_75] : memref<8192x768xf32, #tpu.memory_space<hbm>> -> memref<64x768xf32, #tpu.memory_space<hbm>>
    %dma_wait3A_77 = arith.constant 0 : i32
    %dma_wait3A_78 = tpu.memref_slice %arg4[%add3A_59, %dma_wait3A_77] : memref<8192x768xf32, #tpu.memory_space<hbm>> -> memref<64x768xf32, #tpu.memory_space<hbm>>
    tpu.wait_dma2 semaphore(%arg10 : memref<!tpu.dma_semaphore, #tpu.memory_space<semaphore_mem>>) src(%arg6 : memref<64x768xf32, #tpu.memory_space<vmem>>) dst(%dma_wait3A_78 : memref<64x768xf32, #tpu.memory_space<hbm>>)
    %dma_wait3A_79 = arith.constant 0 : i32
    %dma_wait3A_80 = tpu.memref_slice %arg4[%add3A_70, %dma_wait3A_79] : memref<8192x768xf32, #tpu.memory_space<hbm>> -> memref<64x768xf32, #tpu.memory_space<hbm>>
    %dma_wait3A_81 = arith.constant 0 : i32
    %dma_wait3A_82 = tpu.memref_slice %arg4[%add3A_70, %dma_wait3A_81] : memref<8192x768xf32, #tpu.memory_space<hbm>> -> memref<64x768xf32, #tpu.memory_space<hbm>>
    tpu.wait_dma2 semaphore(%arg11 : memref<!tpu.dma_semaphore, #tpu.memory_space<semaphore_mem>>) src(%arg7 : memref<64x768xf32, #tpu.memory_space<vmem>>) dst(%dma_wait3A_82 : memref<64x768xf32, #tpu.memory_space<hbm>>)
    return
  }
}

#map = affine_map<(d0, d1) -> (0, 0)>
#map1 = affine_map<(d0, d1) -> (0)>
module attributes {stable_mosaic.version = 14 : i64} {
  func.func @k(%arg0: i32, %arg1: i32, %arg2: memref<30522x768xf32, #tpu.memory_space<hbm>>, %arg3: memref<2048xi32, #tpu.memory_space<hbm>>, %arg4: memref<2048x768xf32, #tpu.memory_space<hbm>>, %arg5: memref<64xi32, #tpu.memory_space<vmem>>, %arg6: memref<64x768xf32, #tpu.memory_space<vmem>>, %arg7: memref<!tpu.dma_semaphore, #tpu.memory_space<semaphore_mem>>, %arg8: memref<!tpu.dma_semaphore, #tpu.memory_space<semaphore_mem>>) attributes {dimension_semantics = [#tpu.dimension_semantics<core_parallel>, #tpu.dimension_semantics<subcore_parallel>], iteration_bounds = array<i64: 2, 16>, scalar_prefetch = 0 : i64, scratch_operands = 4 : i64, tpu.core_type = #tpu.core_type<sc_vector_subcore>, window_params = [{transform_indices = #map}, {transform_indices = #map1}, {transform_indices = #map}]} {
    %mul3A = arith.constant 2 : i32
    %mul3A_0 = arith.muli %arg1, %mul3A : i32
    %add3A = arith.addi %mul3A_0, %arg0 : i32
    %mul3A_1 = arith.constant 64 : i32
    %mul3A_2 = arith.muli %add3A, %mul3A_1 : i32
    %add3A_3 = arith.constant 0 : i32
    %add3A_4 = arith.addi %add3A_3, %mul3A_2 : i32
    "tpu.region"() ({
      %run_scoped3A = tpu.sem_alloc : memref<!tpu.dma_semaphore, #tpu.memory_space<semaphore_mem>>
      %dma_start3A_23 = tpu.memref_slice %arg3[%add3A_4] : memref<2048xi32, #tpu.memory_space<hbm>> -> memref<64xi32, #tpu.memory_space<hbm>>
      %dma_start3A_24 = tpu.memref_slice %arg3[%add3A_4] : memref<2048xi32, #tpu.memory_space<hbm>> -> memref<64xi32, #tpu.memory_space<hbm>>
      tpu.enqueue_dma source(%dma_start3A_24 : memref<64xi32, #tpu.memory_space<hbm>>) target(%arg5 : memref<64xi32, #tpu.memory_space<vmem>>) target_semaphore(%run_scoped3A : memref<!tpu.dma_semaphore, #tpu.memory_space<semaphore_mem>>)
      %dma_wait3A_25 = tpu.memref_slice %arg3[%add3A_4] : memref<2048xi32, #tpu.memory_space<hbm>> -> memref<64xi32, #tpu.memory_space<hbm>>
      %dma_wait3A_26 = tpu.memref_slice %arg3[%add3A_4] : memref<2048xi32, #tpu.memory_space<hbm>> -> memref<64xi32, #tpu.memory_space<hbm>>
      tpu.wait_dma2 semaphore(%run_scoped3A : memref<!tpu.dma_semaphore, #tpu.memory_space<semaphore_mem>>) src(%dma_wait3A_26 : memref<64xi32, #tpu.memory_space<hbm>>) dst(%arg5 : memref<64xi32, #tpu.memory_space<vmem>>)
      tpu.yield
    }) : () -> ()
    %dma_start3A = arith.constant 0 : i32
    %dma_start3A_5 = tpu.memref_slice %arg5[%dma_start3A] : memref<64xi32, #tpu.memory_space<vmem>> -> memref<64xi32, #tpu.memory_space<vmem>>
    %dma_start3A_6 = arith.constant 0 : i32
    %dma_start3A_7 = arith.constant 0 : i32
    %dma_start3A_8 = tpu.memref_slice %arg2[%dma_start3A_6, %dma_start3A_7] : memref<30522x768xf32, #tpu.memory_space<hbm>> -> memref<30522x768xf32, #tpu.memory_space<hbm>>
    tpu.enqueue_indirect_dma source(%dma_start3A_8 : memref<30522x768xf32, #tpu.memory_space<hbm>>) target(%arg6 : memref<64x768xf32, #tpu.memory_space<vmem>>) offsets(%dma_start3A_5 : memref<64xi32, #tpu.memory_space<vmem>>) semaphore(%arg7 : memref<!tpu.dma_semaphore, #tpu.memory_space<semaphore_mem>>)
    %dma_wait3A = arith.constant 0 : i32
    %dma_wait3A_9 = tpu.memref_slice %arg5[%dma_wait3A] : memref<64xi32, #tpu.memory_space<vmem>> -> memref<64xi32, #tpu.memory_space<vmem>>
    %dma_wait3A_10 = arith.constant 0 : i32
    %dma_wait3A_11 = arith.constant 0 : i32
    %dma_wait3A_12 = tpu.memref_slice %arg2[%dma_wait3A_10, %dma_wait3A_11] : memref<30522x768xf32, #tpu.memory_space<hbm>> -> memref<30522x768xf32, #tpu.memory_space<hbm>>
    tpu.wait_indirect_dma semaphore(%arg7 : memref<!tpu.dma_semaphore, #tpu.memory_space<semaphore_mem>>) src(%dma_wait3A_12 : memref<30522x768xf32, #tpu.memory_space<hbm>>) dst(%arg6 : memref<64x768xf32, #tpu.memory_space<vmem>>)
    %add3A_13 = arith.constant 0 : i32
    %add3A_14 = arith.addi %mul3A_2, %add3A_13 : i32
    %dma_start3A_15 = arith.constant 0 : i32
    %dma_start3A_16 = tpu.memref_slice %arg4[%add3A_14, %dma_start3A_15] : memref<2048x768xf32, #tpu.memory_space<hbm>> -> memref<64x768xf32, #tpu.memory_space<hbm>>
    %dma_start3A_17 = arith.constant 0 : i32
    %dma_start3A_18 = tpu.memref_slice %arg4[%add3A_14, %dma_start3A_17] : memref<2048x768xf32, #tpu.memory_space<hbm>> -> memref<64x768xf32, #tpu.memory_space<hbm>>
    tpu.enqueue_dma source(%arg6 : memref<64x768xf32, #tpu.memory_space<vmem>>) target(%dma_start3A_18 : memref<64x768xf32, #tpu.memory_space<hbm>>) target_semaphore(%arg8 : memref<!tpu.dma_semaphore, #tpu.memory_space<semaphore_mem>>)
    %dma_wait3A_19 = arith.constant 0 : i32
    %dma_wait3A_20 = tpu.memref_slice %arg4[%add3A_14, %dma_wait3A_19] : memref<2048x768xf32, #tpu.memory_space<hbm>> -> memref<64x768xf32, #tpu.memory_space<hbm>>
    %dma_wait3A_21 = arith.constant 0 : i32
    %dma_wait3A_22 = tpu.memref_slice %arg4[%add3A_14, %dma_wait3A_21] : memref<2048x768xf32, #tpu.memory_space<hbm>> -> memref<64x768xf32, #tpu.memory_space<hbm>>
    tpu.wait_dma2 semaphore(%arg8 : memref<!tpu.dma_semaphore, #tpu.memory_space<semaphore_mem>>) src(%arg6 : memref<64x768xf32, #tpu.memory_space<vmem>>) dst(%dma_wait3A_22 : memref<64x768xf32, #tpu.memory_space<hbm>>)
    return
  }
}

#map = affine_map<(d0, d1) -> (0, 0)>
#map1 = affine_map<(d0, d1) -> (0)>
module attributes {stable_mosaic.version = 14 : i64} {
  func.func @k(%arg0: i32, %arg1: i32, %arg2: memref<30522x768xf32, #tpu.memory_space<hbm>>, %arg3: memref<7680xi32, #tpu.memory_space<hbm>>, %arg4: memref<2560x768xf32, #tpu.memory_space<hbm>>, %arg5: memref<80xi32, #tpu.memory_space<vmem>>, %arg6: memref<40x768xf32, #tpu.memory_space<vmem>>, %arg7: memref<40x768xf32, #tpu.memory_space<vmem>>, %arg8: memref<!tpu.dma_semaphore, #tpu.memory_space<semaphore_mem>>, %arg9: memref<!tpu.dma_semaphore, #tpu.memory_space<semaphore_mem>>, %arg10: memref<!tpu.dma_semaphore, #tpu.memory_space<semaphore_mem>>, %arg11: memref<!tpu.dma_semaphore, #tpu.memory_space<semaphore_mem>>) attributes {dimension_semantics = [#tpu.dimension_semantics<core_parallel>, #tpu.dimension_semantics<subcore_parallel>], iteration_bounds = array<i64: 2, 16>, scalar_prefetch = 0 : i64, scratch_operands = 7 : i64, tpu.core_type = #tpu.core_type<sc_vector_subcore>, window_params = [{transform_indices = #map}, {transform_indices = #map1}, {transform_indices = #map}]} {
    %mul3A = arith.constant 2 : i32
    %mul3A_0 = arith.muli %arg1, %mul3A : i32
    %add3A = arith.addi %mul3A_0, %arg0 : i32
    %mul3A_1 = arith.constant 80 : i32
    %mul3A_2 = arith.muli %add3A, %mul3A_1 : i32
    %add3A_3 = arith.constant 0 : i32
    %add3A_4 = arith.addi %add3A_3, %mul3A_2 : i32
    "tpu.region"() ({
      %run_scoped3A = tpu.sem_alloc : memref<!tpu.dma_semaphore, #tpu.memory_space<semaphore_mem>>
      %dma_start3A_43 = tpu.memref_slice %arg3[%add3A_4] : memref<7680xi32, #tpu.memory_space<hbm>> -> memref<80xi32, #tpu.memory_space<hbm>>
      %dma_start3A_44 = tpu.memref_slice %arg3[%add3A_4] : memref<7680xi32, #tpu.memory_space<hbm>> -> memref<80xi32, #tpu.memory_space<hbm>>
      tpu.enqueue_dma source(%dma_start3A_44 : memref<80xi32, #tpu.memory_space<hbm>>) target(%arg5 : memref<80xi32, #tpu.memory_space<vmem>>) target_semaphore(%run_scoped3A : memref<!tpu.dma_semaphore, #tpu.memory_space<semaphore_mem>>)
      %dma_wait3A_45 = tpu.memref_slice %arg3[%add3A_4] : memref<7680xi32, #tpu.memory_space<hbm>> -> memref<80xi32, #tpu.memory_space<hbm>>
      %dma_wait3A_46 = tpu.memref_slice %arg3[%add3A_4] : memref<7680xi32, #tpu.memory_space<hbm>> -> memref<80xi32, #tpu.memory_space<hbm>>
      tpu.wait_dma2 semaphore(%run_scoped3A : memref<!tpu.dma_semaphore, #tpu.memory_space<semaphore_mem>>) src(%dma_wait3A_46 : memref<80xi32, #tpu.memory_space<hbm>>) dst(%arg5 : memref<80xi32, #tpu.memory_space<vmem>>)
      tpu.yield
    }) : () -> ()
    %dma_start3A = arith.constant 0 : i32
    %dma_start3A_5 = tpu.memref_slice %arg5[%dma_start3A] : memref<80xi32, #tpu.memory_space<vmem>> -> memref<40xi32, #tpu.memory_space<vmem>>
    %dma_start3A_6 = arith.constant 0 : i32
    %dma_start3A_7 = arith.constant 0 : i32
    %dma_start3A_8 = tpu.memref_slice %arg2[%dma_start3A_6, %dma_start3A_7] : memref<30522x768xf32, #tpu.memory_space<hbm>> -> memref<30522x768xf32, #tpu.memory_space<hbm>>
    tpu.enqueue_indirect_dma source(%dma_start3A_8 : memref<30522x768xf32, #tpu.memory_space<hbm>>) target(%arg6 : memref<40x768xf32, #tpu.memory_space<vmem>>) offsets(%dma_start3A_5 : memref<40xi32, #tpu.memory_space<vmem>>) semaphore(%arg8 : memref<!tpu.dma_semaphore, #tpu.memory_space<semaphore_mem>>)
    %dma_start3A_9 = arith.constant 40 : i32
    %dma_start3A_10 = tpu.memref_slice %arg5[%dma_start3A_9] : memref<80xi32, #tpu.memory_space<vmem>> -> memref<40xi32, #tpu.memory_space<vmem>>
    %dma_start3A_11 = arith.constant 0 : i32
    %dma_start3A_12 = arith.constant 0 : i32
    %dma_start3A_13 = tpu.memref_slice %arg2[%dma_start3A_11, %dma_start3A_12] : memref<30522x768xf32, #tpu.memory_space<hbm>> -> memref<30522x768xf32, #tpu.memory_space<hbm>>
    tpu.enqueue_indirect_dma source(%dma_start3A_13 : memref<30522x768xf32, #tpu.memory_space<hbm>>) target(%arg7 : memref<40x768xf32, #tpu.memory_space<vmem>>) offsets(%dma_start3A_10 : memref<40xi32, #tpu.memory_space<vmem>>) semaphore(%arg9 : memref<!tpu.dma_semaphore, #tpu.memory_space<semaphore_mem>>)
    %dma_wait3A = arith.constant 0 : i32
    %dma_wait3A_14 = tpu.memref_slice %arg5[%dma_wait3A] : memref<80xi32, #tpu.memory_space<vmem>> -> memref<40xi32, #tpu.memory_space<vmem>>
    %dma_wait3A_15 = arith.constant 0 : i32
    %dma_wait3A_16 = arith.constant 0 : i32
    %dma_wait3A_17 = tpu.memref_slice %arg2[%dma_wait3A_15, %dma_wait3A_16] : memref<30522x768xf32, #tpu.memory_space<hbm>> -> memref<30522x768xf32, #tpu.memory_space<hbm>>
    tpu.wait_indirect_dma semaphore(%arg8 : memref<!tpu.dma_semaphore, #tpu.memory_space<semaphore_mem>>) src(%dma_wait3A_17 : memref<30522x768xf32, #tpu.memory_space<hbm>>) dst(%arg6 : memref<40x768xf32, #tpu.memory_space<vmem>>)
    %add3A_18 = arith.constant 0 : i32
    %add3A_19 = arith.addi %mul3A_2, %add3A_18 : i32
    %dma_start3A_20 = arith.constant 0 : i32
    %dma_start3A_21 = tpu.memref_slice %arg4[%add3A_19, %dma_start3A_20] : memref<2560x768xf32, #tpu.memory_space<hbm>> -> memref<40x768xf32, #tpu.memory_space<hbm>>
    %dma_start3A_22 = arith.constant 0 : i32
    %dma_start3A_23 = tpu.memref_slice %arg4[%add3A_19, %dma_start3A_22] : memref<2560x768xf32, #tpu.memory_space<hbm>> -> memref<40x768xf32, #tpu.memory_space<hbm>>
    tpu.enqueue_dma source(%arg6 : memref<40x768xf32, #tpu.memory_space<vmem>>) target(%dma_start3A_23 : memref<40x768xf32, #tpu.memory_space<hbm>>) target_semaphore(%arg10 : memref<!tpu.dma_semaphore, #tpu.memory_space<semaphore_mem>>)
    %dma_wait3A_24 = arith.constant 40 : i32
    %dma_wait3A_25 = tpu.memref_slice %arg5[%dma_wait3A_24] : memref<80xi32, #tpu.memory_space<vmem>> -> memref<40xi32, #tpu.memory_space<vmem>>
    %dma_wait3A_26 = arith.constant 0 : i32
    %dma_wait3A_27 = arith.constant 0 : i32
    %dma_wait3A_28 = tpu.memref_slice %arg2[%dma_wait3A_26, %dma_wait3A_27] : memref<30522x768xf32, #tpu.memory_space<hbm>> -> memref<30522x768xf32, #tpu.memory_space<hbm>>
    tpu.wait_indirect_dma semaphore(%arg9 : memref<!tpu.dma_semaphore, #tpu.memory_space<semaphore_mem>>) src(%dma_wait3A_28 : memref<30522x768xf32, #tpu.memory_space<hbm>>) dst(%arg7 : memref<40x768xf32, #tpu.memory_space<vmem>>)
    %add3A_29 = arith.constant 40 : i32
    %add3A_30 = arith.addi %mul3A_2, %add3A_29 : i32
    %dma_start3A_31 = arith.constant 0 : i32
    %dma_start3A_32 = tpu.memref_slice %arg4[%add3A_30, %dma_start3A_31] : memref<2560x768xf32, #tpu.memory_space<hbm>> -> memref<40x768xf32, #tpu.memory_space<hbm>>
    %dma_start3A_33 = arith.constant 0 : i32
    %dma_start3A_34 = tpu.memref_slice %arg4[%add3A_30, %dma_start3A_33] : memref<2560x768xf32, #tpu.memory_space<hbm>> -> memref<40x768xf32, #tpu.memory_space<hbm>>
    tpu.enqueue_dma source(%arg7 : memref<40x768xf32, #tpu.memory_space<vmem>>) target(%dma_start3A_34 : memref<40x768xf32, #tpu.memory_space<hbm>>) target_semaphore(%arg11 : memref<!tpu.dma_semaphore, #tpu.memory_space<semaphore_mem>>)
    %dma_wait3A_35 = arith.constant 0 : i32
    %dma_wait3A_36 = tpu.memref_slice %arg4[%add3A_19, %dma_wait3A_35] : memref<2560x768xf32, #tpu.memory_space<hbm>> -> memref<40x768xf32, #tpu.memory_space<hbm>>
    %dma_wait3A_37 = arith.constant 0 : i32
    %dma_wait3A_38 = tpu.memref_slice %arg4[%add3A_19, %dma_wait3A_37] : memref<2560x768xf32, #tpu.memory_space<hbm>> -> memref<40x768xf32, #tpu.memory_space<hbm>>
    tpu.wait_dma2 semaphore(%arg10 : memref<!tpu.dma_semaphore, #tpu.memory_space<semaphore_mem>>) src(%arg6 : memref<40x768xf32, #tpu.memory_space<vmem>>) dst(%dma_wait3A_38 : memref<40x768xf32, #tpu.memory_space<hbm>>)
    %dma_wait3A_39 = arith.constant 0 : i32
    %dma_wait3A_40 = tpu.memref_slice %arg4[%add3A_30, %dma_wait3A_39] : memref<2560x768xf32, #tpu.memory_space<hbm>> -> memref<40x768xf32, #tpu.memory_space<hbm>>
    %dma_wait3A_41 = arith.constant 0 : i32
    %dma_wait3A_42 = tpu.memref_slice %arg4[%add3A_30, %dma_wait3A_41] : memref<2560x768xf32, #tpu.memory_space<hbm>> -> memref<40x768xf32, #tpu.memory_space<hbm>>
    tpu.wait_dma2 semaphore(%arg11 : memref<!tpu.dma_semaphore, #tpu.memory_space<semaphore_mem>>) src(%arg7 : memref<40x768xf32, #tpu.memory_space<vmem>>) dst(%dma_wait3A_42 : memref<40x768xf32, #tpu.memory_space<hbm>>)
    return
  }
}

#map = affine_map<(d0, d1) -> (0, 0)>
#map1 = affine_map<(d0, d1) -> (0)>
module attributes {stable_mosaic.version = 14 : i64} {
  func.func @k(%arg0: i32, %arg1: i32, %arg2: memref<30522x768xf32, #tpu.memory_space<hbm>>, %arg3: memref<16384xi32, #tpu.memory_space<hbm>>, %arg4: memref<8192x768xf32, #tpu.memory_space<hbm>>, %arg5: memref<256xi32, #tpu.memory_space<vmem>>, %arg6: memref<64x768xf32, #tpu.memory_space<vmem>>, %arg7: memref<64x768xf32, #tpu.memory_space<vmem>>, %arg8: memref<!tpu.dma_semaphore, #tpu.memory_space<semaphore_mem>>, %arg9: memref<!tpu.dma_semaphore, #tpu.memory_space<semaphore_mem>>, %arg10: memref<!tpu.dma_semaphore, #tpu.memory_space<semaphore_mem>>, %arg11: memref<!tpu.dma_semaphore, #tpu.memory_space<semaphore_mem>>) attributes {dimension_semantics = [#tpu.dimension_semantics<core_parallel>, #tpu.dimension_semantics<subcore_parallel>], iteration_bounds = array<i64: 2, 16>, scalar_prefetch = 0 : i64, scratch_operands = 7 : i64, tpu.core_type = #tpu.core_type<sc_vector_subcore>, window_params = [{transform_indices = #map}, {transform_indices = #map1}, {transform_indices = #map}]} {
    %mul3A = arith.constant 2 : i32
    %mul3A_0 = arith.muli %arg1, %mul3A : i32
    %add3A = arith.addi %mul3A_0, %arg0 : i32
    %mul3A_1 = arith.constant 256 : i32
    %mul3A_2 = arith.muli %add3A, %mul3A_1 : i32
    %add3A_3 = arith.constant 0 : i32
    %add3A_4 = arith.addi %add3A_3, %mul3A_2 : i32
    "tpu.region"() ({
      %run_scoped3A = tpu.sem_alloc : memref<!tpu.dma_semaphore, #tpu.memory_space<semaphore_mem>>
      %dma_start3A_83 = tpu.memref_slice %arg3[%add3A_4] : memref<16384xi32, #tpu.memory_space<hbm>> -> memref<256xi32, #tpu.memory_space<hbm>>
      %dma_start3A_84 = tpu.memref_slice %arg3[%add3A_4] : memref<16384xi32, #tpu.memory_space<hbm>> -> memref<256xi32, #tpu.memory_space<hbm>>
      tpu.enqueue_dma source(%dma_start3A_84 : memref<256xi32, #tpu.memory_space<hbm>>) target(%arg5 : memref<256xi32, #tpu.memory_space<vmem>>) target_semaphore(%run_scoped3A : memref<!tpu.dma_semaphore, #tpu.memory_space<semaphore_mem>>)
      %dma_wait3A_85 = tpu.memref_slice %arg3[%add3A_4] : memref<16384xi32, #tpu.memory_space<hbm>> -> memref<256xi32, #tpu.memory_space<hbm>>
      %dma_wait3A_86 = tpu.memref_slice %arg3[%add3A_4] : memref<16384xi32, #tpu.memory_space<hbm>> -> memref<256xi32, #tpu.memory_space<hbm>>
      tpu.wait_dma2 semaphore(%run_scoped3A : memref<!tpu.dma_semaphore, #tpu.memory_space<semaphore_mem>>) src(%dma_wait3A_86 : memref<256xi32, #tpu.memory_space<hbm>>) dst(%arg5 : memref<256xi32, #tpu.memory_space<vmem>>)
      tpu.yield
    }) : () -> ()
    %dma_start3A = arith.constant 0 : i32
    %dma_start3A_5 = tpu.memref_slice %arg5[%dma_start3A] : memref<256xi32, #tpu.memory_space<vmem>> -> memref<64xi32, #tpu.memory_space<vmem>>
    %dma_start3A_6 = arith.constant 0 : i32
    %dma_start3A_7 = arith.constant 0 : i32
    %dma_start3A_8 = tpu.memref_slice %arg2[%dma_start3A_6, %dma_start3A_7] : memref<30522x768xf32, #tpu.memory_space<hbm>> -> memref<30522x768xf32, #tpu.memory_space<hbm>>
    tpu.enqueue_indirect_dma source(%dma_start3A_8 : memref<30522x768xf32, #tpu.memory_space<hbm>>) target(%arg6 : memref<64x768xf32, #tpu.memory_space<vmem>>) offsets(%dma_start3A_5 : memref<64xi32, #tpu.memory_space<vmem>>) semaphore(%arg8 : memref<!tpu.dma_semaphore, #tpu.memory_space<semaphore_mem>>)
    %dma_start3A_9 = arith.constant 64 : i32
    %dma_start3A_10 = tpu.memref_slice %arg5[%dma_start3A_9] : memref<256xi32, #tpu.memory_space<vmem>> -> memref<64xi32, #tpu.memory_space<vmem>>
    %dma_start3A_11 = arith.constant 0 : i32
    %dma_start3A_12 = arith.constant 0 : i32
    %dma_start3A_13 = tpu.memref_slice %arg2[%dma_start3A_11, %dma_start3A_12] : memref<30522x768xf32, #tpu.memory_space<hbm>> -> memref<30522x768xf32, #tpu.memory_space<hbm>>
    tpu.enqueue_indirect_dma source(%dma_start3A_13 : memref<30522x768xf32, #tpu.memory_space<hbm>>) target(%arg7 : memref<64x768xf32, #tpu.memory_space<vmem>>) offsets(%dma_start3A_10 : memref<64xi32, #tpu.memory_space<vmem>>) semaphore(%arg9 : memref<!tpu.dma_semaphore, #tpu.memory_space<semaphore_mem>>)
    %dma_wait3A = arith.constant 0 : i32
    %dma_wait3A_14 = tpu.memref_slice %arg5[%dma_wait3A] : memref<256xi32, #tpu.memory_space<vmem>> -> memref<64xi32, #tpu.memory_space<vmem>>
    %dma_wait3A_15 = arith.constant 0 : i32
    %dma_wait3A_16 = arith.constant 0 : i32
    %dma_wait3A_17 = tpu.memref_slice %arg2[%dma_wait3A_15, %dma_wait3A_16] : memref<30522x768xf32, #tpu.memory_space<hbm>> -> memref<30522x768xf32, #tpu.memory_space<hbm>>
    tpu.wait_indirect_dma semaphore(%arg8 : memref<!tpu.dma_semaphore, #tpu.memory_space<semaphore_mem>>) src(%dma_wait3A_17 : memref<30522x768xf32, #tpu.memory_space<hbm>>) dst(%arg6 : memref<64x768xf32, #tpu.memory_space<vmem>>)
    %add3A_18 = arith.constant 0 : i32
    %add3A_19 = arith.addi %mul3A_2, %add3A_18 : i32
    %dma_start3A_20 = arith.constant 0 : i32
    %dma_start3A_21 = tpu.memref_slice %arg4[%add3A_19, %dma_start3A_20] : memref<8192x768xf32, #tpu.memory_space<hbm>> -> memref<64x768xf32, #tpu.memory_space<hbm>>
    %dma_start3A_22 = arith.constant 0 : i32
    %dma_start3A_23 = tpu.memref_slice %arg4[%add3A_19, %dma_start3A_22] : memref<8192x768xf32, #tpu.memory_space<hbm>> -> memref<64x768xf32, #tpu.memory_space<hbm>>
    tpu.enqueue_dma source(%arg6 : memref<64x768xf32, #tpu.memory_space<vmem>>) target(%dma_start3A_23 : memref<64x768xf32, #tpu.memory_space<hbm>>) target_semaphore(%arg10 : memref<!tpu.dma_semaphore, #tpu.memory_space<semaphore_mem>>)
    %dma_wait3A_24 = arith.constant 0 : i32
    %dma_wait3A_25 = tpu.memref_slice %arg4[%add3A_19, %dma_wait3A_24] : memref<8192x768xf32, #tpu.memory_space<hbm>> -> memref<64x768xf32, #tpu.memory_space<hbm>>
    %dma_wait3A_26 = arith.constant 0 : i32
    %dma_wait3A_27 = tpu.memref_slice %arg4[%add3A_19, %dma_wait3A_26] : memref<8192x768xf32, #tpu.memory_space<hbm>> -> memref<64x768xf32, #tpu.memory_space<hbm>>
    tpu.wait_dma2 semaphore(%arg10 : memref<!tpu.dma_semaphore, #tpu.memory_space<semaphore_mem>>) src(%arg6 : memref<64x768xf32, #tpu.memory_space<vmem>>) dst(%dma_wait3A_27 : memref<64x768xf32, #tpu.memory_space<hbm>>)
    %dma_start3A_28 = arith.constant 128 : i32
    %dma_start3A_29 = tpu.memref_slice %arg5[%dma_start3A_28] : memref<256xi32, #tpu.memory_space<vmem>> -> memref<64xi32, #tpu.memory_space<vmem>>
    %dma_start3A_30 = arith.constant 0 : i32
    %dma_start3A_31 = arith.constant 0 : i32
    %dma_start3A_32 = tpu.memref_slice %arg2[%dma_start3A_30, %dma_start3A_31] : memref<30522x768xf32, #tpu.memory_space<hbm>> -> memref<30522x768xf32, #tpu.memory_space<hbm>>
    tpu.enqueue_indirect_dma source(%dma_start3A_32 : memref<30522x768xf32, #tpu.memory_space<hbm>>) target(%arg6 : memref<64x768xf32, #tpu.memory_space<vmem>>) offsets(%dma_start3A_29 : memref<64xi32, #tpu.memory_space<vmem>>) semaphore(%arg8 : memref<!tpu.dma_semaphore, #tpu.memory_space<semaphore_mem>>)
    %dma_wait3A_33 = arith.constant 64 : i32
    %dma_wait3A_34 = tpu.memref_slice %arg5[%dma_wait3A_33] : memref<256xi32, #tpu.memory_space<vmem>> -> memref<64xi32, #tpu.memory_space<vmem>>
    %dma_wait3A_35 = arith.constant 0 : i32
    %dma_wait3A_36 = arith.constant 0 : i32
    %dma_wait3A_37 = tpu.memref_slice %arg2[%dma_wait3A_35, %dma_wait3A_36] : memref<30522x768xf32, #tpu.memory_space<hbm>> -> memref<30522x768xf32, #tpu.memory_space<hbm>>
    tpu.wait_indirect_dma semaphore(%arg9 : memref<!tpu.dma_semaphore, #tpu.memory_space<semaphore_mem>>) src(%dma_wait3A_37 : memref<30522x768xf32, #tpu.memory_space<hbm>>) dst(%arg7 : memref<64x768xf32, #tpu.memory_space<vmem>>)
    %add3A_38 = arith.constant 64 : i32
    %add3A_39 = arith.addi %mul3A_2, %add3A_38 : i32
    %dma_start3A_40 = arith.constant 0 : i32
    %dma_start3A_41 = tpu.memref_slice %arg4[%add3A_39, %dma_start3A_40] : memref<8192x768xf32, #tpu.memory_space<hbm>> -> memref<64x768xf32, #tpu.memory_space<hbm>>
    %dma_start3A_42 = arith.constant 0 : i32
    %dma_start3A_43 = tpu.memref_slice %arg4[%add3A_39, %dma_start3A_42] : memref<8192x768xf32, #tpu.memory_space<hbm>> -> memref<64x768xf32, #tpu.memory_space<hbm>>
    tpu.enqueue_dma source(%arg7 : memref<64x768xf32, #tpu.memory_space<vmem>>) target(%dma_start3A_43 : memref<64x768xf32, #tpu.memory_space<hbm>>) target_semaphore(%arg11 : memref<!tpu.dma_semaphore, #tpu.memory_space<semaphore_mem>>)
    %dma_wait3A_44 = arith.constant 0 : i32
    %dma_wait3A_45 = tpu.memref_slice %arg4[%add3A_39, %dma_wait3A_44] : memref<8192x768xf32, #tpu.memory_space<hbm>> -> memref<64x768xf32, #tpu.memory_space<hbm>>
    %dma_wait3A_46 = arith.constant 0 : i32
    %dma_wait3A_47 = tpu.memref_slice %arg4[%add3A_39, %dma_wait3A_46] : memref<8192x768xf32, #tpu.memory_space<hbm>> -> memref<64x768xf32, #tpu.memory_space<hbm>>
    tpu.wait_dma2 semaphore(%arg11 : memref<!tpu.dma_semaphore, #tpu.memory_space<semaphore_mem>>) src(%arg7 : memref<64x768xf32, #tpu.memory_space<vmem>>) dst(%dma_wait3A_47 : memref<64x768xf32, #tpu.memory_space<hbm>>)
    %dma_start3A_48 = arith.constant 192 : i32
    %dma_start3A_49 = tpu.memref_slice %arg5[%dma_start3A_48] : memref<256xi32, #tpu.memory_space<vmem>> -> memref<64xi32, #tpu.memory_space<vmem>>
    %dma_start3A_50 = arith.constant 0 : i32
    %dma_start3A_51 = arith.constant 0 : i32
    %dma_start3A_52 = tpu.memref_slice %arg2[%dma_start3A_50, %dma_start3A_51] : memref<30522x768xf32, #tpu.memory_space<hbm>> -> memref<30522x768xf32, #tpu.memory_space<hbm>>
    tpu.enqueue_indirect_dma source(%dma_start3A_52 : memref<30522x768xf32, #tpu.memory_space<hbm>>) target(%arg7 : memref<64x768xf32, #tpu.memory_space<vmem>>) offsets(%dma_start3A_49 : memref<64xi32, #tpu.memory_space<vmem>>) semaphore(%arg9 : memref<!tpu.dma_semaphore, #tpu.memory_space<semaphore_mem>>)
    %dma_wait3A_53 = arith.constant 128 : i32
    %dma_wait3A_54 = tpu.memref_slice %arg5[%dma_wait3A_53] : memref<256xi32, #tpu.memory_space<vmem>> -> memref<64xi32, #tpu.memory_space<vmem>>
    %dma_wait3A_55 = arith.constant 0 : i32
    %dma_wait3A_56 = arith.constant 0 : i32
    %dma_wait3A_57 = tpu.memref_slice %arg2[%dma_wait3A_55, %dma_wait3A_56] : memref<30522x768xf32, #tpu.memory_space<hbm>> -> memref<30522x768xf32, #tpu.memory_space<hbm>>
    tpu.wait_indirect_dma semaphore(%arg8 : memref<!tpu.dma_semaphore, #tpu.memory_space<semaphore_mem>>) src(%dma_wait3A_57 : memref<30522x768xf32, #tpu.memory_space<hbm>>) dst(%arg6 : memref<64x768xf32, #tpu.memory_space<vmem>>)
    %add3A_58 = arith.constant 128 : i32
    %add3A_59 = arith.addi %mul3A_2, %add3A_58 : i32
    %dma_start3A_60 = arith.constant 0 : i32
    %dma_start3A_61 = tpu.memref_slice %arg4[%add3A_59, %dma_start3A_60] : memref<8192x768xf32, #tpu.memory_space<hbm>> -> memref<64x768xf32, #tpu.memory_space<hbm>>
    %dma_start3A_62 = arith.constant 0 : i32
    %dma_start3A_63 = tpu.memref_slice %arg4[%add3A_59, %dma_start3A_62] : memref<8192x768xf32, #tpu.memory_space<hbm>> -> memref<64x768xf32, #tpu.memory_space<hbm>>
    tpu.enqueue_dma source(%arg6 : memref<64x768xf32, #tpu.memory_space<vmem>>) target(%dma_start3A_63 : memref<64x768xf32, #tpu.memory_space<hbm>>) target_semaphore(%arg10 : memref<!tpu.dma_semaphore, #tpu.memory_space<semaphore_mem>>)
    %dma_wait3A_64 = arith.constant 192 : i32
    %dma_wait3A_65 = tpu.memref_slice %arg5[%dma_wait3A_64] : memref<256xi32, #tpu.memory_space<vmem>> -> memref<64xi32, #tpu.memory_space<vmem>>
    %dma_wait3A_66 = arith.constant 0 : i32
    %dma_wait3A_67 = arith.constant 0 : i32
    %dma_wait3A_68 = tpu.memref_slice %arg2[%dma_wait3A_66, %dma_wait3A_67] : memref<30522x768xf32, #tpu.memory_space<hbm>> -> memref<30522x768xf32, #tpu.memory_space<hbm>>
    tpu.wait_indirect_dma semaphore(%arg9 : memref<!tpu.dma_semaphore, #tpu.memory_space<semaphore_mem>>) src(%dma_wait3A_68 : memref<30522x768xf32, #tpu.memory_space<hbm>>) dst(%arg7 : memref<64x768xf32, #tpu.memory_space<vmem>>)
    %add3A_69 = arith.constant 192 : i32
    %add3A_70 = arith.addi %mul3A_2, %add3A_69 : i32
    %dma_start3A_71 = arith.constant 0 : i32
    %dma_start3A_72 = tpu.memref_slice %arg4[%add3A_70, %dma_start3A_71] : memref<8192x768xf32, #tpu.memory_space<hbm>> -> memref<64x768xf32, #tpu.memory_space<hbm>>
    %dma_start3A_73 = arith.constant 0 : i32
    %dma_start3A_74 = tpu.memref_slice %arg4[%add3A_70, %dma_start3A_73] : memref<8192x768xf32, #tpu.memory_space<hbm>> -> memref<64x768xf32, #tpu.memory_space<hbm>>
    tpu.enqueue_dma source(%arg7 : memref<64x768xf32, #tpu.memory_space<vmem>>) target(%dma_start3A_74 : memref<64x768xf32, #tpu.memory_space<hbm>>) target_semaphore(%arg11 : memref<!tpu.dma_semaphore, #tpu.memory_space<semaphore_mem>>)
    %dma_wait3A_75 = arith.constant 0 : i32
    %dma_wait3A_76 = tpu.memref_slice %arg4[%add3A_59, %dma_wait3A_75] : memref<8192x768xf32, #tpu.memory_space<hbm>> -> memref<64x768xf32, #tpu.memory_space<hbm>>
    %dma_wait3A_77 = arith.constant 0 : i32
    %dma_wait3A_78 = tpu.memref_slice %arg4[%add3A_59, %dma_wait3A_77] : memref<8192x768xf32, #tpu.memory_space<hbm>> -> memref<64x768xf32, #tpu.memory_space<hbm>>
    tpu.wait_dma2 semaphore(%arg10 : memref<!tpu.dma_semaphore, #tpu.memory_space<semaphore_mem>>) src(%arg6 : memref<64x768xf32, #tpu.memory_space<vmem>>) dst(%dma_wait3A_78 : memref<64x768xf32, #tpu.memory_space<hbm>>)
    %dma_wait3A_79 = arith.constant 0 : i32
    %dma_wait3A_80 = tpu.memref_slice %arg4[%add3A_70, %dma_wait3A_79] : memref<8192x768xf32, #tpu.memory_space<hbm>> -> memref<64x768xf32, #tpu.memory_space<hbm>>
    %dma_wait3A_81 = arith.constant 0 : i32
    %dma_wait3A_82 = tpu.memref_slice %arg4[%add3A_70, %dma_wait3A_81] : memref<8192x768xf32, #tpu.memory_space<hbm>> -> memref<64x768xf32, #tpu.memory_space<hbm>>
    tpu.wait_dma2 semaphore(%arg11 : memref<!tpu.dma_semaphore, #tpu.memory_space<semaphore_mem>>) src(%arg7 : memref<64x768xf32, #tpu.memory_space<vmem>>) dst(%dma_wait3A_82 : memref<64x768xf32, #tpu.memory_space<hbm>>)
    return
  }
}

#map = affine_map<(d0, d1) -> (0, 0)>
#map1 = affine_map<(d0, d1) -> (0)>
module attributes {stable_mosaic.version = 14 : i64} {
  func.func @k(%arg0: i32, %arg1: i32, %arg2: memref<30522x768xf32, #tpu.memory_space<hbm>>, %arg3: memref<7680xi32, #tpu.memory_space<hbm>>, %arg4: memref<5120x768xf32, #tpu.memory_space<hbm>>, %arg5: memref<160xi32, #tpu.memory_space<vmem>>, %arg6: memref<40x768xf32, #tpu.memory_space<vmem>>, %arg7: memref<40x768xf32, #tpu.memory_space<vmem>>, %arg8: memref<!tpu.dma_semaphore, #tpu.memory_space<semaphore_mem>>, %arg9: memref<!tpu.dma_semaphore, #tpu.memory_space<semaphore_mem>>, %arg10: memref<!tpu.dma_semaphore, #tpu.memory_space<semaphore_mem>>, %arg11: memref<!tpu.dma_semaphore, #tpu.memory_space<semaphore_mem>>) attributes {dimension_semantics = [#tpu.dimension_semantics<core_parallel>, #tpu.dimension_semantics<subcore_parallel>], iteration_bounds = array<i64: 2, 16>, scalar_prefetch = 0 : i64, scratch_operands = 7 : i64, tpu.core_type = #tpu.core_type<sc_vector_subcore>, window_params = [{transform_indices = #map}, {transform_indices = #map1}, {transform_indices = #map}]} {
    %mul3A = arith.constant 2 : i32
    %mul3A_0 = arith.muli %arg1, %mul3A : i32
    %add3A = arith.addi %mul3A_0, %arg0 : i32
    %mul3A_1 = arith.constant 160 : i32
    %mul3A_2 = arith.muli %add3A, %mul3A_1 : i32
    %add3A_3 = arith.constant 2560 : i32
    %add3A_4 = arith.addi %add3A_3, %mul3A_2 : i32
    "tpu.region"() ({
      %run_scoped3A = tpu.sem_alloc : memref<!tpu.dma_semaphore, #tpu.memory_space<semaphore_mem>>
      %dma_start3A_83 = tpu.memref_slice %arg3[%add3A_4] : memref<7680xi32, #tpu.memory_space<hbm>> -> memref<160xi32, #tpu.memory_space<hbm>>
      %dma_start3A_84 = tpu.memref_slice %arg3[%add3A_4] : memref<7680xi32, #tpu.memory_space<hbm>> -> memref<160xi32, #tpu.memory_space<hbm>>
      tpu.enqueue_dma source(%dma_start3A_84 : memref<160xi32, #tpu.memory_space<hbm>>) target(%arg5 : memref<160xi32, #tpu.memory_space<vmem>>) target_semaphore(%run_scoped3A : memref<!tpu.dma_semaphore, #tpu.memory_space<semaphore_mem>>)
      %dma_wait3A_85 = tpu.memref_slice %arg3[%add3A_4] : memref<7680xi32, #tpu.memory_space<hbm>> -> memref<160xi32, #tpu.memory_space<hbm>>
      %dma_wait3A_86 = tpu.memref_slice %arg3[%add3A_4] : memref<7680xi32, #tpu.memory_space<hbm>> -> memref<160xi32, #tpu.memory_space<hbm>>
      tpu.wait_dma2 semaphore(%run_scoped3A : memref<!tpu.dma_semaphore, #tpu.memory_space<semaphore_mem>>) src(%dma_wait3A_86 : memref<160xi32, #tpu.memory_space<hbm>>) dst(%arg5 : memref<160xi32, #tpu.memory_space<vmem>>)
      tpu.yield
    }) : () -> ()
    %dma_start3A = arith.constant 0 : i32
    %dma_start3A_5 = tpu.memref_slice %arg5[%dma_start3A] : memref<160xi32, #tpu.memory_space<vmem>> -> memref<40xi32, #tpu.memory_space<vmem>>
    %dma_start3A_6 = arith.constant 0 : i32
    %dma_start3A_7 = arith.constant 0 : i32
    %dma_start3A_8 = tpu.memref_slice %arg2[%dma_start3A_6, %dma_start3A_7] : memref<30522x768xf32, #tpu.memory_space<hbm>> -> memref<30522x768xf32, #tpu.memory_space<hbm>>
    tpu.enqueue_indirect_dma source(%dma_start3A_8 : memref<30522x768xf32, #tpu.memory_space<hbm>>) target(%arg6 : memref<40x768xf32, #tpu.memory_space<vmem>>) offsets(%dma_start3A_5 : memref<40xi32, #tpu.memory_space<vmem>>) semaphore(%arg8 : memref<!tpu.dma_semaphore, #tpu.memory_space<semaphore_mem>>)
    %dma_start3A_9 = arith.constant 40 : i32
    %dma_start3A_10 = tpu.memref_slice %arg5[%dma_start3A_9] : memref<160xi32, #tpu.memory_space<vmem>> -> memref<40xi32, #tpu.memory_space<vmem>>
    %dma_start3A_11 = arith.constant 0 : i32
    %dma_start3A_12 = arith.constant 0 : i32
    %dma_start3A_13 = tpu.memref_slice %arg2[%dma_start3A_11, %dma_start3A_12] : memref<30522x768xf32, #tpu.memory_space<hbm>> -> memref<30522x768xf32, #tpu.memory_space<hbm>>
    tpu.enqueue_indirect_dma source(%dma_start3A_13 : memref<30522x768xf32, #tpu.memory_space<hbm>>) target(%arg7 : memref<40x768xf32, #tpu.memory_space<vmem>>) offsets(%dma_start3A_10 : memref<40xi32, #tpu.memory_space<vmem>>) semaphore(%arg9 : memref<!tpu.dma_semaphore, #tpu.memory_space<semaphore_mem>>)
    %dma_wait3A = arith.constant 0 : i32
    %dma_wait3A_14 = tpu.memref_slice %arg5[%dma_wait3A] : memref<160xi32, #tpu.memory_space<vmem>> -> memref<40xi32, #tpu.memory_space<vmem>>
    %dma_wait3A_15 = arith.constant 0 : i32
    %dma_wait3A_16 = arith.constant 0 : i32
    %dma_wait3A_17 = tpu.memref_slice %arg2[%dma_wait3A_15, %dma_wait3A_16] : memref<30522x768xf32, #tpu.memory_space<hbm>> -> memref<30522x768xf32, #tpu.memory_space<hbm>>
    tpu.wait_indirect_dma semaphore(%arg8 : memref<!tpu.dma_semaphore, #tpu.memory_space<semaphore_mem>>) src(%dma_wait3A_17 : memref<30522x768xf32, #tpu.memory_space<hbm>>) dst(%arg6 : memref<40x768xf32, #tpu.memory_space<vmem>>)
    %add3A_18 = arith.constant 0 : i32
    %add3A_19 = arith.addi %mul3A_2, %add3A_18 : i32
    %dma_start3A_20 = arith.constant 0 : i32
    %dma_start3A_21 = tpu.memref_slice %arg4[%add3A_19, %dma_start3A_20] : memref<5120x768xf32, #tpu.memory_space<hbm>> -> memref<40x768xf32, #tpu.memory_space<hbm>>
    %dma_start3A_22 = arith.constant 0 : i32
    %dma_start3A_23 = tpu.memref_slice %arg4[%add3A_19, %dma_start3A_22] : memref<5120x768xf32, #tpu.memory_space<hbm>> -> memref<40x768xf32, #tpu.memory_space<hbm>>
    tpu.enqueue_dma source(%arg6 : memref<40x768xf32, #tpu.memory_space<vmem>>) target(%dma_start3A_23 : memref<40x768xf32, #tpu.memory_space<hbm>>) target_semaphore(%arg10 : memref<!tpu.dma_semaphore, #tpu.memory_space<semaphore_mem>>)
    %dma_wait3A_24 = arith.constant 0 : i32
    %dma_wait3A_25 = tpu.memref_slice %arg4[%add3A_19, %dma_wait3A_24] : memref<5120x768xf32, #tpu.memory_space<hbm>> -> memref<40x768xf32, #tpu.memory_space<hbm>>
    %dma_wait3A_26 = arith.constant 0 : i32
    %dma_wait3A_27 = tpu.memref_slice %arg4[%add3A_19, %dma_wait3A_26] : memref<5120x768xf32, #tpu.memory_space<hbm>> -> memref<40x768xf32, #tpu.memory_space<hbm>>
    tpu.wait_dma2 semaphore(%arg10 : memref<!tpu.dma_semaphore, #tpu.memory_space<semaphore_mem>>) src(%arg6 : memref<40x768xf32, #tpu.memory_space<vmem>>) dst(%dma_wait3A_27 : memref<40x768xf32, #tpu.memory_space<hbm>>)
    %dma_start3A_28 = arith.constant 80 : i32
    %dma_start3A_29 = tpu.memref_slice %arg5[%dma_start3A_28] : memref<160xi32, #tpu.memory_space<vmem>> -> memref<40xi32, #tpu.memory_space<vmem>>
    %dma_start3A_30 = arith.constant 0 : i32
    %dma_start3A_31 = arith.constant 0 : i32
    %dma_start3A_32 = tpu.memref_slice %arg2[%dma_start3A_30, %dma_start3A_31] : memref<30522x768xf32, #tpu.memory_space<hbm>> -> memref<30522x768xf32, #tpu.memory_space<hbm>>
    tpu.enqueue_indirect_dma source(%dma_start3A_32 : memref<30522x768xf32, #tpu.memory_space<hbm>>) target(%arg6 : memref<40x768xf32, #tpu.memory_space<vmem>>) offsets(%dma_start3A_29 : memref<40xi32, #tpu.memory_space<vmem>>) semaphore(%arg8 : memref<!tpu.dma_semaphore, #tpu.memory_space<semaphore_mem>>)
    %dma_wait3A_33 = arith.constant 40 : i32
    %dma_wait3A_34 = tpu.memref_slice %arg5[%dma_wait3A_33] : memref<160xi32, #tpu.memory_space<vmem>> -> memref<40xi32, #tpu.memory_space<vmem>>
    %dma_wait3A_35 = arith.constant 0 : i32
    %dma_wait3A_36 = arith.constant 0 : i32
    %dma_wait3A_37 = tpu.memref_slice %arg2[%dma_wait3A_35, %dma_wait3A_36] : memref<30522x768xf32, #tpu.memory_space<hbm>> -> memref<30522x768xf32, #tpu.memory_space<hbm>>
    tpu.wait_indirect_dma semaphore(%arg9 : memref<!tpu.dma_semaphore, #tpu.memory_space<semaphore_mem>>) src(%dma_wait3A_37 : memref<30522x768xf32, #tpu.memory_space<hbm>>) dst(%arg7 : memref<40x768xf32, #tpu.memory_space<vmem>>)
    %add3A_38 = arith.constant 40 : i32
    %add3A_39 = arith.addi %mul3A_2, %add3A_38 : i32
    %dma_start3A_40 = arith.constant 0 : i32
    %dma_start3A_41 = tpu.memref_slice %arg4[%add3A_39, %dma_start3A_40] : memref<5120x768xf32, #tpu.memory_space<hbm>> -> memref<40x768xf32, #tpu.memory_space<hbm>>
    %dma_start3A_42 = arith.constant 0 : i32
    %dma_start3A_43 = tpu.memref_slice %arg4[%add3A_39, %dma_start3A_42] : memref<5120x768xf32, #tpu.memory_space<hbm>> -> memref<40x768xf32, #tpu.memory_space<hbm>>
    tpu.enqueue_dma source(%arg7 : memref<40x768xf32, #tpu.memory_space<vmem>>) target(%dma_start3A_43 : memref<40x768xf32, #tpu.memory_space<hbm>>) target_semaphore(%arg11 : memref<!tpu.dma_semaphore, #tpu.memory_space<semaphore_mem>>)
    %dma_wait3A_44 = arith.constant 0 : i32
    %dma_wait3A_45 = tpu.memref_slice %arg4[%add3A_39, %dma_wait3A_44] : memref<5120x768xf32, #tpu.memory_space<hbm>> -> memref<40x768xf32, #tpu.memory_space<hbm>>
    %dma_wait3A_46 = arith.constant 0 : i32
    %dma_wait3A_47 = tpu.memref_slice %arg4[%add3A_39, %dma_wait3A_46] : memref<5120x768xf32, #tpu.memory_space<hbm>> -> memref<40x768xf32, #tpu.memory_space<hbm>>
    tpu.wait_dma2 semaphore(%arg11 : memref<!tpu.dma_semaphore, #tpu.memory_space<semaphore_mem>>) src(%arg7 : memref<40x768xf32, #tpu.memory_space<vmem>>) dst(%dma_wait3A_47 : memref<40x768xf32, #tpu.memory_space<hbm>>)
    %dma_start3A_48 = arith.constant 120 : i32
    %dma_start3A_49 = tpu.memref_slice %arg5[%dma_start3A_48] : memref<160xi32, #tpu.memory_space<vmem>> -> memref<40xi32, #tpu.memory_space<vmem>>
    %dma_start3A_50 = arith.constant 0 : i32
    %dma_start3A_51 = arith.constant 0 : i32
    %dma_start3A_52 = tpu.memref_slice %arg2[%dma_start3A_50, %dma_start3A_51] : memref<30522x768xf32, #tpu.memory_space<hbm>> -> memref<30522x768xf32, #tpu.memory_space<hbm>>
    tpu.enqueue_indirect_dma source(%dma_start3A_52 : memref<30522x768xf32, #tpu.memory_space<hbm>>) target(%arg7 : memref<40x768xf32, #tpu.memory_space<vmem>>) offsets(%dma_start3A_49 : memref<40xi32, #tpu.memory_space<vmem>>) semaphore(%arg9 : memref<!tpu.dma_semaphore, #tpu.memory_space<semaphore_mem>>)
    %dma_wait3A_53 = arith.constant 80 : i32
    %dma_wait3A_54 = tpu.memref_slice %arg5[%dma_wait3A_53] : memref<160xi32, #tpu.memory_space<vmem>> -> memref<40xi32, #tpu.memory_space<vmem>>
    %dma_wait3A_55 = arith.constant 0 : i32
    %dma_wait3A_56 = arith.constant 0 : i32
    %dma_wait3A_57 = tpu.memref_slice %arg2[%dma_wait3A_55, %dma_wait3A_56] : memref<30522x768xf32, #tpu.memory_space<hbm>> -> memref<30522x768xf32, #tpu.memory_space<hbm>>
    tpu.wait_indirect_dma semaphore(%arg8 : memref<!tpu.dma_semaphore, #tpu.memory_space<semaphore_mem>>) src(%dma_wait3A_57 : memref<30522x768xf32, #tpu.memory_space<hbm>>) dst(%arg6 : memref<40x768xf32, #tpu.memory_space<vmem>>)
    %add3A_58 = arith.constant 80 : i32
    %add3A_59 = arith.addi %mul3A_2, %add3A_58 : i32
    %dma_start3A_60 = arith.constant 0 : i32
    %dma_start3A_61 = tpu.memref_slice %arg4[%add3A_59, %dma_start3A_60] : memref<5120x768xf32, #tpu.memory_space<hbm>> -> memref<40x768xf32, #tpu.memory_space<hbm>>
    %dma_start3A_62 = arith.constant 0 : i32
    %dma_start3A_63 = tpu.memref_slice %arg4[%add3A_59, %dma_start3A_62] : memref<5120x768xf32, #tpu.memory_space<hbm>> -> memref<40x768xf32, #tpu.memory_space<hbm>>
    tpu.enqueue_dma source(%arg6 : memref<40x768xf32, #tpu.memory_space<vmem>>) target(%dma_start3A_63 : memref<40x768xf32, #tpu.memory_space<hbm>>) target_semaphore(%arg10 : memref<!tpu.dma_semaphore, #tpu.memory_space<semaphore_mem>>)
    %dma_wait3A_64 = arith.constant 120 : i32
    %dma_wait3A_65 = tpu.memref_slice %arg5[%dma_wait3A_64] : memref<160xi32, #tpu.memory_space<vmem>> -> memref<40xi32, #tpu.memory_space<vmem>>
    %dma_wait3A_66 = arith.constant 0 : i32
    %dma_wait3A_67 = arith.constant 0 : i32
    %dma_wait3A_68 = tpu.memref_slice %arg2[%dma_wait3A_66, %dma_wait3A_67] : memref<30522x768xf32, #tpu.memory_space<hbm>> -> memref<30522x768xf32, #tpu.memory_space<hbm>>
    tpu.wait_indirect_dma semaphore(%arg9 : memref<!tpu.dma_semaphore, #tpu.memory_space<semaphore_mem>>) src(%dma_wait3A_68 : memref<30522x768xf32, #tpu.memory_space<hbm>>) dst(%arg7 : memref<40x768xf32, #tpu.memory_space<vmem>>)
    %add3A_69 = arith.constant 120 : i32
    %add3A_70 = arith.addi %mul3A_2, %add3A_69 : i32
    %dma_start3A_71 = arith.constant 0 : i32
    %dma_start3A_72 = tpu.memref_slice %arg4[%add3A_70, %dma_start3A_71] : memref<5120x768xf32, #tpu.memory_space<hbm>> -> memref<40x768xf32, #tpu.memory_space<hbm>>
    %dma_start3A_73 = arith.constant 0 : i32
    %dma_start3A_74 = tpu.memref_slice %arg4[%add3A_70, %dma_start3A_73] : memref<5120x768xf32, #tpu.memory_space<hbm>> -> memref<40x768xf32, #tpu.memory_space<hbm>>
    tpu.enqueue_dma source(%arg7 : memref<40x768xf32, #tpu.memory_space<vmem>>) target(%dma_start3A_74 : memref<40x768xf32, #tpu.memory_space<hbm>>) target_semaphore(%arg11 : memref<!tpu.dma_semaphore, #tpu.memory_space<semaphore_mem>>)
    %dma_wait3A_75 = arith.constant 0 : i32
    %dma_wait3A_76 = tpu.memref_slice %arg4[%add3A_59, %dma_wait3A_75] : memref<5120x768xf32, #tpu.memory_space<hbm>> -> memref<40x768xf32, #tpu.memory_space<hbm>>
    %dma_wait3A_77 = arith.constant 0 : i32
    %dma_wait3A_78 = tpu.memref_slice %arg4[%add3A_59, %dma_wait3A_77] : memref<5120x768xf32, #tpu.memory_space<hbm>> -> memref<40x768xf32, #tpu.memory_space<hbm>>
    tpu.wait_dma2 semaphore(%arg10 : memref<!tpu.dma_semaphore, #tpu.memory_space<semaphore_mem>>) src(%arg6 : memref<40x768xf32, #tpu.memory_space<vmem>>) dst(%dma_wait3A_78 : memref<40x768xf32, #tpu.memory_space<hbm>>)
    %dma_wait3A_79 = arith.constant 0 : i32
    %dma_wait3A_80 = tpu.memref_slice %arg4[%add3A_70, %dma_wait3A_79] : memref<5120x768xf32, #tpu.memory_space<hbm>> -> memref<40x768xf32, #tpu.memory_space<hbm>>
    %dma_wait3A_81 = arith.constant 0 : i32
    %dma_wait3A_82 = tpu.memref_slice %arg4[%add3A_70, %dma_wait3A_81] : memref<5120x768xf32, #tpu.memory_space<hbm>> -> memref<40x768xf32, #tpu.memory_space<hbm>>
    tpu.wait_dma2 semaphore(%arg11 : memref<!tpu.dma_semaphore, #tpu.memory_space<semaphore_mem>>) src(%arg7 : memref<40x768xf32, #tpu.memory_space<vmem>>) dst(%dma_wait3A_82 : memref<40x768xf32, #tpu.memory_space<hbm>>)
    return
  }
}

module attributes {stable_mosaic.version = 14 : i64} {
  func.func @_ln_alias_body(%arg0: i32, %arg1: memref<512x768xf32, #tpu.memory_space<vmem>>, %arg2: memref<8x128xf32, #tpu.memory_space<vmem>>, %arg3: memref<512x768xf32, #tpu.memory_space<vmem>>, %arg4: memref<1x768xf32, #tpu.memory_space<vmem>>, %arg5: memref<1x768xf32, #tpu.memory_space<vmem>>, %arg6: memref<512x768xf32, #tpu.memory_space<vmem>>) attributes {dimension_semantics = [#tpu.dimension_semantics<arbitrary>], iteration_bounds = array<i64: 16>, scalar_prefetch = 0 : i64, scratch_operands = 0 : i64, tpu.core_type = #tpu.core_type<tc>, window_params = [{transform_indices = @transform_0, window_bounds = array<i64: 512, 768>}, {transform_indices = @transform_1, window_bounds = array<i64: 8, 128>}, {pipeline_mode = #tpu.pipeline_mode<synchronous>, transform_indices = @transform_2, window_bounds = array<i64: 512, 768>}, {pipeline_mode = #tpu.pipeline_mode<synchronous>, transform_indices = @transform_3, window_bounds = array<i64: 1, 768>}, {pipeline_mode = #tpu.pipeline_mode<synchronous>, transform_indices = @transform_4, window_bounds = array<i64: 1, 768>}, {transform_indices = @transform_5, window_bounds = array<i64: 512, 768>}]} {
    %get3A = arith.constant 0 : index
    %get3A_0 = arith.constant 0 : index
    %get3A_1 = vector.load %arg3[%get3A, %get3A_0] : memref<512x768xf32, #tpu.memory_space<vmem>>, vector<512x768xf32>
    %get3A_2 = arith.constant 0 : index
    %get3A_3 = arith.constant 0 : index
    %get3A_4 = vector.load %arg1[%get3A_2, %get3A_3] : memref<512x768xf32, #tpu.memory_space<vmem>>, vector<512x768xf32>
    %add3A = arith.addf %get3A_4, %get3A_1 : vector<512x768xf32>
    %reduce_sum3A = arith.constant dense<0.000000e+00> : vector<512xf32>
    %reduce_sum3A_5 = vector.multi_reduction <add>, %add3A, %reduce_sum3A [1] : vector<512x768xf32> to vector<512xf32>
    %broadcast_in_dim3A = vector.shape_cast %reduce_sum3A_5 : vector<512xf32> to vector<512x1xf32>
    %div3A = arith.constant 7.680000e+02 : f32
    %div3A_6 = vector.broadcast %div3A : f32 to vector<512x1xf32>
    %div3A_7 = arith.divf %broadcast_in_dim3A, %div3A_6 : vector<512x1xf32>
    %sub3A = vector.broadcast %div3A_7 : vector<512x1xf32> to vector<512x768xf32>
    %sub3A_8 = arith.subf %add3A, %sub3A : vector<512x768xf32>
    %mul3A = arith.mulf %sub3A_8, %sub3A_8 : vector<512x768xf32>
    %reduce_sum3A_9 = arith.constant dense<0.000000e+00> : vector<512xf32>
    %reduce_sum3A_10 = vector.multi_reduction <add>, %mul3A, %reduce_sum3A_9 [1] : vector<512x768xf32> to vector<512xf32>
    %broadcast_in_dim3A_11 = vector.shape_cast %reduce_sum3A_10 : vector<512xf32> to vector<512x1xf32>
    %div3A_12 = arith.constant 7.680000e+02 : f32
    %div3A_13 = vector.broadcast %div3A_12 : f32 to vector<512x1xf32>
    %div3A_14 = arith.divf %broadcast_in_dim3A_11, %div3A_13 : vector<512x1xf32>
    %add3A_15 = arith.constant 9.99999996E-13 : f32
    %add3A_16 = vector.broadcast %add3A_15 : f32 to vector<512x1xf32>
    %add3A_17 = arith.addf %div3A_14, %add3A_16 : vector<512x1xf32>
    %rsqrt3A = math.rsqrt %add3A_17 : vector<512x1xf32>
    %mul3A_18 = vector.broadcast %rsqrt3A : vector<512x1xf32> to vector<512x768xf32>
    %mul3A_19 = arith.mulf %sub3A_8, %mul3A_18 : vector<512x768xf32>
    %get3A_20 = arith.constant 0 : index
    %get3A_21 = arith.constant 0 : index
    %get3A_22 = vector.load %arg4[%get3A_20, %get3A_21] : memref<1x768xf32, #tpu.memory_space<vmem>>, vector<1x768xf32>
    %mul3A_23 = vector.broadcast %get3A_22 : vector<1x768xf32> to vector<512x768xf32>
    %mul3A_24 = arith.mulf %mul3A_19, %mul3A_23 : vector<512x768xf32>
    %get3A_25 = arith.constant 0 : index
    %get3A_26 = arith.constant 0 : index
    %get3A_27 = vector.load %arg5[%get3A_25, %get3A_26] : memref<1x768xf32, #tpu.memory_space<vmem>>, vector<1x768xf32>
    %add3A_28 = vector.broadcast %get3A_27 : vector<1x768xf32> to vector<512x768xf32>
    %add3A_29 = arith.addf %mul3A_24, %add3A_28 : vector<512x768xf32>
    %swap3A = arith.constant 0 : index
    %swap3A_30 = arith.constant 0 : index
    %swap3A_31 = vector.load %arg6[%swap3A, %swap3A_30] : memref<512x768xf32, #tpu.memory_space<vmem>>, vector<512x768xf32>
    tpu.vector_store %arg6[%swap3A, %swap3A_30], %add3A_29 {strides = array<i32>} : memref<512x768xf32, #tpu.memory_space<vmem>>, vector<512x768xf32>,
    return
  }
  func.func @transform_0(%arg0: i32) -> (i32, i32) {
    %c0_i32 = arith.constant 0 : i32
    %c0_i32_0 = arith.constant 0 : i32
    return %arg0, %c0_i32 : i32, i32
  }
  func.func @transform_1(%arg0: i32) -> (i32, i32) {
    %c0_i32 = arith.constant 0 : i32
    %c0_i32_0 = arith.constant 0 : i32
    %c0_i32_1 = arith.constant 0 : i32
    return %c0_i32, %c0_i32_0 : i32, i32
  }
  func.func @transform_2(%arg0: i32) -> (i32, i32) {
    %c0_i32 = arith.constant 0 : i32
    %c0_i32_0 = arith.constant 0 : i32
    %c0_i32_1 = arith.constant 0 : i32
    return %c0_i32, %c0_i32_0 : i32, i32
  }
  func.func @transform_3(%arg0: i32) -> (i32, i32) {
    %c0_i32 = arith.constant 0 : i32
    %c0_i32_0 = arith.constant 0 : i32
    %c0_i32_1 = arith.constant 0 : i32
    return %c0_i32, %c0_i32_0 : i32, i32
  }
  func.func @transform_4(%arg0: i32) -> (i32, i32) {
    %c0_i32 = arith.constant 0 : i32
    %c0_i32_0 = arith.constant 0 : i32
    %c0_i32_1 = arith.constant 0 : i32
    return %c0_i32, %c0_i32_0 : i32, i32
  }
  func.func @transform_5(%arg0: i32) -> (i32, i32) {
    %add3A = arith.constant 16 : i32
    %add3A_0 = arith.addi %arg0, %add3A : i32
    %c0_i32 = arith.constant 0 : i32
    %c0_i32_1 = arith.constant 0 : i32
    return %add3A_0, %c0_i32 : i32, i32
  }
}

module attributes {stable_mosaic.version = 14 : i64} {
  func.func @_ln_body(%arg0: i32, %arg1: memref<512x768xf32, #tpu.memory_space<vmem>>, %arg2: memref<512x768xf32, #tpu.memory_space<vmem>>, %arg3: memref<1x768xf32, #tpu.memory_space<vmem>>, %arg4: memref<1x768xf32, #tpu.memory_space<vmem>>, %arg5: memref<512x768xf32, #tpu.memory_space<vmem>>) attributes {dimension_semantics = [#tpu.dimension_semantics<arbitrary>], iteration_bounds = array<i64: 16>, scalar_prefetch = 0 : i64, scratch_operands = 0 : i64, tpu.core_type = #tpu.core_type<tc>, window_params = [{transform_indices = @transform_0, window_bounds = array<i64: 512, 768>}, {pipeline_mode = #tpu.pipeline_mode<synchronous>, transform_indices = @transform_1, window_bounds = array<i64: 512, 768>}, {pipeline_mode = #tpu.pipeline_mode<synchronous>, transform_indices = @transform_2, window_bounds = array<i64: 1, 768>}, {pipeline_mode = #tpu.pipeline_mode<synchronous>, transform_indices = @transform_3, window_bounds = array<i64: 1, 768>}, {transform_indices = @transform_4, window_bounds = array<i64: 512, 768>}]} {
    %get3A = arith.constant 0 : index
    %get3A_0 = arith.constant 0 : index
    %get3A_1 = vector.load %arg2[%get3A, %get3A_0] : memref<512x768xf32, #tpu.memory_space<vmem>>, vector<512x768xf32>
    %get3A_2 = arith.constant 0 : index
    %get3A_3 = arith.constant 0 : index
    %get3A_4 = vector.load %arg1[%get3A_2, %get3A_3] : memref<512x768xf32, #tpu.memory_space<vmem>>, vector<512x768xf32>
    %add3A = arith.addf %get3A_4, %get3A_1 : vector<512x768xf32>
    %reduce_sum3A = arith.constant dense<0.000000e+00> : vector<512xf32>
    %reduce_sum3A_5 = vector.multi_reduction <add>, %add3A, %reduce_sum3A [1] : vector<512x768xf32> to vector<512xf32>
    %broadcast_in_dim3A = vector.shape_cast %reduce_sum3A_5 : vector<512xf32> to vector<512x1xf32>
    %div3A = arith.constant 7.680000e+02 : f32
    %div3A_6 = vector.broadcast %div3A : f32 to vector<512x1xf32>
    %div3A_7 = arith.divf %broadcast_in_dim3A, %div3A_6 : vector<512x1xf32>
    %sub3A = vector.broadcast %div3A_7 : vector<512x1xf32> to vector<512x768xf32>
    %sub3A_8 = arith.subf %add3A, %sub3A : vector<512x768xf32>
    %mul3A = arith.mulf %sub3A_8, %sub3A_8 : vector<512x768xf32>
    %reduce_sum3A_9 = arith.constant dense<0.000000e+00> : vector<512xf32>
    %reduce_sum3A_10 = vector.multi_reduction <add>, %mul3A, %reduce_sum3A_9 [1] : vector<512x768xf32> to vector<512xf32>
    %broadcast_in_dim3A_11 = vector.shape_cast %reduce_sum3A_10 : vector<512xf32> to vector<512x1xf32>
    %div3A_12 = arith.constant 7.680000e+02 : f32
    %div3A_13 = vector.broadcast %div3A_12 : f32 to vector<512x1xf32>
    %div3A_14 = arith.divf %broadcast_in_dim3A_11, %div3A_13 : vector<512x1xf32>
    %add3A_15 = arith.constant 9.99999996E-13 : f32
    %add3A_16 = vector.broadcast %add3A_15 : f32 to vector<512x1xf32>
    %add3A_17 = arith.addf %div3A_14, %add3A_16 : vector<512x1xf32>
    %rsqrt3A = math.rsqrt %add3A_17 : vector<512x1xf32>
    %mul3A_18 = vector.broadcast %rsqrt3A : vector<512x1xf32> to vector<512x768xf32>
    %mul3A_19 = arith.mulf %sub3A_8, %mul3A_18 : vector<512x768xf32>
    %get3A_20 = arith.constant 0 : index
    %get3A_21 = arith.constant 0 : index
    %get3A_22 = vector.load %arg3[%get3A_20, %get3A_21] : memref<1x768xf32, #tpu.memory_space<vmem>>, vector<1x768xf32>
    %mul3A_23 = vector.broadcast %get3A_22 : vector<1x768xf32> to vector<512x768xf32>
    %mul3A_24 = arith.mulf %mul3A_19, %mul3A_23 : vector<512x768xf32>
    %get3A_25 = arith.constant 0 : index
    %get3A_26 = arith.constant 0 : index
    %get3A_27 = vector.load %arg4[%get3A_25, %get3A_26] : memref<1x768xf32, #tpu.memory_space<vmem>>, vector<1x768xf32>
    %add3A_28 = vector.broadcast %get3A_27 : vector<1x768xf32> to vector<512x768xf32>
    %add3A_29 = arith.addf %mul3A_24, %add3A_28 : vector<512x768xf32>
    %swap3A = arith.constant 0 : index
    %swap3A_30 = arith.constant 0 : index
    %swap3A_31 = vector.load %arg5[%swap3A, %swap3A_30] : memref<512x768xf32, #tpu.memory_space<vmem>>, vector<512x768xf32>
    tpu.vector_store %arg5[%swap3A, %swap3A_30], %add3A_29 {strides = array<i32>} : memref<512x768xf32, #tpu.memory_space<vmem>>, vector<512x768xf32>,
    return
  }
  func.func @transform_0(%arg0: i32) -> (i32, i32) {
    %c0_i32 = arith.constant 0 : i32
    %c0_i32_0 = arith.constant 0 : i32
    return %arg0, %c0_i32 : i32, i32
  }
  func.func @transform_1(%arg0: i32) -> (i32, i32) {
    %c0_i32 = arith.constant 0 : i32
    %c0_i32_0 = arith.constant 0 : i32
    %c0_i32_1 = arith.constant 0 : i32
    return %c0_i32, %c0_i32_0 : i32, i32
  }
  func.func @transform_2(%arg0: i32) -> (i32, i32) {
    %c0_i32 = arith.constant 0 : i32
    %c0_i32_0 = arith.constant 0 : i32
    %c0_i32_1 = arith.constant 0 : i32
    return %c0_i32, %c0_i32_0 : i32, i32
  }
  func.func @transform_3(%arg0: i32) -> (i32, i32) {
    %c0_i32 = arith.constant 0 : i32
    %c0_i32_0 = arith.constant 0 : i32
    %c0_i32_1 = arith.constant 0 : i32
    return %c0_i32, %c0_i32_0 : i32, i32
  }
  func.func @transform_4(%arg0: i32) -> (i32, i32) {
    %c0_i32 = arith.constant 0 : i32
    %c0_i32_0 = arith.constant 0 : i32
    return %arg0, %c0_i32 : i32, i32
  }
}

module attributes {stable_mosaic.version = 14 : i64} {
  func.func @_ln_body(%arg0: i32, %arg1: memref<512x768xf32, #tpu.memory_space<vmem>>, %arg2: memref<64x768xf32, #tpu.memory_space<vmem>>, %arg3: memref<1x768xf32, #tpu.memory_space<vmem>>, %arg4: memref<1x768xf32, #tpu.memory_space<vmem>>, %arg5: memref<512x768xf32, #tpu.memory_space<vmem>>) attributes {dimension_semantics = [#tpu.dimension_semantics<arbitrary>], iteration_bounds = array<i64: 4>, scalar_prefetch = 0 : i64, scratch_operands = 0 : i64, tpu.core_type = #tpu.core_type<tc>, window_params = [{transform_indices = @transform_0, window_bounds = array<i64: 512, 768>}, {pipeline_mode = #tpu.pipeline_mode<synchronous>, transform_indices = @transform_1, window_bounds = array<i64: 64, 768>}, {pipeline_mode = #tpu.pipeline_mode<synchronous>, transform_indices = @transform_2, window_bounds = array<i64: 1, 768>}, {pipeline_mode = #tpu.pipeline_mode<synchronous>, transform_indices = @transform_3, window_bounds = array<i64: 1, 768>}, {transform_indices = @transform_4, window_bounds = array<i64: 512, 768>}]} {
    %get3A = arith.constant 0 : index
    %get3A_0 = arith.constant 0 : index
    %get3A_1 = vector.load %arg2[%get3A, %get3A_0] : memref<64x768xf32, #tpu.memory_space<vmem>>, vector<64x768xf32>
    %broadcast_in_dim3A = vector.shape_cast %get3A_1 : vector<64x768xf32> to vector<1x64x768xf32>
    %broadcast_in_dim3A_2 = vector.shape_cast %broadcast_in_dim3A : vector<1x64x768xf32> to vector<1x64x768xf32>
    %broadcast_in_dim3A_3 = vector.broadcast %broadcast_in_dim3A_2 : vector<1x64x768xf32> to vector<8x64x768xf32>
    %reshape3A = vector.shape_cast %broadcast_in_dim3A_3 : vector<8x64x768xf32> to vector<512x768xf32>
    %get3A_4 = arith.constant 0 : index
    %get3A_5 = arith.constant 0 : index
    %get3A_6 = vector.load %arg1[%get3A_4, %get3A_5] : memref<512x768xf32, #tpu.memory_space<vmem>>, vector<512x768xf32>
    %add3A = arith.addf %get3A_6, %reshape3A : vector<512x768xf32>
    %reduce_sum3A = arith.constant dense<0.000000e+00> : vector<512xf32>
    %reduce_sum3A_7 = vector.multi_reduction <add>, %add3A, %reduce_sum3A [1] : vector<512x768xf32> to vector<512xf32>
    %broadcast_in_dim3A_8 = vector.shape_cast %reduce_sum3A_7 : vector<512xf32> to vector<512x1xf32>
    %div3A = arith.constant 7.680000e+02 : f32
    %div3A_9 = vector.broadcast %div3A : f32 to vector<512x1xf32>
    %div3A_10 = arith.divf %broadcast_in_dim3A_8, %div3A_9 : vector<512x1xf32>
    %sub3A = vector.broadcast %div3A_10 : vector<512x1xf32> to vector<512x768xf32>
    %sub3A_11 = arith.subf %add3A, %sub3A : vector<512x768xf32>
    %mul3A = arith.mulf %sub3A_11, %sub3A_11 : vector<512x768xf32>
    %reduce_sum3A_12 = arith.constant dense<0.000000e+00> : vector<512xf32>
    %reduce_sum3A_13 = vector.multi_reduction <add>, %mul3A, %reduce_sum3A_12 [1] : vector<512x768xf32> to vector<512xf32>
    %broadcast_in_dim3A_14 = vector.shape_cast %reduce_sum3A_13 : vector<512xf32> to vector<512x1xf32>
    %div3A_15 = arith.constant 7.680000e+02 : f32
    %div3A_16 = vector.broadcast %div3A_15 : f32 to vector<512x1xf32>
    %div3A_17 = arith.divf %broadcast_in_dim3A_14, %div3A_16 : vector<512x1xf32>
    %add3A_18 = arith.constant 9.99999996E-13 : f32
    %add3A_19 = vector.broadcast %add3A_18 : f32 to vector<512x1xf32>
    %add3A_20 = arith.addf %div3A_17, %add3A_19 : vector<512x1xf32>
    %rsqrt3A = math.rsqrt %add3A_20 : vector<512x1xf32>
    %mul3A_21 = vector.broadcast %rsqrt3A : vector<512x1xf32> to vector<512x768xf32>
    %mul3A_22 = arith.mulf %sub3A_11, %mul3A_21 : vector<512x768xf32>
    %get3A_23 = arith.constant 0 : index
    %get3A_24 = arith.constant 0 : index
    %get3A_25 = vector.load %arg3[%get3A_23, %get3A_24] : memref<1x768xf32, #tpu.memory_space<vmem>>, vector<1x768xf32>
    %mul3A_26 = vector.broadcast %get3A_25 : vector<1x768xf32> to vector<512x768xf32>
    %mul3A_27 = arith.mulf %mul3A_22, %mul3A_26 : vector<512x768xf32>
    %get3A_28 = arith.constant 0 : index
    %get3A_29 = arith.constant 0 : index
    %get3A_30 = vector.load %arg4[%get3A_28, %get3A_29] : memref<1x768xf32, #tpu.memory_space<vmem>>, vector<1x768xf32>
    %add3A_31 = vector.broadcast %get3A_30 : vector<1x768xf32> to vector<512x768xf32>
    %add3A_32 = arith.addf %mul3A_27, %add3A_31 : vector<512x768xf32>
    %swap3A = arith.constant 0 : index
    %swap3A_33 = arith.constant 0 : index
    %swap3A_34 = vector.load %arg5[%swap3A, %swap3A_33] : memref<512x768xf32, #tpu.memory_space<vmem>>, vector<512x768xf32>
    tpu.vector_store %arg5[%swap3A, %swap3A_33], %add3A_32 {strides = array<i32>} : memref<512x768xf32, #tpu.memory_space<vmem>>, vector<512x768xf32>,
    return
  }
  func.func @transform_0(%arg0: i32) -> (i32, i32) {
    %c0_i32 = arith.constant 0 : i32
    %c0_i32_0 = arith.constant 0 : i32
    return %arg0, %c0_i32 : i32, i32
  }
  func.func @transform_1(%arg0: i32) -> (i32, i32) {
    %c0_i32 = arith.constant 0 : i32
    %c0_i32_0 = arith.constant 0 : i32
    %c0_i32_1 = arith.constant 0 : i32
    return %c0_i32, %c0_i32_0 : i32, i32
  }
  func.func @transform_2(%arg0: i32) -> (i32, i32) {
    %c0_i32 = arith.constant 0 : i32
    %c0_i32_0 = arith.constant 0 : i32
    %c0_i32_1 = arith.constant 0 : i32
    return %c0_i32, %c0_i32_0 : i32, i32
  }
  func.func @transform_3(%arg0: i32) -> (i32, i32) {
    %c0_i32 = arith.constant 0 : i32
    %c0_i32_0 = arith.constant 0 : i32
    %c0_i32_1 = arith.constant 0 : i32
    return %c0_i32, %c0_i32_0 : i32, i32
  }
  func.func @transform_4(%arg0: i32) -> (i32, i32) {
    %c0_i32 = arith.constant 0 : i32
    %c0_i32_0 = arith.constant 0 : i32
    return %arg0, %c0_i32 : i32, i32
  }
}

module attributes {stable_mosaic.version = 14 : i64} {
  func.func @_ln_body(%arg0: i32, %arg1: memref<512x768xf32, #tpu.memory_space<vmem>>, %arg2: memref<1x768xf32, #tpu.memory_space<vmem>>, %arg3: memref<1x768xf32, #tpu.memory_space<vmem>>, %arg4: memref<1x768xf32, #tpu.memory_space<vmem>>, %arg5: memref<512x768xf32, #tpu.memory_space<vmem>>) attributes {dimension_semantics = [#tpu.dimension_semantics<arbitrary>], iteration_bounds = array<i64: 5>, scalar_prefetch = 0 : i64, scratch_operands = 0 : i64, tpu.core_type = #tpu.core_type<tc>, window_params = [{transform_indices = @transform_0, window_bounds = array<i64: 512, 768>}, {pipeline_mode = #tpu.pipeline_mode<synchronous>, transform_indices = @transform_1, window_bounds = array<i64: 1, 768>}, {pipeline_mode = #tpu.pipeline_mode<synchronous>, transform_indices = @transform_2, window_bounds = array<i64: 1, 768>}, {pipeline_mode = #tpu.pipeline_mode<synchronous>, transform_indices = @transform_3, window_bounds = array<i64: 1, 768>}, {transform_indices = @transform_4, window_bounds = array<i64: 512, 768>}]} {
    %get3A = arith.constant 0 : index
    %get3A_0 = arith.constant 0 : index
    %get3A_1 = vector.load %arg2[%get3A, %get3A_0] : memref<1x768xf32, #tpu.memory_space<vmem>>, vector<1x768xf32>
    %broadcast_in_dim3A = vector.shape_cast %get3A_1 : vector<1x768xf32> to vector<1x1x768xf32>
    %broadcast_in_dim3A_2 = vector.shape_cast %broadcast_in_dim3A : vector<1x1x768xf32> to vector<1x1x768xf32>
    %broadcast_in_dim3A_3 = vector.broadcast %broadcast_in_dim3A_2 : vector<1x1x768xf32> to vector<512x1x768xf32>
    %reshape3A = vector.shape_cast %broadcast_in_dim3A_3 : vector<512x1x768xf32> to vector<512x768xf32>
    %get3A_4 = arith.constant 0 : index
    %get3A_5 = arith.constant 0 : index
    %get3A_6 = vector.load %arg1[%get3A_4, %get3A_5] : memref<512x768xf32, #tpu.memory_space<vmem>>, vector<512x768xf32>
    %add3A = arith.addf %get3A_6, %reshape3A : vector<512x768xf32>
    %reduce_sum3A = arith.constant dense<0.000000e+00> : vector<512xf32>
    %reduce_sum3A_7 = vector.multi_reduction <add>, %add3A, %reduce_sum3A [1] : vector<512x768xf32> to vector<512xf32>
    %broadcast_in_dim3A_8 = vector.shape_cast %reduce_sum3A_7 : vector<512xf32> to vector<512x1xf32>
    %div3A = arith.constant 7.680000e+02 : f32
    %div3A_9 = vector.broadcast %div3A : f32 to vector<512x1xf32>
    %div3A_10 = arith.divf %broadcast_in_dim3A_8, %div3A_9 : vector<512x1xf32>
    %sub3A = vector.broadcast %div3A_10 : vector<512x1xf32> to vector<512x768xf32>
    %sub3A_11 = arith.subf %add3A, %sub3A : vector<512x768xf32>
    %mul3A = arith.mulf %sub3A_11, %sub3A_11 : vector<512x768xf32>
    %reduce_sum3A_12 = arith.constant dense<0.000000e+00> : vector<512xf32>
    %reduce_sum3A_13 = vector.multi_reduction <add>, %mul3A, %reduce_sum3A_12 [1] : vector<512x768xf32> to vector<512xf32>
    %broadcast_in_dim3A_14 = vector.shape_cast %reduce_sum3A_13 : vector<512xf32> to vector<512x1xf32>
    %div3A_15 = arith.constant 7.680000e+02 : f32
    %div3A_16 = vector.broadcast %div3A_15 : f32 to vector<512x1xf32>
    %div3A_17 = arith.divf %broadcast_in_dim3A_14, %div3A_16 : vector<512x1xf32>
    %add3A_18 = arith.constant 9.99999996E-13 : f32
    %add3A_19 = vector.broadcast %add3A_18 : f32 to vector<512x1xf32>
    %add3A_20 = arith.addf %div3A_17, %add3A_19 : vector<512x1xf32>
    %rsqrt3A = math.rsqrt %add3A_20 : vector<512x1xf32>
    %mul3A_21 = vector.broadcast %rsqrt3A : vector<512x1xf32> to vector<512x768xf32>
    %mul3A_22 = arith.mulf %sub3A_11, %mul3A_21 : vector<512x768xf32>
    %get3A_23 = arith.constant 0 : index
    %get3A_24 = arith.constant 0 : index
    %get3A_25 = vector.load %arg3[%get3A_23, %get3A_24] : memref<1x768xf32, #tpu.memory_space<vmem>>, vector<1x768xf32>
    %mul3A_26 = vector.broadcast %get3A_25 : vector<1x768xf32> to vector<512x768xf32>
    %mul3A_27 = arith.mulf %mul3A_22, %mul3A_26 : vector<512x768xf32>
    %get3A_28 = arith.constant 0 : index
    %get3A_29 = arith.constant 0 : index
    %get3A_30 = vector.load %arg4[%get3A_28, %get3A_29] : memref<1x768xf32, #tpu.memory_space<vmem>>, vector<1x768xf32>
    %add3A_31 = vector.broadcast %get3A_30 : vector<1x768xf32> to vector<512x768xf32>
    %add3A_32 = arith.addf %mul3A_27, %add3A_31 : vector<512x768xf32>
    %swap3A = arith.constant 0 : index
    %swap3A_33 = arith.constant 0 : index
    %swap3A_34 = vector.load %arg5[%swap3A, %swap3A_33] : memref<512x768xf32, #tpu.memory_space<vmem>>, vector<512x768xf32>
    tpu.vector_store %arg5[%swap3A, %swap3A_33], %add3A_32 {strides = array<i32>} : memref<512x768xf32, #tpu.memory_space<vmem>>, vector<512x768xf32>,
    return
  }
  func.func @transform_0(%arg0: i32) -> (i32, i32) {
    %c0_i32 = arith.constant 0 : i32
    %c0_i32_0 = arith.constant 0 : i32
    return %arg0, %c0_i32 : i32, i32
  }
  func.func @transform_1(%arg0: i32) -> (i32, i32) {
    %c0_i32 = arith.constant 0 : i32
    %c0_i32_0 = arith.constant 0 : i32
    %c0_i32_1 = arith.constant 0 : i32
    return %c0_i32, %c0_i32_0 : i32, i32
  }
  func.func @transform_2(%arg0: i32) -> (i32, i32) {
    %c0_i32 = arith.constant 0 : i32
    %c0_i32_0 = arith.constant 0 : i32
    %c0_i32_1 = arith.constant 0 : i32
    return %c0_i32, %c0_i32_0 : i32, i32
  }
  func.func @transform_3(%arg0: i32) -> (i32, i32) {
    %c0_i32 = arith.constant 0 : i32
    %c0_i32_0 = arith.constant 0 : i32
    %c0_i32_1 = arith.constant 0 : i32
    return %c0_i32, %c0_i32_0 : i32, i32
  }
  func.func @transform_4(%arg0: i32) -> (i32, i32) {
    %c0_i32 = arith.constant 0 : i32
    %c0_i32_0 = arith.constant 0 : i32
    return %arg0, %c0_i32 : i32, i32
  }
}

module attributes {stable_mosaic.version = 14 : i64} {
  func.func @_ln_alias_body(%arg0: i32, %arg1: memref<512x768xf32, #tpu.memory_space<vmem>>, %arg2: memref<8x128xf32, #tpu.memory_space<vmem>>, %arg3: memref<1x768xf32, #tpu.memory_space<vmem>>, %arg4: memref<1x768xf32, #tpu.memory_space<vmem>>, %arg5: memref<1x768xf32, #tpu.memory_space<vmem>>, %arg6: memref<512x768xf32, #tpu.memory_space<vmem>>) attributes {dimension_semantics = [#tpu.dimension_semantics<arbitrary>], iteration_bounds = array<i64: 10>, scalar_prefetch = 0 : i64, scratch_operands = 0 : i64, tpu.core_type = #tpu.core_type<tc>, window_params = [{transform_indices = @transform_0, window_bounds = array<i64: 512, 768>}, {transform_indices = @transform_1, window_bounds = array<i64: 8, 128>}, {pipeline_mode = #tpu.pipeline_mode<synchronous>, transform_indices = @transform_2, window_bounds = array<i64: 1, 768>}, {pipeline_mode = #tpu.pipeline_mode<synchronous>, transform_indices = @transform_3, window_bounds = array<i64: 1, 768>}, {pipeline_mode = #tpu.pipeline_mode<synchronous>, transform_indices = @transform_4, window_bounds = array<i64: 1, 768>}, {transform_indices = @transform_5, window_bounds = array<i64: 512, 768>}]} {
    %get3A = arith.constant 0 : index
    %get3A_0 = arith.constant 0 : index
    %get3A_1 = vector.load %arg3[%get3A, %get3A_0] : memref<1x768xf32, #tpu.memory_space<vmem>>, vector<1x768xf32>
    %broadcast_in_dim3A = vector.shape_cast %get3A_1 : vector<1x768xf32> to vector<1x1x768xf32>
    %broadcast_in_dim3A_2 = vector.shape_cast %broadcast_in_dim3A : vector<1x1x768xf32> to vector<1x1x768xf32>
    %broadcast_in_dim3A_3 = vector.broadcast %broadcast_in_dim3A_2 : vector<1x1x768xf32> to vector<512x1x768xf32>
    %reshape3A = vector.shape_cast %broadcast_in_dim3A_3 : vector<512x1x768xf32> to vector<512x768xf32>
    %get3A_4 = arith.constant 0 : index
    %get3A_5 = arith.constant 0 : index
    %get3A_6 = vector.load %arg1[%get3A_4, %get3A_5] : memref<512x768xf32, #tpu.memory_space<vmem>>, vector<512x768xf32>
    %add3A = arith.addf %get3A_6, %reshape3A : vector<512x768xf32>
    %reduce_sum3A = arith.constant dense<0.000000e+00> : vector<512xf32>
    %reduce_sum3A_7 = vector.multi_reduction <add>, %add3A, %reduce_sum3A [1] : vector<512x768xf32> to vector<512xf32>
    %broadcast_in_dim3A_8 = vector.shape_cast %reduce_sum3A_7 : vector<512xf32> to vector<512x1xf32>
    %div3A = arith.constant 7.680000e+02 : f32
    %div3A_9 = vector.broadcast %div3A : f32 to vector<512x1xf32>
    %div3A_10 = arith.divf %broadcast_in_dim3A_8, %div3A_9 : vector<512x1xf32>
    %sub3A = vector.broadcast %div3A_10 : vector<512x1xf32> to vector<512x768xf32>
    %sub3A_11 = arith.subf %add3A, %sub3A : vector<512x768xf32>
    %mul3A = arith.mulf %sub3A_11, %sub3A_11 : vector<512x768xf32>
    %reduce_sum3A_12 = arith.constant dense<0.000000e+00> : vector<512xf32>
    %reduce_sum3A_13 = vector.multi_reduction <add>, %mul3A, %reduce_sum3A_12 [1] : vector<512x768xf32> to vector<512xf32>
    %broadcast_in_dim3A_14 = vector.shape_cast %reduce_sum3A_13 : vector<512xf32> to vector<512x1xf32>
    %div3A_15 = arith.constant 7.680000e+02 : f32
    %div3A_16 = vector.broadcast %div3A_15 : f32 to vector<512x1xf32>
    %div3A_17 = arith.divf %broadcast_in_dim3A_14, %div3A_16 : vector<512x1xf32>
    %add3A_18 = arith.constant 9.99999996E-13 : f32
    %add3A_19 = vector.broadcast %add3A_18 : f32 to vector<512x1xf32>
    %add3A_20 = arith.addf %div3A_17, %add3A_19 : vector<512x1xf32>
    %rsqrt3A = math.rsqrt %add3A_20 : vector<512x1xf32>
    %mul3A_21 = vector.broadcast %rsqrt3A : vector<512x1xf32> to vector<512x768xf32>
    %mul3A_22 = arith.mulf %sub3A_11, %mul3A_21 : vector<512x768xf32>
    %get3A_23 = arith.constant 0 : index
    %get3A_24 = arith.constant 0 : index
    %get3A_25 = vector.load %arg4[%get3A_23, %get3A_24] : memref<1x768xf32, #tpu.memory_space<vmem>>, vector<1x768xf32>
    %mul3A_26 = vector.broadcast %get3A_25 : vector<1x768xf32> to vector<512x768xf32>
    %mul3A_27 = arith.mulf %mul3A_22, %mul3A_26 : vector<512x768xf32>
    %get3A_28 = arith.constant 0 : index
    %get3A_29 = arith.constant 0 : index
    %get3A_30 = vector.load %arg5[%get3A_28, %get3A_29] : memref<1x768xf32, #tpu.memory_space<vmem>>, vector<1x768xf32>
    %add3A_31 = vector.broadcast %get3A_30 : vector<1x768xf32> to vector<512x768xf32>
    %add3A_32 = arith.addf %mul3A_27, %add3A_31 : vector<512x768xf32>
    %swap3A = arith.constant 0 : index
    %swap3A_33 = arith.constant 0 : index
    %swap3A_34 = vector.load %arg6[%swap3A, %swap3A_33] : memref<512x768xf32, #tpu.memory_space<vmem>>, vector<512x768xf32>
    tpu.vector_store %arg6[%swap3A, %swap3A_33], %add3A_32 {strides = array<i32>} : memref<512x768xf32, #tpu.memory_space<vmem>>, vector<512x768xf32>,
    return
  }
  func.func @transform_0(%arg0: i32) -> (i32, i32) {
    %c0_i32 = arith.constant 0 : i32
    %c0_i32_0 = arith.constant 0 : i32
    return %arg0, %c0_i32 : i32, i32
  }
  func.func @transform_1(%arg0: i32) -> (i32, i32) {
    %c0_i32 = arith.constant 0 : i32
    %c0_i32_0 = arith.constant 0 : i32
    %c0_i32_1 = arith.constant 0 : i32
    return %c0_i32, %c0_i32_0 : i32, i32
  }
  func.func @transform_2(%arg0: i32) -> (i32, i32) {
    %c0_i32 = arith.constant 0 : i32
    %c0_i32_0 = arith.constant 0 : i32
    %c0_i32_1 = arith.constant 0 : i32
    return %c0_i32, %c0_i32_0 : i32, i32
  }
  func.func @transform_3(%arg0: i32) -> (i32, i32) {
    %c0_i32 = arith.constant 0 : i32
    %c0_i32_0 = arith.constant 0 : i32
    %c0_i32_1 = arith.constant 0 : i32
    return %c0_i32, %c0_i32_0 : i32, i32
  }
  func.func @transform_4(%arg0: i32) -> (i32, i32) {
    %c0_i32 = arith.constant 0 : i32
    %c0_i32_0 = arith.constant 0 : i32
    %c0_i32_1 = arith.constant 0 : i32
    return %c0_i32, %c0_i32_0 : i32, i32
  }
  func.func @transform_5(%arg0: i32) -> (i32, i32) {
    %add3A = arith.constant 5 : i32
    %add3A_0 = arith.addi %arg0, %add3A : i32
    %c0_i32 = arith.constant 0 : i32
    %c0_i32_1 = arith.constant 0 : i32
    return %add3A_0, %c0_i32 : i32, i32
  }
}

</mosaic_0001>

<sc_bundles>
// kernel: kernel.12.cloned.1.call-start
scs
__scs_entry_jumppad:
0x0: {  	(pc) =	sbr.rel $0x88, $3  }
0x1: {  	(tag) =	ssettag $0x0;
	lr =	simm.s32 $0x1  }
0x2: {  	[smem:$0x3F99] =	sst lr;
	_ =	strace $0xD0000000  }
0x3: {  	_ = 	snop  }
0x4: {  	_ = 	snop  }
0x5: {  	_ = 	snop  }
0x6: {  	_ = 	snop  }
0x7: {  	_ = 	snop  }
__scs_overlays_trampoline_lowered:
0x8: {  	[smem:$0x3FA8] =	sst s0  }
0x9: {  	[smem:$0x3FA9] =	sst s1  }
0xa: {  	[smem:$0x3FAA] =	sst s2  }
0xb: {  	[smem:$0x3FAB] =	sst s3  }
0xc: {  	[smem:$0x3FAC] =	sst s4  }
0xd: {  	[smem:$0x3FAD] =	sst s5  }
0xe: {  	[smem:$0x3FAE] =	sst s6  }
0xf: {  	[smem:$0x3FAF] =	sst s7  }
0x10: {  	[smem:$0x3FB0] =	sst s8  }
0x11: {  	[smem:$0x3FB1] =	sst s9;
	s0 =	simm.s32 @!p0 $0x0  }
0x12: {  	s1 =	sld [smem:$0x3F97];
	s0 =	simm.s32 @p0 $0x1  }
0x13: {  	[smem:$0x3FB2] =	sst s0;
	s0 =	simm.s32 @!p1 $0x0  }
0x14: {  	s2 =	sld [smem:$0x3F96];
	s0 =	simm.s32 @p1 $0x1  }
0x15: {  	[smem:$0x3FB3] =	sst s0;
	s0 =	simm.s32 @!p2 $0x0  }
0x16: {  	s3 =	sld [smem:$0x3FDB];
	s0 =	simm.s32 @p2 $0x1  }
0x17: {  	s4 =	simm.s32 $0x1BF5;
	[smem:$0x3FB5] =	sst s0  }
0x18: {  	s0 =	sld [smem:$0x3F98];
	_ =	swait.ge [sflag:s4], $0x0  }
0x19: {  	s7 =	sld [smem:$0x3F99]  }
0x1a: {  	s8 =	sadd.s32 $0xFFFFE003, lr  }
0x1b: {  	s9 =	sadd.s32 $0xFFFFFEF7, lr;
	s5 =	simm.s32 $0xFFFFFFFF;
	p2 =	slt.u32 s8, $0xFFFFF086  }
0x1c: {  	p1 =	slt.u32 s9, $0xF7A;
	s5 =	simm.s32 @!p2 $0x0  }
0x1d: {  	s5 =	simm.s32 @p1 $0x1;
	p0 =	seq.s32 s7, s2  }
0x1e: {  	s7 =	smul.u32 @!p0 $0xF7A, s2;
	p2 =	seq.s32 @!p0 s5, $0x0  }
0x1f: {  	s9 =	smul.u32 $0xF7A, s1;
	s8 =	simm.s32 @!p0 $0x1BF5;
	p2 =	por !p2, p0  }
0x20: {  	[sflag:s8] =	ssyncset.s32 @!p0 $0xFFFFF086;
	s6 =	sadd.s32 @!p0 s3, s7;
	s7 =	simm.s32 @!p0 $0x108  }
0x21: {  	s3 =	sadd.s32 s3, s9;
	s6 =	sadd.s32 @!p0 $0x88, s6;
	s7 =	simm.s32 @p2 $0x1082  }
0x22: {  	[simem:s7], [sflag:s8] =	dma.local @!p0 [hbm:s6], $0xF7A  }
0x23: {  	s9 =	sor.u32 $0xD0000000, s2;
	s6 =	simm.s32 $0x108;
	_ =	swait.ge @!p0 [sflag:s8], $0x0  }
0x24: {  	s3 =	sadd.s32 $0x88, s3;
	s6 =	simm.s32 @!p1 $0x1082;
	[sflag:s4] =	ssyncset.s32 $0xFFFFF086  }
0x25: {  	[simem:s6], [sflag:s4] =	dma.local [hbm:s3], $0xF7A  }
0x26: {  	[smem:$0x3F99] =	sst s1;
	(tag) =	ssettag s2;
	_ =	strace s9  }
0x27: {  	s1 =	sld [smem:$0x3FA9]  }
0x28: {  	s2 =	sld [smem:$0x3FAA]  }
0x29: {  	s4 =	sld [smem:$0x3FAC]  }
0x2a: {  	p0 =	seq.s32 s5, $0x0;
	s5 =	sld [smem:$0x3FAD]  }
0x2b: {  	s6 =	sld [smem:$0x3FAE]  }
0x2c: {  	s7 =	sld [smem:$0x3FAF]  }
0x2d: {  	s3 =	simm.s32 $0x108;
	s8 =	sld [smem:$0x3FB0]  }
0x2e: {  	s3 =	simm.s32 @!p0 $0x1082;
	s9 =	sld [smem:$0x3FB1]  }
0x2f: {  	lr =	sadd.s32 s0, s3;
	s0 =	sld [smem:$0x3FA8]  }
0x30: {  	s3 =	sld [smem:$0x3FAB]  }
0x31: {  	[smem:$0x3FB4] =	sst s10  }
0x32: {  	s10 =	sld [smem:$0x3FB2];
	_ =	sdelay $0x3  }
0x33: {  	p0 =	seq.s32 s10, $0x1;
	s10 =	sld [smem:$0x3FB4];
	_ =	sdelay $0x3  }
0x34: {  	[smem:$0x3FB4] =	sst s10  }
0x35: {  	s10 =	sld [smem:$0x3FB3];
	_ =	sdelay $0x3  }
0x36: {  	p1 =	seq.s32 s10, $0x1;
	s10 =	sld [smem:$0x3FB4];
	_ =	sdelay $0x3  }
0x37: {  	[smem:$0x3FB4] =	sst s10  }
0x38: {  	s10 =	sld [smem:$0x3FB5]  }
0x39: {  	_ = 	snop;
	(pc) =	sbr.ind lr, $3  }
0x3a: {  	_ = 	snop  }
0x3b: {  	_ = 	snop  }
0x3c: {  	p2 =	seq.s32 s10, $0x1;
	s10 =	sld [smem:$0x3FB4]  }
0x3d: {  	_ =	shalt  }
0x3e: {  	_ =	shalt  }
0x3f: {  	_ =	shalt  }
0x40: {  	_ =	shalt  }
0x41: {  	_ =	shalt  }
0x42: {  	_ =	shalt  }
0x43: {  	_ =	shalt  }
0x44: {  	_ =	shalt  }
0x45: {  	_ =	shalt  }
0x46: {  	_ =	shalt  }
0x47: {  	_ =	shalt  }
0x48: {  	_ =	shalt  }
0x49: {  	_ =	shalt  }
0x4a: {  	_ =	shalt  }
0x4b: {  	_ =	shalt  }
0x4c: {  	_ =	shalt  }
0x4d: {  	_ =	shalt  }
0x4e: {  	_ =	shalt  }
0x4f: {  	_ =	shalt  }
0x50: {  	_ =	shalt  }
0x51: {  	_ =	shalt  }
0x52: {  	_ =	shalt  }
0x53: {  	_ =	shalt  }
0x54: {  	_ =	shalt  }
0x55: {  	_ =	shalt  }
0x56: {  	_ =	shalt  }
0x57: {  	_ =	shalt  }
0x58: {  	_ =	shalt  }
0x59: {  	_ =	shalt  }
0x5a: {  	_ =	shalt  }
0x5b: {  	_ =	shalt  }
0x5c: {  	_ =	shalt  }
0x5d: {  	_ =	shalt  }
0x5e: {  	_ =	shalt  }
0x5f: {  	_ =	shalt  }
0x60: {  	_ =	shalt  }
0x61: {  	_ =	shalt  }
0x62: {  	_ =	shalt  }
0x63: {  	_ =	shalt  }
0x64: {  	_ =	shalt  }
0x65: {  	_ =	shalt  }
0x66: {  	_ =	shalt  }
0x67: {  	_ =	shalt  }
0x68: {  	_ =	shalt  }
0x69: {  	_ =	shalt  }
0x6a: {  	_ =	shalt  }
0x6b: {  	_ =	shalt  }
0x6c: {  	_ =	shalt  }
0x6d: {  	_ =	shalt  }
0x6e: {  	_ =	shalt  }
0x6f: {  	_ =	shalt  }
0x70: {  	_ =	shalt  }
0x71: {  	_ =	shalt  }
0x72: {  	_ =	shalt  }
0x73: {  	_ =	shalt  }
0x74: {  	_ =	shalt  }
0x75: {  	_ =	shalt  }
0x76: {  	_ =	shalt  }
0x77: {  	_ =	shalt  }
0x78: {  	_ =	shalt  }
0x79: {  	_ =	shalt  }
0x7a: {  	_ =	shalt  }
0x7b: {  	_ =	shalt  }
0x7c: {  	_ =	shalt  }
0x7d: {  	_ =	shalt  }
0x7e: {  	_ =	shalt  }
0x7f: {  	_ =	shalt  }
0x80: {  	_ =	shalt  }
0x81: {  	_ =	shalt  }
0x82: {  	_ =	shalt  }
0x83: {  	_ =	shalt  }
0x84: {  	_ =	shalt  }
0x85: {  	_ =	shalt  }
0x86: {  	_ =	shalt  }
0x87: {  	_ =	shalt  }
.Lfunc_end0:
.L_simem_size_0:
called_computation_lowered:
.L_overlay_start_0:
0x88: {  	s2 =	sld [smem:$0x3FD9]  }
0x89: {  	s3 =	sld [smem:$0x3FFE];
	_ =	sdelay $0x1  }
0x8a: {  	s1 =	srdreg.scid  }
0x8b: {  	s0 =	sand.u32 $0x1, s1  }
0x8c: {  	s15 =	sshll.u32 s0, $0xA;
	s2 =	sadd.s32 s3, s2  }
0x8d: {  	s2 =	sadd.s32 s2, s15  }
0x8e: {  	[smem:$0x3FC0] =	sst s2  }
0x8f: {  	_ = 	snop  }
0x90: {  	s16 =	sld [smem:$0x3FD0];
	_ =	sdelay $0x2  }
0x91: {  	s4 =	simm.s32 $0xE;
	s5 =	simm.s32 $0x10;
	s2 =	sld [smem:$0x3FC6]  }
0x92: {  	[smem:s5], [sflag:s4] =	dma.local [hbm:s16], $0x1  }
0x93: {  	_ =	swait.eq [sflag:s4], $0x1  }
0x94: {  	[sflag:s4] =	ssyncset.done $0x0  }
0x95: {  	[sflag:s4] =	ssyncadd.s32 $0xFFFFFFFF  }
0x96: {  	s17 =	sld [smem:$0x12];
	(tm) =	ssettm $0x1  }
0x97: {  	s18 =	sld [smem:$0x3FFB];
	_ =	sdelay $0x3  }
0x98: {  	_ =	strace s18  }
0x99: {  	s3 =	sld [smem:$0x3FFC];
	_ =	sdelay $0x3  }
0x9a: {  	_ =	strace s3  }
0x9b: {  	s3 =	sld [smem:$0x3FFD];
	_ =	sdelay $0x3  }
0x9c: {  	_ =	strace s3  }
0x9d: {  	_ =	strace $0x8FFFFFFF  }
0x9e: {  	s19 =	sld [smem:$0x3FDB];
	_ =	sdelay $0x1  }
0x9f: {  	s20 =	simm.s32 $_scs_section_size  }
0xa0: {  	s6 =	simm.s32 $_size__tile_overlayer_lowered;
	s7 =	simm.s32 $_tile_overlayer_lowered  }
0xa1: {  	s8 =	simm.s32 $0x1BFF;
	s21 =	sshll.u32 s7, $0x1;
	s5 =	sadd.s32 s20, s19  }
0xa2: {  	s22 =	simm.s32 $0x0;
	s6 =	sshll.u32 s6, $0x1;
	s7 =	sadd.s32 s21, s5  }
0xa3: {  	[timem:s22], [sflag:s8] =	dma.local [hbm:s7], s6  }
0xa4: {  	_ =	swait.ge [sflag:s8], s6  }
0xa5: {  	s6 =	ssub.s32 $0x0, s6;
	[sflag:s8] =	ssyncset.done $0x0  }
0xa6: {  	[sflag:s8] =	ssyncadd.s32 s6;
	_ =	sdelay $0x1  }
0xa7: {  	s23 =	simm.s32 $0x1B8B  }
0xa8: {  	_ =	swait.ge [sflag:s23], $0x1  }
0xa9: {  	[sflag:s23] =	ssyncset.done $0x0  }
0xaa: {  	[sflag:s23] =	ssyncadd.s32 $0xFFFFFFFF  }
0xab: {  	s6 =	sld [smem:$0x0]  }
0xac: {  	s7 =	sand.u32 $0xFFFFFFFE, s1  }
0xad: {  	p0 =	sne.s32 s1, s7  }
0xae: {  	s7 =	sshll.u32 @p0 s7, $0xE  }
0xaf: {  	s7 =	sadd.s32 @p0 $0x11B8D, s7;
	s8 =	sshll.u32 @p0 s6, $0x11  }
0xb0: {  	s7 =	sor.u32 @p0 s8, s7  }
0xb1: {  	[sflag:s7] =	ssyncadd.remote.s32 @p0 $0x1;
	_ =	sdelay $0x1  }
0xb2: {  	s7 =	simm.s32 @p0 $0x1B8D  }
0xb3: {  	_ =	swait.eq @p0 [sflag:s7], $0x1  }
0xb4: {  	[sflag:s7] =	ssyncadd.s32 @p0 $0xFFFFFFFF  }
0xb5: {  	s8 =	sshll.u32 @!p0 s1, $0xE  }
0xb6: {  	s8 =	sor.u32 @!p0 $0x4000, s8;
	s7 =	simm.s32 @!p0 $0x1B8D  }
0xb7: {  	s6 =	sshll.u32 @!p0 s6, $0x11;
	s8 =	sadd.s32 @!p0 $0x11B8D, s8;
	_ =	swait.eq @!p0 [sflag:s7], $0x1  }
0xb8: {  	s6 =	sor.u32 @!p0 s6, s8;
	[sflag:s7] =	ssyncadd.s32 @!p0 $0xFFFFFFFF  }
0xb9: {  	s25 =	simm.s32 $0x1B8E;
	s24 =	sld [smem:$0x3FFE];
	[sflag:s6] =	ssyncadd.remote.s32 @!p0 $0x1  }
0xba: {  	s26 =	simm.s32 $execute0_lowered;
	[smem:$0x3FD2] =	sst s25  }
0xbb: {  	s7 =	sshll.u32 s26, $0x1;
	_ =	strace $0x8000004F;
	[dreg:$0x1] =	wrdreg $0xFFFFFFFF  }
0xbc: {  	s28 =	simm.s32 $_size_execute0_lowered;
	s5 =	sadd.s32 s5, s7;
	[dreg:$0x0] =	wrdreg $0x0  }
0xbd: {  	s7 =	sshll.u32 s28, $0x1;
	[dreg:$0x2] =	wrdreg s5  }
0xbe: {  	[dreg:$0x3] =	wrdreg s7  }
0xbf: {  	[dreg:$0x4] =	wrdreg $0xC0  }
0xc0: {  	_ =	task [dreg:s22], $0x5FFFF  }
0xc1: {  	[dreg:$0x1] =	wrdreg $0xFFFFFFFF  }
0xc2: {  	[dreg:$0x0] =	wrdreg $0x60  }
0xc3: {  	[dreg:$0x2] =	wrdreg s2  }
0xc4: {  	[dreg:$0x3] =	wrdreg s24  }
0xc5: {  	[dreg:$0x4] =	wrdreg s17  }
0xc6: {  	[dreg:$0x5] =	wrdreg $0x9  }
0xc7: {  	_ =	task.clear_ibuf [dreg:s22], $0x6FFFF;
	_ =	strace $0x9000004F  }
0xc8: {  	s29 =	simm.s32 $0x9;
	_ =	strace $0x80000051  }
0xc9: {  	_ =	swait.ge [sflag:s29], $0x1  }
0xca: {  	[sflag:s29] =	ssyncadd.s32 $0xFFFFFFFF  }
0xcb: {  	_ =	strace $0x90000051  }
0xcc: {  	_ =	sfence  }
0xcd: {  	s30 =	sld [smem:$0x0];
	_ =	sdelay $0x2  }
0xce: {  	s31 =	sshll.u32 s1, $0xD;
	s1 =	sshrl.u32 s1, $0x2  }
0xcf: {  	s4 =	sand.u32 $0x4000, s31;
	s1 =	sadd.s32 s1, s30  }
0xd0: {  	s0 =	sor.u32 s4, s0;
	s1 =	sshll.u32 s1, $0x11  }
0xd1: {  	s0 =	sor.u32 s1, s0  }
0xd2: {  	s0 =	sadd.s32 $0x8F2B, s0  }
0xd3: {  	[sflag:s0] =	ssyncadd.remote.s32 $0x1  }
0xd4: {  	_ =	sfence.sel $0xFFFF  }
0xd5: {  	[dreg:$0x0] =	wrdreg $0xFFFFFFFF;
	(pc) =	sbr.abs _section_cstart, $3  }
0xd6: {  	[dreg:$0x1] =	wrdreg $0xFFFFFFFF  }
0xd7: {  	_ =	task.clear_ibuf [dreg:s22], $0x2FFFF;
	_ =	strace $0x9FFFFFFF  }
0xd8: {  	(tm) =	ssettm $0x7FFFFFFF  }
0xd9: {  	_ =	shalt  }
tec
execute0_lowered:
.L_overlay_start_1:
0x0: {  	(tag) =	ssettag $0x1  }
0x1: {  	s1 =	rddreg [dreg:$0x0]  }
0x2: {  	s2 =	srdreg.scid;
	s4 =	rddreg [dreg:$0x1]  }
0x3: {  	s0 =	stileid.u32;
	s5 =	rddreg [dreg:$0x2]  }
0x4: {  	s16 =	simm.s32 $0x880;
	s2 =	sand.u32 $0x1, s2;
	s3 =	sshll.u32 s0, $0x1  }
0x5: {  	s17 =	simm.s32 $0x1080;
	s6 =	sor.u32 s2, s3;
	s3 =	simm.s32 $0x0  }
0x6: {  	s18 =	simm.s32 $0x1880;
	s20 =	simm.s32 $0x2080;
	[smem:$0x7FF] =	sst s3  }
0x7: {  	s21 =	simm.s32 $0x2880;
	_ =	strace $0x80000050;
	[dreg:$0x7] =	wrdreg s16  }
0x8: {  	s22 =	simm.s32 $0x3080;
	s23 =	simm.s32 $0x3880;
	[dreg:$0x8] =	wrdreg s17  }
0x9: {  	s24 =	simm.s32 $0x4080;
	s25 =	simm.s32 $0x4880;
	[dreg:$0x9] =	wrdreg s18  }
0xa: {  	s8 =	simm.s32 $0x80;
	s26 =	simm.s32 $0x5080;
	[dreg:$0xa] =	wrdreg s20  }
0xb: {  	s10 =	simm.s32 $0x6080;
	s11 =	simm.s32 $0x6880;
	[dreg:$0xb] =	wrdreg s21  }
0xc: {  	s12 =	simm.s32 $0x7080;
	s13 =	simm.s32 $0x7880;
	[dreg:$0xc] =	wrdreg s22  }
0xd: {  	s28 =	simm.s32 $0xE880;
	s29 =	simm.s32 $0x1;
	[dreg:$0xd] =	wrdreg s23  }
0xe: {  	s30 =	simm.s32 $0x2;
	s2 =	ssub.s32 $0x2, s2;
	[dreg:$0xe] =	wrdreg s24  }
0xf: {  	s31 =	simm.s32 $0x3;
	s19 =	sshrl.u32 s2, $0x1;
	[dreg:$0xf] =	wrdreg s25  }
0x10: {  	s6 =	smul.u32 $0x50, s6;
	s2 =	ssub.s32 s2, s19;
	[dreg:$0x10] =	wrdreg s26  }
0x11: {  	s16 =	simm.s32 $0x9080;
	s17 =	simm.s32 $0x9880;
	s18 =	simm.s32 $0xA080  }
0x12: {  	s19 =	simm.s32 $0xA880;
	s20 =	simm.s32 $0xB080;
	s21 =	simm.s32 $0xB880  }
0x13: {  	s22 =	simm.s32 $0xC080;
	s23 =	simm.s32 $0xC880;
	s24 =	simm.s32 $0xD080  }
0x14: {  	s25 =	simm.s32 $0xD880;
	s7 =	sshrl.u32 s6, $0x3;
	s6 =	sadd.s32 $0x28, s6  }
0x15: {  	s4 =	sadd.s32 s7, s4;
	s7 =	smul.u32 $0x300, s7;
	s6 =	sshrl.u32 s6, $0x3  }
0x16: {  	s26 =	simm.s32 $0xE080;
	s4 =	sadd.s32 $0x182C00, s4;
	s6 =	smul.u32 $0x300, s6  }
0x17: {  	[dreg:$0x4] =	wrdreg s4;
	s14 =	sadd.s32 s5, s7;
	s4 =	sadd.s32 $0x100, s1  }
0x18: {  	v2 =	vlaneseq.u32;
	s7 =	simm.s32 $0x5;
	[dreg:$0x5] =	wrdreg s14;
	s15 =	sadd.s32 s5, s6  }
0x19: {  	vm0 =	vmmov $0xffff;
	v1 =	vshrl.u32 v2, $0x3;
	s5 =	sadd.s32 $0x200, s1;
	s6 =	smax.u32 s2, $0x1;
	s14 =	simm.s32 $0x8080  }
0x1a: {  	v0 =	vand.u32 $0x7, v2;
	v2 =	vor.u32 $0x8, v2;
	v1 =	vmul.u32 $0x8, v1;
	s2 =	simm.s32 $0x4;
	[dreg:$0x6] =	wrdreg s15;
	s15 =	simm.s32 $0x8880  }
.LBB2_1:
0x1b: {  	s0 =	rddreg [dreg:$0x4]  }
0x1c: {  	[tilespmem:s3], [sflag:$0x5] =	stream.linear.gather [hbm4b:s0+s3], $0x50, $0x38;
	[tilespmem:$0xF080] =	vst v63  }
0x1d: {  	_ =	swait.ge [sflag:s7], $0x50  }
0x1e: {  	[sflag:s7] =	ssyncset.done $0x0  }
0x1f: {  	[sflag:s7] =	ssyncadd.s32 $0xFFFFFFB0  }
0x20: {  	v3 =	vld [tilespmem:$0x0];
	_ =	sdelay $0x4  }
0x21: {  	v4 =	vshrl.u32 v3, $0x3  }
0x22: {  	v4 =	vmul.u32 $0x30, v4  }
0x23: {  	v3 =	vand.u32 $0x7, v3  }
0x24: {  	v3 =	vor.u32 v3, v4  }
0x25: {  	v4 =	vperm.xlane v3, v0;
	_ =	sdelay $0x1  }
0x26: {  	v4 =	vadd.s32 v1, v4;
	_ =	sdelay $0x3  }
0x27: {  	v3 =	vperm.xlane v3, v2  }
0x28: {  	[tilespmem:s8], [sflag:$0x1] =	stream.indirect_vreg.gather [hbm4b:s1+s3], $0x80, v4, vm0, $0xb8;
	[tilespmem:$0xF080] =	vst v63  }
0x29: {  	s0 =	rddreg [dreg:$0x7];
	v3 =	vadd.s32 v1, v3  }
0x2a: {  	[tilespmem:s0], [sflag:$0x1] =	stream.indirect_vreg.gather [hbm4b:s4+s3], $0x80, v4, vm0, $0xb8;
	[tilespmem:$0xF080] =	vst v63  }
0x2b: {  	s9 =	rddreg [dreg:$0x8]  }
0x2c: {  	[tilespmem:s9], [sflag:$0x1] =	stream.indirect_vreg.gather [hbm4b:s5+s3], $0x80, v4, vm0, $0xb8;
	[tilespmem:$0xF080] =	vst v63  }
0x2d: {  	s0 =	rddreg [dreg:$0x9]  }
0x2e: {  	[tilespmem:s0], [sflag:$0x1] =	stream.indirect_vreg.gather [hbm4b:s1+s3], $0x80, v3, vm0, $0xb8;
	[tilespmem:$0xF080] =	vst v63  }
0x2f: {  	s9 =	rddreg [dreg:$0xa]  }
0x30: {  	[tilespmem:s9], [sflag:$0x1] =	stream.indirect_vreg.gather [hbm4b:s4+s3], $0x80, v3, vm0, $0xb8;
	[tilespmem:$0xF080] =	vst v63  }
0x31: {  	s0 =	rddreg [dreg:$0xb]  }
0x32: {  	[tilespmem:s0], [sflag:$0x1] =	stream.indirect_vreg.gather [hbm4b:s5+s3], $0x80, v3, vm0, $0xb8;
	[tilespmem:$0xF080] =	vst v63  }
0x33: {  	v3 =	vld [tilespmem:$0x10];
	_ =	sdelay $0x4  }
0x34: {  	v59 =	vshrl.u32 v3, $0x3  }
0x35: {  	v4 =	vmul.u32 $0x30, v59  }
0x36: {  	v3 =	vand.u32 $0x7, v3  }
0x37: {  	v3 =	vor.u32 v3, v4  }
0x38: {  	v4 =	vperm.xlane v3, v0;
	_ =	sdelay $0x1  }
0x39: {  	v4 =	vadd.s32 v1, v4;
	_ =	sdelay $0x3  }
0x3a: {  	s0 =	rddreg [dreg:$0xc];
	v3 =	vperm.xlane v3, v2  }
0x3b: {  	[tilespmem:s0], [sflag:$0x1] =	stream.indirect_vreg.gather [hbm4b:s1+s3], $0x80, v4, vm0, $0xb8;
	[tilespmem:$0xF080] =	vst v63  }
0x3c: {  	s9 =	rddreg [dreg:$0xd];
	v3 =	vadd.s32 v1, v3  }
0x3d: {  	[tilespmem:s9], [sflag:$0x1] =	stream.indirect_vreg.gather [hbm4b:s4+s3], $0x80, v4, vm0, $0xb8;
	[tilespmem:$0xF080] =	vst v63  }
0x3e: {  	s0 =	rddreg [dreg:$0xe]  }
0x3f: {  	[tilespmem:s0], [sflag:$0x1] =	stream.indirect_vreg.gather [hbm4b:s5+s3], $0x80, v4, vm0, $0xb8;
	[tilespmem:$0xF080] =	vst v63  }
0x40: {  	s9 =	rddreg [dreg:$0xf]  }
0x41: {  	[tilespmem:s9], [sflag:$0x1] =	stream.indirect_vreg.gather [hbm4b:s1+s3], $0x80, v3, vm0, $0xb8;
	[tilespmem:$0xF080] =	vst v63  }
0x42: {  	s0 =	rddreg [dreg:$0x10]  }
0x43: {  	[tilespmem:s0], [sflag:$0x1] =	stream.indirect_vreg.gather [hbm4b:s4+s3], $0x80, v3, vm0, $0xb8;
	[tilespmem:$0xF080] =	vst v63  }
0x44: {  	s9 =	simm.s32 $0x5880  }
0x45: {  	[tilespmem:s9], [sflag:$0x1] =	stream.indirect_vreg.gather [hbm4b:s5+s3], $0x80, v3, vm0, $0xb8;
	[tilespmem:$0xF080] =	vst v63  }
0x46: {  	v3 =	vld.msk [tilespmem:$0x20], $0xff;
	_ =	sdelay $0x4  }
0x47: {  	v60 =	vshrl.u32 v3, $0x3  }
0x48: {  	v4 =	vmul.u32 $0x30, v60  }
0x49: {  	v3 =	vand.u32 $0x7, v3  }
0x4a: {  	v3 =	vor.u32 v3, v4  }
0x4b: {  	v3 =	vperm.xlane v3, v0;
	_ =	sdelay $0x1  }
0x4c: {  	v3 =	vadd.s32 v1, v3;
	_ =	sdelay $0x4  }
0x4d: {  	[tilespmem:s10], [sflag:$0x1] =	stream.indirect_vreg.gather [hbm4b:s1+s3], $0x80, v3, vm0, $0xb8;
	[tilespmem:$0xF080] =	vst v63  }
0x4e: {  	_ = 	snop  }
0x4f: {  	[tilespmem:s11], [sflag:$0x1] =	stream.indirect_vreg.gather [hbm4b:s4+s3], $0x80, v3, vm0, $0xb8;
	[tilespmem:$0xF080] =	vst v63  }
0x50: {  	_ = 	snop  }
0x51: {  	[tilespmem:s12], [sflag:$0x1] =	stream.indirect_vreg.gather [hbm4b:s5+s3], $0x80, v3, vm0, $0xb8;
	[tilespmem:$0xF080] =	vst v63  }
0x52: {  	v3 =	vld [tilespmem:$0x28];
	_ =	sdelay $0x4  }
0x53: {  	v61 =	vshrl.u32 v3, $0x3  }
0x54: {  	v4 =	vmul.u32 $0x30, v61  }
0x55: {  	v3 =	vand.u32 $0x7, v3  }
0x56: {  	v3 =	vor.u32 v3, v4  }
0x57: {  	v4 =	vperm.xlane v3, v0;
	_ =	sdelay $0x1  }
0x58: {  	v4 =	vadd.s32 v1, v4;
	_ =	sdelay $0x3  }
0x59: {  	v3 =	vperm.xlane v3, v2  }
0x5a: {  	[tilespmem:s13], [sflag:$0x2] =	stream.indirect_vreg.gather [hbm4b:s1+s3], $0x80, v4, vm0, $0xb8;
	[tilespmem:$0xF080] =	vst v63  }
0x5b: {  	v3 =	vadd.s32 v1, v3  }
0x5c: {  	[tilespmem:s14], [sflag:$0x2] =	stream.indirect_vreg.gather [hbm4b:s4+s3], $0x80, v4, vm0, $0xb8;
	[tilespmem:$0xF080] =	vst v63  }
0x5d: {  	_ = 	snop  }
0x5e: {  	[tilespmem:s15], [sflag:$0x2] =	stream.indirect_vreg.gather [hbm4b:s5+s3], $0x80, v4, vm0, $0xb8;
	[tilespmem:$0xF080] =	vst v63  }
0x5f: {  	_ = 	snop  }
0x60: {  	[tilespmem:s16], [sflag:$0x2] =	stream.indirect_vreg.gather [hbm4b:s1+s3], $0x80, v3, vm0, $0xb8;
	[tilespmem:$0xF080] =	vst v63  }
0x61: {  	_ = 	snop  }
0x62: {  	[tilespmem:s17], [sflag:$0x2] =	stream.indirect_vreg.gather [hbm4b:s4+s3], $0x80, v3, vm0, $0xb8;
	[tilespmem:$0xF080] =	vst v63  }
0x63: {  	_ = 	snop  }
0x64: {  	[tilespmem:s18], [sflag:$0x2] =	stream.indirect_vreg.gather [hbm4b:s5+s3], $0x80, v3, vm0, $0xb8;
	[tilespmem:$0xF080] =	vst v63  }
0x65: {  	v3 =	vld [tilespmem:$0x38];
	_ =	sdelay $0x4  }
0x66: {  	v62 =	vshrl.u32 v3, $0x3  }
0x67: {  	v4 =	vmul.u32 $0x30, v62  }
0x68: {  	v3 =	vand.u32 $0x7, v3  }
0x69: {  	v3 =	vor.u32 v3, v4  }
0x6a: {  	v4 =	vperm.xlane v3, v0;
	_ =	sdelay $0x1  }
0x6b: {  	v4 =	vadd.s32 v1, v4;
	_ =	sdelay $0x3  }
0x6c: {  	v3 =	vperm.xlane v3, v2  }
0x6d: {  	[tilespmem:s19], [sflag:$0x2] =	stream.indirect_vreg.gather [hbm4b:s1+s3], $0x80, v4, vm0, $0xb8;
	[tilespmem:$0xF080] =	vst v63  }
0x6e: {  	v3 =	vadd.s32 v1, v3  }
0x6f: {  	[tilespmem:s20], [sflag:$0x2] =	stream.indirect_vreg.gather [hbm4b:s4+s3], $0x80, v4, vm0, $0xb8;
	[tilespmem:$0xF080] =	vst v63  }
0x70: {  	_ = 	snop  }
0x71: {  	[tilespmem:s21], [sflag:$0x2] =	stream.indirect_vreg.gather [hbm4b:s5+s3], $0x80, v4, vm0, $0xb8;
	[tilespmem:$0xF080] =	vst v63  }
0x72: {  	_ = 	snop  }
0x73: {  	[tilespmem:s22], [sflag:$0x2] =	stream.indirect_vreg.gather [hbm4b:s1+s3], $0x80, v3, vm0, $0xb8;
	[tilespmem:$0xF080] =	vst v63  }
0x74: {  	_ = 	snop  }
0x75: {  	[tilespmem:s23], [sflag:$0x2] =	stream.indirect_vreg.gather [hbm4b:s4+s3], $0x80, v3, vm0, $0xb8;
	[tilespmem:$0xF080] =	vst v63  }
0x76: {  	_ = 	snop  }
0x77: {  	[tilespmem:s24], [sflag:$0x2] =	stream.indirect_vreg.gather [hbm4b:s5+s3], $0x80, v3, vm0, $0xb8;
	[tilespmem:$0xF080] =	vst v63  }
0x78: {  	v3 =	vld.msk [tilespmem:$0x48], $0xff;
	_ =	sdelay $0x4  }
0x79: {  	v63 =	vshrl.u32 v3, $0x3  }
0x7a: {  	v4 =	vmul.u32 $0x30, v63  }
0x7b: {  	v3 =	vand.u32 $0x7, v3  }
0x7c: {  	v3 =	vor.u32 v3, v4  }
0x7d: {  	v3 =	vperm.xlane v3, v0;
	_ =	sdelay $0x1  }
0x7e: {  	v3 =	vadd.s32 v1, v3;
	_ =	sdelay $0x4  }
0x7f: {  	[tilespmem:s25], [sflag:$0x2] =	stream.indirect_vreg.gather [hbm4b:s1+s3], $0x80, v3, vm0, $0xb8;
	[tilespmem:$0xF080] =	vst v63  }
0x80: {  	_ = 	snop  }
0x81: {  	[tilespmem:s26], [sflag:$0x2] =	stream.indirect_vreg.gather [hbm4b:s4+s3], $0x80, v3, vm0, $0xb8;
	[tilespmem:$0xF080] =	vst v63  }
0x82: {  	_ = 	snop  }
0x83: {  	[tilespmem:s28], [sflag:$0x2] =	stream.indirect_vreg.gather [hbm4b:s5+s3], $0x80, v3, vm0, $0xb8;
	[tilespmem:$0xF080] =	vst v63  }
0x84: {  	_ =	swait.ge [sflag:s29], $0x7800  }
0x85: {  	[sflag:s29] =	ssyncset.done $0x0  }
0x86: {  	s9 =	rddreg [dreg:$0x5];
	[sflag:s29] =	ssyncadd.s32 $0xFFFF8800  }
0x87: {  	[hbm4b:s9+s3] =	stream.linear.scatter [tilespmem:s8], [sflag:$0x3], $0x7800, $0x38;
	[tilespmem:$0xF080] =	vst v63  }
0x88: {  	_ =	swait.ge [sflag:s30], $0x7800  }
0x89: {  	[sflag:s30] =	ssyncset.done $0x0  }
0x8a: {  	s9 =	rddreg [dreg:$0x6];
	[sflag:s30] =	ssyncadd.s32 $0xFFFF8800  }
0x8b: {  	[hbm4b:s9+s3] =	stream.linear.scatter [tilespmem:s13], [sflag:$0x4], $0x7800, $0x38;
	[tilespmem:$0xF080] =	vst v63  }
0x8c: {  	p0 =	sne.s32 s6, $0x1;
	_ =	swait.ge [sflag:s31], $0x7800  }
.Ltmp0:
0x8d: {  	[sflag:s31] =	ssyncset.done $0x0;
	(pc) =	sbr.rel @p0 .LBB2_1-.Ltmp0, $4  }
0x8e: {  	[sflag:s31] =	ssyncadd.s32 $0xFFFF8800  }
0x8f: {  	_ =	swait.ge [sflag:s2], $0x7800  }
0x90: {  	[sflag:s2] =	ssyncset.done $0x0  }
0x91: {  	s6 =	sadd.s32 $0xFFFFFFFF, s6;
	[sflag:s2] =	ssyncadd.s32 $0xFFFF8800  }
0x92: {  	_ =	sfence.sel $0x180000  }
0x93: {  	[bflag:$0x0] =	sbarrier.arrive $0xFFFF  }
0x94: {  	_ =	strace $0x90000050  }
0x95: {  	s0 =	stileid.u32;
	[bflag:$0x2] =	sbarrier.arrive $0xFFFF  }
0x96: {  	p0 =	sne.s32 s0, $0x0;
	s0 =	rddreg [dreg:$0x3]  }
0x97: {  	s0 =	sadd.s32 @!p0 $0x100000, s0  }
0x98: {  	[sflag:s0] =	ssyncadd.tile.s32 @!p0 $0x1;
	_ =	shalt  }
.Lfunc_end2:
_tile_overlayer_lowered:
.L_overlay_start_2:
0x99: {  	(tag) =	ssettag $0x2  }
0x9a: {  	s0 =	rddreg [dreg:$0x0];
	s2 =	stileid.u32  }
0x9b: {  	s1 =	rddreg [dreg:$0x1];
	p0 =	sne.s32 s2, $0x0  }
0x9c: {  	s3 =	rddreg [dreg:$0x2];
	[bflag:$0x3] =	sbarrier.arrive $0xFFFF;
	s2 =	simm.s32 @!p0 $0x1C05  }
0x9d: {  	[timem:s3], [sflag:s2] =	dma.local @!p0 [hbm:s0], s1  }
0x9e: {  	s0 =	simm.s32 @!p0 $0x5  }
0x9f: {  	_ =	swait.ge @!p0 [sflag:s0], s1  }
0xa0: {  	s1 =	ssub.s32 @!p0 $0x0, s1;
	[sflag:s0] =	ssyncset.done @!p0 $0x0  }
0xa1: {  	[sflag:s0] =	ssyncadd.s32 @!p0 s1  }
0xa2: {  	[bflag:$0x3] =	sbarrier.arrive $0xFFFF  }
0xa3: {  	_ =	shalt  }

// kernel: kernel.15.cloned.1.call-start
scs
__scs_entry_jumppad:
0x0: {  	(pc) =	sbr.rel $0x88, $3  }
0x1: {  	(tag) =	ssettag $0x0;
	lr =	simm.s32 $0x1  }
0x2: {  	[smem:$0x3F99] =	sst lr;
	_ =	strace $0xD0000000  }
0x3: {  	_ = 	snop  }
0x4: {  	_ = 	snop  }
0x5: {  	_ = 	snop  }
0x6: {  	_ = 	snop  }
0x7: {  	_ = 	snop  }
__scs_overlays_trampoline_lowered:
0x8: {  	[smem:$0x3FA8] =	sst s0  }
0x9: {  	[smem:$0x3FA9] =	sst s1  }
0xa: {  	[smem:$0x3FAA] =	sst s2  }
0xb: {  	[smem:$0x3FAB] =	sst s3  }
0xc: {  	[smem:$0x3FAC] =	sst s4  }
0xd: {  	[smem:$0x3FAD] =	sst s5  }
0xe: {  	[smem:$0x3FAE] =	sst s6  }
0xf: {  	[smem:$0x3FAF] =	sst s7  }
0x10: {  	[smem:$0x3FB0] =	sst s8  }
0x11: {  	[smem:$0x3FB1] =	sst s9;
	s0 =	simm.s32 @!p0 $0x0  }
0x12: {  	s1 =	sld [smem:$0x3F97];
	s0 =	simm.s32 @p0 $0x1  }
0x13: {  	[smem:$0x3FB2] =	sst s0;
	s0 =	simm.s32 @!p1 $0x0  }
0x14: {  	s2 =	sld [smem:$0x3F96];
	s0 =	simm.s32 @p1 $0x1  }
0x15: {  	[smem:$0x3FB3] =	sst s0;
	s0 =	simm.s32 @!p2 $0x0  }
0x16: {  	s3 =	sld [smem:$0x3FDB];
	s0 =	simm.s32 @p2 $0x1  }
0x17: {  	s4 =	simm.s32 $0x1BF5;
	[smem:$0x3FB5] =	sst s0  }
0x18: {  	s0 =	sld [smem:$0x3F98];
	_ =	swait.ge [sflag:s4], $0x0  }
0x19: {  	s7 =	sld [smem:$0x3F99]  }
0x1a: {  	s8 =	sadd.s32 $0xFFFFE003, lr  }
0x1b: {  	s9 =	sadd.s32 $0xFFFFFEF7, lr;
	s5 =	simm.s32 $0xFFFFFFFF;
	p2 =	slt.u32 s8, $0xFFFFF086  }
0x1c: {  	p1 =	slt.u32 s9, $0xF7A;
	s5 =	simm.s32 @!p2 $0x0  }
0x1d: {  	s5 =	simm.s32 @p1 $0x1;
	p0 =	seq.s32 s7, s2  }
0x1e: {  	s7 =	smul.u32 @!p0 $0xF7A, s2;
	p2 =	seq.s32 @!p0 s5, $0x0  }
0x1f: {  	s9 =	smul.u32 $0xF7A, s1;
	s8 =	simm.s32 @!p0 $0x1BF5;
	p2 =	por !p2, p0  }
0x20: {  	[sflag:s8] =	ssyncset.s32 @!p0 $0xFFFFF086;
	s6 =	sadd.s32 @!p0 s3, s7;
	s7 =	simm.s32 @!p0 $0x108  }
0x21: {  	s3 =	sadd.s32 s3, s9;
	s6 =	sadd.s32 @!p0 $0x88, s6;
	s7 =	simm.s32 @p2 $0x1082  }
0x22: {  	[simem:s7], [sflag:s8] =	dma.local @!p0 [hbm:s6], $0xF7A  }
0x23: {  	s9 =	sor.u32 $0xD0000000, s2;
	s6 =	simm.s32 $0x108;
	_ =	swait.ge @!p0 [sflag:s8], $0x0  }
0x24: {  	s3 =	sadd.s32 $0x88, s3;
	s6 =	simm.s32 @!p1 $0x1082;
	[sflag:s4] =	ssyncset.s32 $0xFFFFF086  }
0x25: {  	[simem:s6], [sflag:s4] =	dma.local [hbm:s3], $0xF7A  }
0x26: {  	[smem:$0x3F99] =	sst s1;
	(tag) =	ssettag s2;
	_ =	strace s9  }
0x27: {  	s1 =	sld [smem:$0x3FA9]  }
0x28: {  	s2 =	sld [smem:$0x3FAA]  }
0x29: {  	s4 =	sld [smem:$0x3FAC]  }
0x2a: {  	p0 =	seq.s32 s5, $0x0;
	s5 =	sld [smem:$0x3FAD]  }
0x2b: {  	s6 =	sld [smem:$0x3FAE]  }
0x2c: {  	s7 =	sld [smem:$0x3FAF]  }
0x2d: {  	s3 =	simm.s32 $0x108;
	s8 =	sld [smem:$0x3FB0]  }
0x2e: {  	s3 =	simm.s32 @!p0 $0x1082;
	s9 =	sld [smem:$0x3FB1]  }
0x2f: {  	lr =	sadd.s32 s0, s3;
	s0 =	sld [smem:$0x3FA8]  }
0x30: {  	s3 =	sld [smem:$0x3FAB]  }
0x31: {  	[smem:$0x3FB4] =	sst s10  }
0x32: {  	s10 =	sld [smem:$0x3FB2];
	_ =	sdelay $0x3  }
0x33: {  	p0 =	seq.s32 s10, $0x1;
	s10 =	sld [smem:$0x3FB4];
	_ =	sdelay $0x3  }
0x34: {  	[smem:$0x3FB4] =	sst s10  }
0x35: {  	s10 =	sld [smem:$0x3FB3];
	_ =	sdelay $0x3  }
0x36: {  	p1 =	seq.s32 s10, $0x1;
	s10 =	sld [smem:$0x3FB4];
	_ =	sdelay $0x3  }
0x37: {  	[smem:$0x3FB4] =	sst s10  }
0x38: {  	s10 =	sld [smem:$0x3FB5]  }
0x39: {  	_ = 	snop;
	(pc) =	sbr.ind lr, $3  }
0x3a: {  	_ = 	snop  }
0x3b: {  	_ = 	snop  }
0x3c: {  	p2 =	seq.s32 s10, $0x1;
	s10 =	sld [smem:$0x3FB4]  }
0x3d: {  	_ =	shalt  }
0x3e: {  	_ =	shalt  }
0x3f: {  	_ =	shalt  }
0x40: {  	_ =	shalt  }
0x41: {  	_ =	shalt  }
0x42: {  	_ =	shalt  }
0x43: {  	_ =	shalt  }
0x44: {  	_ =	shalt  }
0x45: {  	_ =	shalt  }
0x46: {  	_ =	shalt  }
0x47: {  	_ =	shalt  }
0x48: {  	_ =	shalt  }
0x49: {  	_ =	shalt  }
0x4a: {  	_ =	shalt  }
0x4b: {  	_ =	shalt  }
0x4c: {  	_ =	shalt  }
0x4d: {  	_ =	shalt  }
0x4e: {  	_ =	shalt  }
0x4f: {  	_ =	shalt  }
0x50: {  	_ =	shalt  }
0x51: {  	_ =	shalt  }
0x52: {  	_ =	shalt  }
0x53: {  	_ =	shalt  }
0x54: {  	_ =	shalt  }
0x55: {  	_ =	shalt  }
0x56: {  	_ =	shalt  }
0x57: {  	_ =	shalt  }
0x58: {  	_ =	shalt  }
0x59: {  	_ =	shalt  }
0x5a: {  	_ =	shalt  }
0x5b: {  	_ =	shalt  }
0x5c: {  	_ =	shalt  }
0x5d: {  	_ =	shalt  }
0x5e: {  	_ =	shalt  }
0x5f: {  	_ =	shalt  }
0x60: {  	_ =	shalt  }
0x61: {  	_ =	shalt  }
0x62: {  	_ =	shalt  }
0x63: {  	_ =	shalt  }
0x64: {  	_ =	shalt  }
0x65: {  	_ =	shalt  }
0x66: {  	_ =	shalt  }
0x67: {  	_ =	shalt  }
0x68: {  	_ =	shalt  }
0x69: {  	_ =	shalt  }
0x6a: {  	_ =	shalt  }
0x6b: {  	_ =	shalt  }
0x6c: {  	_ =	shalt  }
0x6d: {  	_ =	shalt  }
0x6e: {  	_ =	shalt  }
0x6f: {  	_ =	shalt  }
0x70: {  	_ =	shalt  }
0x71: {  	_ =	shalt  }
0x72: {  	_ =	shalt  }
0x73: {  	_ =	shalt  }
0x74: {  	_ =	shalt  }
0x75: {  	_ =	shalt  }
0x76: {  	_ =	shalt  }
0x77: {  	_ =	shalt  }
0x78: {  	_ =	shalt  }
0x79: {  	_ =	shalt  }
0x7a: {  	_ =	shalt  }
0x7b: {  	_ =	shalt  }
0x7c: {  	_ =	shalt  }
0x7d: {  	_ =	shalt  }
0x7e: {  	_ =	shalt  }
0x7f: {  	_ =	shalt  }
0x80: {  	_ =	shalt  }
0x81: {  	_ =	shalt  }
0x82: {  	_ =	shalt  }
0x83: {  	_ =	shalt  }
0x84: {  	_ =	shalt  }
0x85: {  	_ =	shalt  }
0x86: {  	_ =	shalt  }
0x87: {  	_ =	shalt  }
.Lfunc_end0:
.L_simem_size_0:
called_computation.1_lowered:
.L_overlay_start_0:
0x88: {  	s2 =	sld [smem:$0x3FD9]  }
0x89: {  	s3 =	sld [smem:$0x3FFE];
	_ =	sdelay $0x1  }
0x8a: {  	s1 =	srdreg.scid  }
0x8b: {  	s0 =	sand.u32 $0x1, s1  }
0x8c: {  	s17 =	sshll.u32 s0, $0xA;
	s2 =	sadd.s32 s3, s2  }
0x8d: {  	s2 =	sadd.s32 s2, s17  }
0x8e: {  	[smem:$0x3FC0] =	sst s2  }
0x8f: {  	_ = 	snop  }
0x90: {  	s2 =	sld [smem:$0x3FC6];
	(tm) =	ssettm $0x1  }
0x91: {  	s18 =	sld [smem:$0x3FFB];
	_ =	sdelay $0x3  }
0x92: {  	_ =	strace s18  }
0x93: {  	s3 =	sld [smem:$0x3FFC];
	_ =	sdelay $0x3  }
0x94: {  	_ =	strace s3  }
0x95: {  	s3 =	sld [smem:$0x3FFD];
	_ =	sdelay $0x3  }
0x96: {  	_ =	strace s3  }
0x97: {  	_ =	strace $0x8FFFFFFF  }
0x98: {  	s19 =	sld [smem:$0x3FDB];
	_ =	sdelay $0x1  }
0x99: {  	s4 =	simm.s32 $_scs_section_size  }
0x9a: {  	s5 =	simm.s32 $_size__tile_overlayer_lowered;
	s6 =	simm.s32 $_tile_overlayer_lowered  }
0x9b: {  	s22 =	simm.s32 $0x1BFF;
	s21 =	sshll.u32 s6, $0x1;
	s3 =	sadd.s32 s4, s19  }
0x9c: {  	s7 =	simm.s32 $0x0;
	s20 =	sshll.u32 s5, $0x1;
	s5 =	sadd.s32 s21, s3  }
0x9d: {  	[timem:s7], [sflag:s22] =	dma.local [hbm:s5], s20  }
0x9e: {  	_ =	swait.ge [sflag:s22], s20  }
0x9f: {  	s4 =	ssub.s32 $0x0, s20;
	[sflag:s22] =	ssyncset.done $0x0  }
0xa0: {  	[sflag:s22] =	ssyncadd.s32 s4;
	_ =	sdelay $0x1  }
0xa1: {  	s23 =	simm.s32 $0x1B8B  }
0xa2: {  	_ =	swait.ge [sflag:s23], $0x1  }
0xa3: {  	[sflag:s23] =	ssyncset.done $0x0  }
0xa4: {  	s25 =	simm.s32 $0x1B8E;
	s24 =	sld [smem:$0x3FFE];
	[sflag:s23] =	ssyncadd.s32 $0xFFFFFFFF  }
0xa5: {  	s26 =	simm.s32 $execute0_lowered;
	[smem:$0x3FD2] =	sst s25  }
0xa6: {  	s5 =	sshll.u32 s26, $0x1;
	_ =	strace $0x80000046;
	[dreg:$0x1] =	wrdreg $0xFFFFFFFF  }
0xa7: {  	s28 =	simm.s32 $_size_execute0_lowered;
	s3 =	sadd.s32 s3, s5;
	[dreg:$0x0] =	wrdreg $0x0  }
0xa8: {  	s5 =	sshll.u32 s28, $0x1;
	[dreg:$0x2] =	wrdreg s3  }
0xa9: {  	[dreg:$0x3] =	wrdreg s5  }
0xaa: {  	[dreg:$0x4] =	wrdreg $0xC0  }
0xab: {  	_ =	task [dreg:s7], $0x5FFFF  }
0xac: {  	[dreg:$0x1] =	wrdreg $0xFFFFFFFF  }
0xad: {  	[dreg:$0x0] =	wrdreg $0x60  }
0xae: {  	[dreg:$0x2] =	wrdreg s2  }
0xaf: {  	[dreg:$0x3] =	wrdreg s24  }
0xb0: {  	[dreg:$0x4] =	wrdreg $0xA  }
0xb1: {  	_ =	task.clear_ibuf [dreg:s7], $0x5FFFF;
	_ =	strace $0x90000046  }
0xb2: {  	s29 =	simm.s32 $0xA;
	_ =	strace $0x80000048  }
0xb3: {  	_ =	swait.ge [sflag:s29], $0x1  }
0xb4: {  	[sflag:s29] =	ssyncadd.s32 $0xFFFFFFFF  }
0xb5: {  	_ =	strace $0x90000048  }
0xb6: {  	_ =	sfence  }
0xb7: {  	s30 =	sld [smem:$0x0];
	_ =	sdelay $0x2  }
0xb8: {  	s31 =	sshll.u32 s1, $0xD;
	s1 =	sshrl.u32 s1, $0x2  }
0xb9: {  	s3 =	sand.u32 $0x4000, s31;
	s1 =	sadd.s32 s1, s30  }
0xba: {  	s0 =	sor.u32 s3, s0;
	s1 =	sshll.u32 s1, $0x11  }
0xbb: {  	s0 =	sor.u32 s1, s0  }
0xbc: {  	s0 =	sadd.s32 $0x8F2B, s0  }
0xbd: {  	[sflag:s0] =	ssyncadd.remote.s32 $0x1  }
0xbe: {  	_ =	sfence.sel $0xFFFF  }
0xbf: {  	[dreg:$0x0] =	wrdreg $0xFFFFFFFF;
	(pc) =	sbr.abs _section_cstart, $3  }
0xc0: {  	[dreg:$0x1] =	wrdreg $0xFFFFFFFF  }
0xc1: {  	_ =	task.clear_ibuf [dreg:s7], $0x2FFFF;
	_ =	strace $0x9FFFFFFF  }
0xc2: {  	(tm) =	ssettm $0x7FFFFFFF  }
0xc3: {  	_ =	shalt  }
tec
execute0_lowered:
.L_overlay_start_1:
0x0: {  	(tag) =	ssettag $0x1  }
0x1: {  	s0 =	srdreg.scid  }
0x2: {  	s2 =	rddreg [dreg:$0x0];
	s3 =	stileid.u32  }
0x3: {  	s1 =	rddreg [dreg:$0x1];
	s15 =	simm.s32 $0x900;
	s16 =	simm.s32 $0x1100  }
0x4: {  	s17 =	simm.s32 $0x1900;
	s18 =	simm.s32 $0x2100;
	s19 =	simm.s32 $0x2900  }
0x5: {  	s20 =	simm.s32 $0x3100;
	s21 =	simm.s32 $0x3900;
	s22 =	simm.s32 $0x4100  }
0x6: {  	s28 =	simm.s32 $0x6900;
	s29 =	simm.s32 $0x7100;
	s30 =	simm.s32 $0x7900  }
0x7: {  	s31 =	simm.s32 $0x8100;
	s9 =	simm.s32 $0xA100;
	s10 =	simm.s32 $0xB100  }
0x8: {  	s11 =	simm.s32 $0xB900;
	s12 =	simm.s32 $0xC100;
	s0 =	sand.u32 $0x1, s0  }
0x9: {  	s4 =	sshll.u32 s3, $0x6;
	s3 =	simm.s32 $0x0;
	s5 =	sshll.u32 s0, $0x5  }
0xa: {  	s13 =	simm.s32 $0x1;
	[smem:$0x7FF] =	sst s3;
	s4 =	sor.u32 s5, s4  }
0xb: {  	s0 =	ssub.s32 $0x2, s0;
	_ =	strace $0x80000047;
	s5 =	smul.u32 $0x300, s4  }
0xc: {  	s25 =	sshrl.u32 s0, $0x1;
	s6 =	smul.u32 $0x1800, s4;
	s4 =	sadd.s32 s4, s1  }
0xd: {  	s1 =	sadd.s32 $0x2A00, s1;
	s0 =	ssub.s32 s0, s25;
	s25 =	simm.s32 $0x5900  }
0xe: {  	s4 =	sadd.s32 $0x2200, s4;
	s8 =	smax.u32 s0, $0x1;
	s7 =	sadd.s32 s1, s5  }
0xf: {  	s23 =	sshrl.u32 s6, $0x3;
	[dreg:$0x3] =	wrdreg s4;
	s5 =	sadd.s32 $0x100, s2  }
0x10: {  	[dreg:$0x7] =	wrdreg s7;
	s24 =	sadd.s32 $0x1800, s7;
	s1 =	sadd.s32 s1, s23  }
0x11: {  	v2 =	vlaneseq.u32;
	s6 =	sadd.s32 $0x200, s2;
	[dreg:$0x4] =	wrdreg s24;
	s26 =	sadd.s32 $0x3000, s1  }
0x12: {  	vm0 =	vmmov $0xffff;
	v1 =	vshrl.u32 v2, $0x3;
	s23 =	simm.s32 $0x4900;
	s1 =	sadd.s32 $0x4800, s1;
	[dreg:$0x5] =	wrdreg s26  }
0x13: {  	v0 =	vand.u32 $0x7, v2;
	v2 =	vor.u32 $0x8, v2;
	v1 =	vmul.u32 $0x8, v1;
	s24 =	simm.s32 $0x5100;
	[dreg:$0x6] =	wrdreg s1;
	s26 =	simm.s32 $0x6100  }
.LBB2_1:
0x14: {  	s14 =	rddreg [dreg:$0x3];
	s0 =	simm.s32 $0x5  }
0x15: {  	[tilespmem:s3], [sflag:$0x5] =	stream.linear.gather [hbm4b:s14+s3], $0x100, $0x38;
	[tilespmem:$0x18100] =	vst v63  }
0x16: {  	_ =	swait.ge [sflag:s0], $0x100  }
0x17: {  	[sflag:s0] =	ssyncset.done $0x0  }
0x18: {  	[sflag:s0] =	ssyncadd.s32 $0xFFFFFF00  }
0x19: {  	v3 =	vld [tilespmem:$0x0];
	_ =	sdelay $0x4  }
0x1a: {  	v4 =	vshrl.u32 v3, $0x3  }
0x1b: {  	v4 =	vmul.u32 $0x30, v4  }
0x1c: {  	v3 =	vand.u32 $0x7, v3  }
0x1d: {  	v3 =	vor.u32 v3, v4  }
0x1e: {  	v4 =	vperm.xlane v3, v0;
	_ =	sdelay $0x1  }
0x1f: {  	v4 =	vadd.s32 v1, v4;
	_ =	sdelay $0x3  }
0x20: {  	s1 =	simm.s32 $0x100;
	v3 =	vperm.xlane v3, v2  }
0x21: {  	[tilespmem:s1], [sflag:$0x1] =	stream.indirect_vreg.gather [hbm4b:s2+s3], $0x80, v4, vm0, $0xb8;
	[tilespmem:$0x18100] =	vst v63  }
0x22: {  	v3 =	vadd.s32 v1, v3  }
0x23: {  	[tilespmem:s15], [sflag:$0x1] =	stream.indirect_vreg.gather [hbm4b:s5+s3], $0x80, v4, vm0, $0xb8;
	[tilespmem:$0x18100] =	vst v63  }
0x24: {  	_ = 	snop  }
0x25: {  	[tilespmem:s16], [sflag:$0x1] =	stream.indirect_vreg.gather [hbm4b:s6+s3], $0x80, v4, vm0, $0xb8;
	[tilespmem:$0x18100] =	vst v63  }
0x26: {  	_ = 	snop  }
0x27: {  	[tilespmem:s17], [sflag:$0x1] =	stream.indirect_vreg.gather [hbm4b:s2+s3], $0x80, v3, vm0, $0xb8;
	[tilespmem:$0x18100] =	vst v63  }
0x28: {  	_ = 	snop  }
0x29: {  	[tilespmem:s18], [sflag:$0x1] =	stream.indirect_vreg.gather [hbm4b:s5+s3], $0x80, v3, vm0, $0xb8;
	[tilespmem:$0x18100] =	vst v63  }
0x2a: {  	_ = 	snop  }
0x2b: {  	[tilespmem:s19], [sflag:$0x1] =	stream.indirect_vreg.gather [hbm4b:s6+s3], $0x80, v3, vm0, $0xb8;
	[tilespmem:$0x18100] =	vst v63  }
0x2c: {  	v3 =	vld [tilespmem:$0x10];
	_ =	sdelay $0x4  }
0x2d: {  	v49 =	vshrl.u32 v3, $0x3  }
0x2e: {  	v4 =	vmul.u32 $0x30, v49  }
0x2f: {  	v3 =	vand.u32 $0x7, v3  }
0x30: {  	v3 =	vor.u32 v3, v4  }
0x31: {  	v4 =	vperm.xlane v3, v0;
	_ =	sdelay $0x1  }
0x32: {  	v4 =	vadd.s32 v1, v4;
	_ =	sdelay $0x3  }
0x33: {  	v3 =	vperm.xlane v3, v2  }
0x34: {  	[tilespmem:s20], [sflag:$0x1] =	stream.indirect_vreg.gather [hbm4b:s2+s3], $0x80, v4, vm0, $0xb8;
	[tilespmem:$0x18100] =	vst v63  }
0x35: {  	v3 =	vadd.s32 v1, v3  }
0x36: {  	[tilespmem:s21], [sflag:$0x1] =	stream.indirect_vreg.gather [hbm4b:s5+s3], $0x80, v4, vm0, $0xb8;
	[tilespmem:$0x18100] =	vst v63  }
0x37: {  	_ = 	snop  }
0x38: {  	[tilespmem:s22], [sflag:$0x1] =	stream.indirect_vreg.gather [hbm4b:s6+s3], $0x80, v4, vm0, $0xb8;
	[tilespmem:$0x18100] =	vst v63  }
0x39: {  	_ = 	snop  }
0x3a: {  	[tilespmem:s23], [sflag:$0x1] =	stream.indirect_vreg.gather [hbm4b:s2+s3], $0x80, v3, vm0, $0xb8;
	[tilespmem:$0x18100] =	vst v63  }
0x3b: {  	_ = 	snop  }
0x3c: {  	[tilespmem:s24], [sflag:$0x1] =	stream.indirect_vreg.gather [hbm4b:s5+s3], $0x80, v3, vm0, $0xb8;
	[tilespmem:$0x18100] =	vst v63  }
0x3d: {  	_ = 	snop  }
0x3e: {  	[tilespmem:s25], [sflag:$0x1] =	stream.indirect_vreg.gather [hbm4b:s6+s3], $0x80, v3, vm0, $0xb8;
	[tilespmem:$0x18100] =	vst v63  }
0x3f: {  	v3 =	vld [tilespmem:$0x20];
	_ =	sdelay $0x4  }
0x40: {  	v50 =	vshrl.u32 v3, $0x3  }
0x41: {  	v4 =	vmul.u32 $0x30, v50  }
0x42: {  	v3 =	vand.u32 $0x7, v3  }
0x43: {  	v3 =	vor.u32 v3, v4  }
0x44: {  	v4 =	vperm.xlane v3, v0;
	_ =	sdelay $0x1  }
0x45: {  	v4 =	vadd.s32 v1, v4;
	_ =	sdelay $0x3  }
0x46: {  	v3 =	vperm.xlane v3, v2  }
0x47: {  	[tilespmem:s26], [sflag:$0x1] =	stream.indirect_vreg.gather [hbm4b:s2+s3], $0x80, v4, vm0, $0xb8;
	[tilespmem:$0x18100] =	vst v63  }
0x48: {  	v3 =	vadd.s32 v1, v3  }
0x49: {  	[tilespmem:s28], [sflag:$0x1] =	stream.indirect_vreg.gather [hbm4b:s5+s3], $0x80, v4, vm0, $0xb8;
	[tilespmem:$0x18100] =	vst v63  }
0x4a: {  	_ = 	snop  }
0x4b: {  	[tilespmem:s29], [sflag:$0x1] =	stream.indirect_vreg.gather [hbm4b:s6+s3], $0x80, v4, vm0, $0xb8;
	[tilespmem:$0x18100] =	vst v63  }
0x4c: {  	_ = 	snop  }
0x4d: {  	[tilespmem:s30], [sflag:$0x1] =	stream.indirect_vreg.gather [hbm4b:s2+s3], $0x80, v3, vm0, $0xb8;
	[tilespmem:$0x18100] =	vst v63  }
0x4e: {  	_ = 	snop  }
0x4f: {  	[tilespmem:s31], [sflag:$0x1] =	stream.indirect_vreg.gather [hbm4b:s5+s3], $0x80, v3, vm0, $0xb8;
	[tilespmem:$0x18100] =	vst v63  }
0x50: {  	s1 =	simm.s32 $0x8900  }
0x51: {  	[tilespmem:s1], [sflag:$0x1] =	stream.indirect_vreg.gather [hbm4b:s6+s3], $0x80, v3, vm0, $0xb8;
	[tilespmem:$0x18100] =	vst v63  }
0x52: {  	v3 =	vld [tilespmem:$0x30];
	_ =	sdelay $0x4  }
0x53: {  	v51 =	vshrl.u32 v3, $0x3  }
0x54: {  	v4 =	vmul.u32 $0x30, v51  }
0x55: {  	v3 =	vand.u32 $0x7, v3  }
0x56: {  	v3 =	vor.u32 v3, v4  }
0x57: {  	v4 =	vperm.xlane v3, v0;
	_ =	sdelay $0x1  }
0x58: {  	v4 =	vadd.s32 v1, v4;
	_ =	sdelay $0x3  }
0x59: {  	s4 =	simm.s32 $0x9100;
	v3 =	vperm.xlane v3, v2  }
0x5a: {  	[tilespmem:s4], [sflag:$0x1] =	stream.indirect_vreg.gather [hbm4b:s2+s3], $0x80, v4, vm0, $0xb8;
	[tilespmem:$0x18100] =	vst v63  }
0x5b: {  	s7 =	simm.s32 $0x9900;
	v3 =	vadd.s32 v1, v3  }
0x5c: {  	[tilespmem:s7], [sflag:$0x1] =	stream.indirect_vreg.gather [hbm4b:s5+s3], $0x80, v4, vm0, $0xb8;
	[tilespmem:$0x18100] =	vst v63  }
0x5d: {  	_ = 	snop  }
0x5e: {  	[tilespmem:s9], [sflag:$0x1] =	stream.indirect_vreg.gather [hbm4b:s6+s3], $0x80, v4, vm0, $0xb8;
	[tilespmem:$0x18100] =	vst v63  }
0x5f: {  	s4 =	simm.s32 $0xA900  }
0x60: {  	[tilespmem:s4], [sflag:$0x1] =	stream.indirect_vreg.gather [hbm4b:s2+s3], $0x80, v3, vm0, $0xb8;
	[tilespmem:$0x18100] =	vst v63  }
0x61: {  	_ = 	snop  }
0x62: {  	[tilespmem:s10], [sflag:$0x1] =	stream.indirect_vreg.gather [hbm4b:s5+s3], $0x80, v3, vm0, $0xb8;
	[tilespmem:$0x18100] =	vst v63  }
0x63: {  	_ = 	snop  }
0x64: {  	[tilespmem:s11], [sflag:$0x1] =	stream.indirect_vreg.gather [hbm4b:s6+s3], $0x80, v3, vm0, $0xb8;
	[tilespmem:$0x18100] =	vst v63  }
0x65: {  	v3 =	vld [tilespmem:$0x40];
	_ =	sdelay $0x4  }
0x66: {  	v52 =	vshrl.u32 v3, $0x3  }
0x67: {  	v4 =	vmul.u32 $0x30, v52  }
0x68: {  	v3 =	vand.u32 $0x7, v3  }
0x69: {  	v3 =	vor.u32 v3, v4  }
0x6a: {  	v4 =	vperm.xlane v3, v0;
	_ =	sdelay $0x1  }
0x6b: {  	v4 =	vadd.s32 v1, v4;
	_ =	sdelay $0x3  }
0x6c: {  	v3 =	vperm.xlane v3, v2  }
0x6d: {  	[tilespmem:s12], [sflag:$0x2] =	stream.indirect_vreg.gather [hbm4b:s2+s3], $0x80, v4, vm0, $0xb8;
	[tilespmem:$0x18100] =	vst v63  }
0x6e: {  	s14 =	simm.s32 $0xC900;
	v3 =	vadd.s32 v1, v3  }
0x6f: {  	[tilespmem:s14], [sflag:$0x2] =	stream.indirect_vreg.gather [hbm4b:s5+s3], $0x80, v4, vm0, $0xb8;
	[tilespmem:$0x18100] =	vst v63  }
0x70: {  	s7 =	simm.s32 $0xD100  }
0x71: {  	[tilespmem:s7], [sflag:$0x2] =	stream.indirect_vreg.gather [hbm4b:s6+s3], $0x80, v4, vm0, $0xb8;
	[tilespmem:$0x18100] =	vst v63  }
0x72: {  	s14 =	simm.s32 $0xD900  }
0x73: {  	[tilespmem:s14], [sflag:$0x2] =	stream.indirect_vreg.gather [hbm4b:s2+s3], $0x80, v3, vm0, $0xb8;
	[tilespmem:$0x18100] =	vst v63  }
0x74: {  	s7 =	simm.s32 $0xE100  }
0x75: {  	[tilespmem:s7], [sflag:$0x2] =	stream.indirect_vreg.gather [hbm4b:s5+s3], $0x80, v3, vm0, $0xb8;
	[tilespmem:$0x18100] =	vst v63  }
0x76: {  	s14 =	simm.s32 $0xE900  }
0x77: {  	[tilespmem:s14], [sflag:$0x2] =	stream.indirect_vreg.gather [hbm4b:s6+s3], $0x80, v3, vm0, $0xb8;
	[tilespmem:$0x18100] =	vst v63  }
0x78: {  	v3 =	vld [tilespmem:$0x50];
	_ =	sdelay $0x4  }
0x79: {  	v53 =	vshrl.u32 v3, $0x3  }
0x7a: {  	v4 =	vmul.u32 $0x30, v53  }
0x7b: {  	v3 =	vand.u32 $0x7, v3  }
0x7c: {  	v3 =	vor.u32 v3, v4  }
0x7d: {  	v4 =	vperm.xlane v3, v0;
	_ =	sdelay $0x1  }
0x7e: {  	v4 =	vadd.s32 v1, v4;
	_ =	sdelay $0x3  }
0x7f: {  	s7 =	simm.s32 $0xF100;
	v3 =	vperm.xlane v3, v2  }
0x80: {  	[tilespmem:s7], [sflag:$0x2] =	stream.indirect_vreg.gather [hbm4b:s2+s3], $0x80, v4, vm0, $0xb8;
	[tilespmem:$0x18100] =	vst v63  }
0x81: {  	s14 =	simm.s32 $0xF900;
	v3 =	vadd.s32 v1, v3  }
0x82: {  	[tilespmem:s14], [sflag:$0x2] =	stream.indirect_vreg.gather [hbm4b:s5+s3], $0x80, v4, vm0, $0xb8;
	[tilespmem:$0x18100] =	vst v63  }
0x83: {  	s7 =	simm.s32 $0x10100  }
0x84: {  	[tilespmem:s7], [sflag:$0x2] =	stream.indirect_vreg.gather [hbm4b:s6+s3], $0x80, v4, vm0, $0xb8;
	[tilespmem:$0x18100] =	vst v63  }
0x85: {  	s14 =	simm.s32 $0x10900  }
0x86: {  	[tilespmem:s14], [sflag:$0x2] =	stream.indirect_vreg.gather [hbm4b:s2+s3], $0x80, v3, vm0, $0xb8;
	[tilespmem:$0x18100] =	vst v63  }
0x87: {  	s7 =	simm.s32 $0x11100  }
0x88: {  	[tilespmem:s7], [sflag:$0x2] =	stream.indirect_vreg.gather [hbm4b:s5+s3], $0x80, v3, vm0, $0xb8;
	[tilespmem:$0x18100] =	vst v63  }
0x89: {  	s14 =	simm.s32 $0x11900  }
0x8a: {  	[tilespmem:s14], [sflag:$0x2] =	stream.indirect_vreg.gather [hbm4b:s6+s3], $0x80, v3, vm0, $0xb8;
	[tilespmem:$0x18100] =	vst v63  }
0x8b: {  	v3 =	vld [tilespmem:$0x60];
	_ =	sdelay $0x4  }
0x8c: {  	v54 =	vshrl.u32 v3, $0x3  }
0x8d: {  	v4 =	vmul.u32 $0x30, v54  }
0x8e: {  	v3 =	vand.u32 $0x7, v3  }
0x8f: {  	v3 =	vor.u32 v3, v4  }
0x90: {  	v4 =	vperm.xlane v3, v0;
	_ =	sdelay $0x1  }
0x91: {  	v4 =	vadd.s32 v1, v4;
	_ =	sdelay $0x3  }
0x92: {  	s7 =	simm.s32 $0x12100;
	v3 =	vperm.xlane v3, v2  }
0x93: {  	[tilespmem:s7], [sflag:$0x2] =	stream.indirect_vreg.gather [hbm4b:s2+s3], $0x80, v4, vm0, $0xb8;
	[tilespmem:$0x18100] =	vst v63  }
0x94: {  	s14 =	simm.s32 $0x12900;
	v3 =	vadd.s32 v1, v3  }
0x95: {  	[tilespmem:s14], [sflag:$0x2] =	stream.indirect_vreg.gather [hbm4b:s5+s3], $0x80, v4, vm0, $0xb8;
	[tilespmem:$0x18100] =	vst v63  }
0x96: {  	s7 =	simm.s32 $0x13100  }
0x97: {  	[tilespmem:s7], [sflag:$0x2] =	stream.indirect_vreg.gather [hbm4b:s6+s3], $0x80, v4, vm0, $0xb8;
	[tilespmem:$0x18100] =	vst v63  }
0x98: {  	s14 =	simm.s32 $0x13900  }
0x99: {  	[tilespmem:s14], [sflag:$0x2] =	stream.indirect_vreg.gather [hbm4b:s2+s3], $0x80, v3, vm0, $0xb8;
	[tilespmem:$0x18100] =	vst v63  }
0x9a: {  	s7 =	simm.s32 $0x14100  }
0x9b: {  	[tilespmem:s7], [sflag:$0x2] =	stream.indirect_vreg.gather [hbm4b:s5+s3], $0x80, v3, vm0, $0xb8;
	[tilespmem:$0x18100] =	vst v63  }
0x9c: {  	s14 =	simm.s32 $0x14900  }
0x9d: {  	[tilespmem:s14], [sflag:$0x2] =	stream.indirect_vreg.gather [hbm4b:s6+s3], $0x80, v3, vm0, $0xb8;
	[tilespmem:$0x18100] =	vst v63  }
0x9e: {  	v3 =	vld [tilespmem:$0x70];
	_ =	sdelay $0x4  }
0x9f: {  	v55 =	vshrl.u32 v3, $0x3  }
0xa0: {  	v4 =	vmul.u32 $0x30, v55  }
0xa1: {  	v3 =	vand.u32 $0x7, v3  }
0xa2: {  	v3 =	vor.u32 v3, v4  }
0xa3: {  	v4 =	vperm.xlane v3, v0;
	_ =	sdelay $0x1  }
0xa4: {  	v4 =	vadd.s32 v1, v4;
	_ =	sdelay $0x3  }
0xa5: {  	s7 =	simm.s32 $0x15100;
	v3 =	vperm.xlane v3, v2  }
0xa6: {  	[tilespmem:s7], [sflag:$0x2] =	stream.indirect_vreg.gather [hbm4b:s2+s3], $0x80, v4, vm0, $0xb8;
	[tilespmem:$0x18100] =	vst v63  }
0xa7: {  	s14 =	simm.s32 $0x15900;
	v3 =	vadd.s32 v1, v3  }
0xa8: {  	[tilespmem:s14], [sflag:$0x2] =	stream.indirect_vreg.gather [hbm4b:s5+s3], $0x80, v4, vm0, $0xb8;
	[tilespmem:$0x18100] =	vst v63  }
0xa9: {  	s7 =	simm.s32 $0x16100  }
0xaa: {  	[tilespmem:s7], [sflag:$0x2] =	stream.indirect_vreg.gather [hbm4b:s6+s3], $0x80, v4, vm0, $0xb8;
	[tilespmem:$0x18100] =	vst v63  }
0xab: {  	s14 =	simm.s32 $0x16900  }
0xac: {  	[tilespmem:s14], [sflag:$0x2] =	stream.indirect_vreg.gather [hbm4b:s2+s3], $0x80, v3, vm0, $0xb8;
	[tilespmem:$0x18100] =	vst v63  }
0xad: {  	s7 =	simm.s32 $0x17100  }
0xae: {  	[tilespmem:s7], [sflag:$0x2] =	stream.indirect_vreg.gather [hbm4b:s5+s3], $0x80, v3, vm0, $0xb8;
	[tilespmem:$0x18100] =	vst v63  }
0xaf: {  	s14 =	simm.s32 $0x17900  }
0xb0: {  	[tilespmem:s14], [sflag:$0x2] =	stream.indirect_vreg.gather [hbm4b:s6+s3], $0x80, v3, vm0, $0xb8;
	[tilespmem:$0x18100] =	vst v63  }
0xb1: {  	_ =	swait.ge [sflag:s13], $0xC000  }
0xb2: {  	[sflag:s13] =	ssyncset.done $0x0  }
0xb3: {  	s7 =	simm.s32 $0x100;
	s0 =	rddreg [dreg:$0x7];
	[sflag:s13] =	ssyncadd.s32 $0xFFFF4000  }
0xb4: {  	[hbm4b:s0+s3] =	stream.linear.scatter [tilespmem:s7], [sflag:$0x3], $0xC000, $0x38;
	[tilespmem:$0x18100] =	vst v63  }
0xb5: {  	s0 =	simm.s32 $0x3  }
0xb6: {  	_ =	swait.ge [sflag:s0], $0xC000  }
0xb7: {  	[sflag:s0] =	ssyncset.done $0x0  }
0xb8: {  	[sflag:s0] =	ssyncadd.s32 $0xFFFF4000  }
0xb9: {  	v3 =	vld [tilespmem:$0x80];
	_ =	sdelay $0x4  }
0xba: {  	v56 =	vshrl.u32 v3, $0x3  }
0xbb: {  	v4 =	vmul.u32 $0x30, v56  }
0xbc: {  	v3 =	vand.u32 $0x7, v3  }
0xbd: {  	v3 =	vor.u32 v3, v4  }
0xbe: {  	v4 =	vperm.xlane v3, v0;
	_ =	sdelay $0x1  }
0xbf: {  	v4 =	vadd.s32 v1, v4;
	_ =	sdelay $0x3  }
0xc0: {  	v3 =	vperm.xlane v3, v2  }
0xc1: {  	[tilespmem:s7], [sflag:$0x1] =	stream.indirect_vreg.gather [hbm4b:s2+s3], $0x80, v4, vm0, $0xb8;
	[tilespmem:$0x18100] =	vst v63  }
0xc2: {  	v3 =	vadd.s32 v1, v3  }
0xc3: {  	[tilespmem:s15], [sflag:$0x1] =	stream.indirect_vreg.gather [hbm4b:s5+s3], $0x80, v4, vm0, $0xb8;
	[tilespmem:$0x18100] =	vst v63  }
0xc4: {  	_ = 	snop  }
0xc5: {  	[tilespmem:s16], [sflag:$0x1] =	stream.indirect_vreg.gather [hbm4b:s6+s3], $0x80, v4, vm0, $0xb8;
	[tilespmem:$0x18100] =	vst v63  }
0xc6: {  	_ = 	snop  }
0xc7: {  	[tilespmem:s17], [sflag:$0x1] =	stream.indirect_vreg.gather [hbm4b:s2+s3], $0x80, v3, vm0, $0xb8;
	[tilespmem:$0x18100] =	vst v63  }
0xc8: {  	_ = 	snop  }
0xc9: {  	[tilespmem:s18], [sflag:$0x1] =	stream.indirect_vreg.gather [hbm4b:s5+s3], $0x80, v3, vm0, $0xb8;
	[tilespmem:$0x18100] =	vst v63  }
0xca: {  	_ = 	snop  }
0xcb: {  	[tilespmem:s19], [sflag:$0x1] =	stream.indirect_vreg.gather [hbm4b:s6+s3], $0x80, v3, vm0, $0xb8;
	[tilespmem:$0x18100] =	vst v63  }
0xcc: {  	v3 =	vld [tilespmem:$0x90];
	_ =	sdelay $0x4  }
0xcd: {  	v57 =	vshrl.u32 v3, $0x3  }
0xce: {  	v4 =	vmul.u32 $0x30, v57  }
0xcf: {  	v3 =	vand.u32 $0x7, v3  }
0xd0: {  	v3 =	vor.u32 v3, v4  }
0xd1: {  	v4 =	vperm.xlane v3, v0;
	_ =	sdelay $0x1  }
0xd2: {  	v4 =	vadd.s32 v1, v4;
	_ =	sdelay $0x3  }
0xd3: {  	v3 =	vperm.xlane v3, v2  }
0xd4: {  	[tilespmem:s20], [sflag:$0x1] =	stream.indirect_vreg.gather [hbm4b:s2+s3], $0x80, v4, vm0, $0xb8;
	[tilespmem:$0x18100] =	vst v63  }
0xd5: {  	v3 =	vadd.s32 v1, v3  }
0xd6: {  	[tilespmem:s21], [sflag:$0x1] =	stream.indirect_vreg.gather [hbm4b:s5+s3], $0x80, v4, vm0, $0xb8;
	[tilespmem:$0x18100] =	vst v63  }
0xd7: {  	_ = 	snop  }
0xd8: {  	[tilespmem:s22], [sflag:$0x1] =	stream.indirect_vreg.gather [hbm4b:s6+s3], $0x80, v4, vm0, $0xb8;
	[tilespmem:$0x18100] =	vst v63  }
0xd9: {  	_ = 	snop  }
0xda: {  	[tilespmem:s23], [sflag:$0x1] =	stream.indirect_vreg.gather [hbm4b:s2+s3], $0x80, v3, vm0, $0xb8;
	[tilespmem:$0x18100] =	vst v63  }
0xdb: {  	_ = 	snop  }
0xdc: {  	[tilespmem:s24], [sflag:$0x1] =	stream.indirect_vreg.gather [hbm4b:s5+s3], $0x80, v3, vm0, $0xb8;
	[tilespmem:$0x18100] =	vst v63  }
0xdd: {  	_ = 	snop  }
0xde: {  	[tilespmem:s25], [sflag:$0x1] =	stream.indirect_vreg.gather [hbm4b:s6+s3], $0x80, v3, vm0, $0xb8;
	[tilespmem:$0x18100] =	vst v63  }
0xdf: {  	v3 =	vld [tilespmem:$0xA0];
	_ =	sdelay $0x4  }
0xe0: {  	v58 =	vshrl.u32 v3, $0x3  }
0xe1: {  	v4 =	vmul.u32 $0x30, v58  }
0xe2: {  	v3 =	vand.u32 $0x7, v3  }
0xe3: {  	v3 =	vor.u32 v3, v4  }
0xe4: {  	v4 =	vperm.xlane v3, v0;
	_ =	sdelay $0x1  }
0xe5: {  	v4 =	vadd.s32 v1, v4;
	_ =	sdelay $0x3  }
0xe6: {  	v3 =	vperm.xlane v3, v2  }
0xe7: {  	[tilespmem:s26], [sflag:$0x1] =	stream.indirect_vreg.gather [hbm4b:s2+s3], $0x80, v4, vm0, $0xb8;
	[tilespmem:$0x18100] =	vst v63  }
0xe8: {  	v3 =	vadd.s32 v1, v3  }
0xe9: {  	[tilespmem:s28], [sflag:$0x1] =	stream.indirect_vreg.gather [hbm4b:s5+s3], $0x80, v4, vm0, $0xb8;
	[tilespmem:$0x18100] =	vst v63  }
0xea: {  	_ = 	snop  }
0xeb: {  	[tilespmem:s29], [sflag:$0x1] =	stream.indirect_vreg.gather [hbm4b:s6+s3], $0x80, v4, vm0, $0xb8;
	[tilespmem:$0x18100] =	vst v63  }
0xec: {  	_ = 	snop  }
0xed: {  	[tilespmem:s30], [sflag:$0x1] =	stream.indirect_vreg.gather [hbm4b:s2+s3], $0x80, v3, vm0, $0xb8;
	[tilespmem:$0x18100] =	vst v63  }
0xee: {  	_ = 	snop  }
0xef: {  	[tilespmem:s31], [sflag:$0x1] =	stream.indirect_vreg.gather [hbm4b:s5+s3], $0x80, v3, vm0, $0xb8;
	[tilespmem:$0x18100] =	vst v63  }
0xf0: {  	_ = 	snop  }
0xf1: {  	[tilespmem:s1], [sflag:$0x1] =	stream.indirect_vreg.gather [hbm4b:s6+s3], $0x80, v3, vm0, $0xb8;
	[tilespmem:$0x18100] =	vst v63  }
0xf2: {  	v3 =	vld [tilespmem:$0xB0];
	_ =	sdelay $0x4  }
0xf3: {  	v59 =	vshrl.u32 v3, $0x3  }
0xf4: {  	v4 =	vmul.u32 $0x30, v59  }
0xf5: {  	v3 =	vand.u32 $0x7, v3  }
0xf6: {  	v3 =	vor.u32 v3, v4  }
0xf7: {  	v4 =	vperm.xlane v3, v0;
	_ =	sdelay $0x1  }
0xf8: {  	v4 =	vadd.s32 v1, v4;
	_ =	sdelay $0x3  }
0xf9: {  	s7 =	simm.s32 $0x9100;
	v3 =	vperm.xlane v3, v2  }
0xfa: {  	[tilespmem:s7], [sflag:$0x1] =	stream.indirect_vreg.gather [hbm4b:s2+s3], $0x80, v4, vm0, $0xb8;
	[tilespmem:$0x18100] =	vst v63  }
0xfb: {  	s14 =	simm.s32 $0x9900;
	v3 =	vadd.s32 v1, v3  }
0xfc: {  	[tilespmem:s14], [sflag:$0x1] =	stream.indirect_vreg.gather [hbm4b:s5+s3], $0x80, v4, vm0, $0xb8;
	[tilespmem:$0x18100] =	vst v63  }
0xfd: {  	_ = 	snop  }
0xfe: {  	[tilespmem:s9], [sflag:$0x1] =	stream.indirect_vreg.gather [hbm4b:s6+s3], $0x80, v4, vm0, $0xb8;
	[tilespmem:$0x18100] =	vst v63  }
0xff: {  	_ = 	snop  }
0x100: {  	[tilespmem:s4], [sflag:$0x1] =	stream.indirect_vreg.gather [hbm4b:s2+s3], $0x80, v3, vm0, $0xb8;
	[tilespmem:$0x18100] =	vst v63  }
0x101: {  	_ = 	snop  }
0x102: {  	[tilespmem:s10], [sflag:$0x1] =	stream.indirect_vreg.gather [hbm4b:s5+s3], $0x80, v3, vm0, $0xb8;
	[tilespmem:$0x18100] =	vst v63  }
0x103: {  	s1 =	simm.s32 $0x2  }
0x104: {  	[tilespmem:s11], [sflag:$0x1] =	stream.indirect_vreg.gather [hbm4b:s6+s3], $0x80, v3, vm0, $0xb8;
	[tilespmem:$0x18100] =	vst v63  }
0x105: {  	_ =	swait.ge [sflag:s1], $0xC000  }
0x106: {  	[sflag:s1] =	ssyncset.done $0x0  }
0x107: {  	s4 =	simm.s32 $0x4;
	s7 =	rddreg [dreg:$0x4];
	[sflag:s1] =	ssyncadd.s32 $0xFFFF4000  }
0x108: {  	[hbm4b:s7+s3] =	stream.linear.scatter [tilespmem:s12], [sflag:$0x4], $0xC000, $0x38;
	[tilespmem:$0x18100] =	vst v63  }
0x109: {  	_ =	swait.ge [sflag:s4], $0xC000  }
0x10a: {  	[sflag:s4] =	ssyncset.done $0x0  }
0x10b: {  	[sflag:s4] =	ssyncadd.s32 $0xFFFF4000  }
0x10c: {  	v3 =	vld [tilespmem:$0xC0];
	_ =	sdelay $0x4  }
0x10d: {  	v60 =	vshrl.u32 v3, $0x3  }
0x10e: {  	v4 =	vmul.u32 $0x30, v60  }
0x10f: {  	v3 =	vand.u32 $0x7, v3  }
0x110: {  	v3 =	vor.u32 v3, v4  }
0x111: {  	v4 =	vperm.xlane v3, v0;
	_ =	sdelay $0x1  }
0x112: {  	v4 =	vadd.s32 v1, v4;
	_ =	sdelay $0x3  }
0x113: {  	v3 =	vperm.xlane v3, v2  }
0x114: {  	[tilespmem:s12], [sflag:$0x2] =	stream.indirect_vreg.gather [hbm4b:s2+s3], $0x80, v4, vm0, $0xb8;
	[tilespmem:$0x18100] =	vst v63  }
0x115: {  	s14 =	simm.s32 $0xC900;
	v3 =	vadd.s32 v1, v3  }
0x116: {  	[tilespmem:s14], [sflag:$0x2] =	stream.indirect_vreg.gather [hbm4b:s5+s3], $0x80, v4, vm0, $0xb8;
	[tilespmem:$0x18100] =	vst v63  }
0x117: {  	s14 =	simm.s32 $0xD100  }
0x118: {  	[tilespmem:s14], [sflag:$0x2] =	stream.indirect_vreg.gather [hbm4b:s6+s3], $0x80, v4, vm0, $0xb8;
	[tilespmem:$0x18100] =	vst v63  }
0x119: {  	s14 =	simm.s32 $0xD900  }
0x11a: {  	[tilespmem:s14], [sflag:$0x2] =	stream.indirect_vreg.gather [hbm4b:s2+s3], $0x80, v3, vm0, $0xb8;
	[tilespmem:$0x18100] =	vst v63  }
0x11b: {  	s14 =	simm.s32 $0xE100  }
0x11c: {  	[tilespmem:s14], [sflag:$0x2] =	stream.indirect_vreg.gather [hbm4b:s5+s3], $0x80, v3, vm0, $0xb8;
	[tilespmem:$0x18100] =	vst v63  }
0x11d: {  	s14 =	simm.s32 $0xE900  }
0x11e: {  	[tilespmem:s14], [sflag:$0x2] =	stream.indirect_vreg.gather [hbm4b:s6+s3], $0x80, v3, vm0, $0xb8;
	[tilespmem:$0x18100] =	vst v63  }
0x11f: {  	v3 =	vld [tilespmem:$0xD0];
	_ =	sdelay $0x4  }
0x120: {  	v61 =	vshrl.u32 v3, $0x3  }
0x121: {  	v4 =	vmul.u32 $0x30, v61  }
0x122: {  	v3 =	vand.u32 $0x7, v3  }
0x123: {  	v3 =	vor.u32 v3, v4  }
0x124: {  	v4 =	vperm.xlane v3, v0;
	_ =	sdelay $0x1  }
0x125: {  	v4 =	vadd.s32 v1, v4;
	_ =	sdelay $0x3  }
0x126: {  	s14 =	simm.s32 $0xF100;
	v3 =	vperm.xlane v3, v2  }
0x127: {  	[tilespmem:s14], [sflag:$0x2] =	stream.indirect_vreg.gather [hbm4b:s2+s3], $0x80, v4, vm0, $0xb8;
	[tilespmem:$0x18100] =	vst v63  }
0x128: {  	v3 =	vadd.s32 v1, v3;
	s14 =	simm.s32 $0xF900  }
0x129: {  	[tilespmem:s14], [sflag:$0x2] =	stream.indirect_vreg.gather [hbm4b:s5+s3], $0x80, v4, vm0, $0xb8;
	[tilespmem:$0x18100] =	vst v63  }
0x12a: {  	s14 =	simm.s32 $0x10100  }
0x12b: {  	[tilespmem:s14], [sflag:$0x2] =	stream.indirect_vreg.gather [hbm4b:s6+s3], $0x80, v4, vm0, $0xb8;
	[tilespmem:$0x18100] =	vst v63  }
0x12c: {  	s14 =	simm.s32 $0x10900  }
0x12d: {  	[tilespmem:s14], [sflag:$0x2] =	stream.indirect_vreg.gather [hbm4b:s2+s3], $0x80, v3, vm0, $0xb8;
	[tilespmem:$0x18100] =	vst v63  }
0x12e: {  	s14 =	simm.s32 $0x11100  }
0x12f: {  	[tilespmem:s14], [sflag:$0x2] =	stream.indirect_vreg.gather [hbm4b:s5+s3], $0x80, v3, vm0, $0xb8;
	[tilespmem:$0x18100] =	vst v63  }
0x130: {  	s14 =	simm.s32 $0x11900  }
0x131: {  	[tilespmem:s14], [sflag:$0x2] =	stream.indirect_vreg.gather [hbm4b:s6+s3], $0x80, v3, vm0, $0xb8;
	[tilespmem:$0x18100] =	vst v63  }
0x132: {  	v3 =	vld [tilespmem:$0xE0];
	_ =	sdelay $0x4  }
0x133: {  	v62 =	vshrl.u32 v3, $0x3  }
0x134: {  	v4 =	vmul.u32 $0x30, v62  }
0x135: {  	v3 =	vand.u32 $0x7, v3  }
0x136: {  	v3 =	vor.u32 v3, v4  }
0x137: {  	v4 =	vperm.xlane v3, v0;
	_ =	sdelay $0x1  }
0x138: {  	v4 =	vadd.s32 v1, v4;
	_ =	sdelay $0x3  }
0x139: {  	s14 =	simm.s32 $0x12100;
	v3 =	vperm.xlane v3, v2  }
0x13a: {  	[tilespmem:s14], [sflag:$0x2] =	stream.indirect_vreg.gather [hbm4b:s2+s3], $0x80, v4, vm0, $0xb8;
	[tilespmem:$0x18100] =	vst v63  }
0x13b: {  	v3 =	vadd.s32 v1, v3;
	s14 =	simm.s32 $0x12900  }
0x13c: {  	[tilespmem:s14], [sflag:$0x2] =	stream.indirect_vreg.gather [hbm4b:s5+s3], $0x80, v4, vm0, $0xb8;
	[tilespmem:$0x18100] =	vst v63  }
0x13d: {  	s14 =	simm.s32 $0x13100  }
0x13e: {  	[tilespmem:s14], [sflag:$0x2] =	stream.indirect_vreg.gather [hbm4b:s6+s3], $0x80, v4, vm0, $0xb8;
	[tilespmem:$0x18100] =	vst v63  }
0x13f: {  	s14 =	simm.s32 $0x13900  }
0x140: {  	[tilespmem:s14], [sflag:$0x2] =	stream.indirect_vreg.gather [hbm4b:s2+s3], $0x80, v3, vm0, $0xb8;
	[tilespmem:$0x18100] =	vst v63  }
0x141: {  	s14 =	simm.s32 $0x14100  }
0x142: {  	[tilespmem:s14], [sflag:$0x2] =	stream.indirect_vreg.gather [hbm4b:s5+s3], $0x80, v3, vm0, $0xb8;
	[tilespmem:$0x18100] =	vst v63  }
0x143: {  	s14 =	simm.s32 $0x14900  }
0x144: {  	[tilespmem:s14], [sflag:$0x2] =	stream.indirect_vreg.gather [hbm4b:s6+s3], $0x80, v3, vm0, $0xb8;
	[tilespmem:$0x18100] =	vst v63  }
0x145: {  	v3 =	vld [tilespmem:$0xF0];
	_ =	sdelay $0x4  }
0x146: {  	v63 =	vshrl.u32 v3, $0x3  }
0x147: {  	v4 =	vmul.u32 $0x30, v63  }
0x148: {  	v3 =	vand.u32 $0x7, v3  }
0x149: {  	v3 =	vor.u32 v3, v4  }
0x14a: {  	v4 =	vperm.xlane v3, v0;
	_ =	sdelay $0x1  }
0x14b: {  	v4 =	vadd.s32 v1, v4;
	_ =	sdelay $0x3  }
0x14c: {  	s14 =	simm.s32 $0x15100;
	v3 =	vperm.xlane v3, v2  }
0x14d: {  	[tilespmem:s14], [sflag:$0x2] =	stream.indirect_vreg.gather [hbm4b:s2+s3], $0x80, v4, vm0, $0xb8;
	[tilespmem:$0x18100] =	vst v63  }
0x14e: {  	v3 =	vadd.s32 v1, v3;
	s14 =	simm.s32 $0x15900  }
0x14f: {  	[tilespmem:s14], [sflag:$0x2] =	stream.indirect_vreg.gather [hbm4b:s5+s3], $0x80, v4, vm0, $0xb8;
	[tilespmem:$0x18100] =	vst v63  }
0x150: {  	s14 =	simm.s32 $0x16100  }
0x151: {  	[tilespmem:s14], [sflag:$0x2] =	stream.indirect_vreg.gather [hbm4b:s6+s3], $0x80, v4, vm0, $0xb8;
	[tilespmem:$0x18100] =	vst v63  }
0x152: {  	s14 =	simm.s32 $0x16900  }
0x153: {  	[tilespmem:s14], [sflag:$0x2] =	stream.indirect_vreg.gather [hbm4b:s2+s3], $0x80, v3, vm0, $0xb8;
	[tilespmem:$0x18100] =	vst v63  }
0x154: {  	s14 =	simm.s32 $0x17100  }
0x155: {  	[tilespmem:s14], [sflag:$0x2] =	stream.indirect_vreg.gather [hbm4b:s5+s3], $0x80, v3, vm0, $0xb8;
	[tilespmem:$0x18100] =	vst v63  }
0x156: {  	s14 =	simm.s32 $0x17900  }
0x157: {  	[tilespmem:s14], [sflag:$0x2] =	stream.indirect_vreg.gather [hbm4b:s6+s3], $0x80, v3, vm0, $0xb8;
	[tilespmem:$0x18100] =	vst v63  }
0x158: {  	_ =	swait.ge [sflag:s13], $0xC000  }
0x159: {  	[sflag:s13] =	ssyncset.done $0x0  }
0x15a: {  	s7 =	simm.s32 $0x100;
	s14 =	rddreg [dreg:$0x5];
	[sflag:s13] =	ssyncadd.s32 $0xFFFF4000  }
0x15b: {  	[hbm4b:s14+s3] =	stream.linear.scatter [tilespmem:s7], [sflag:$0x3], $0xC000, $0x38;
	[tilespmem:$0x18100] =	vst v63  }
0x15c: {  	_ =	swait.ge [sflag:s1], $0xC000  }
0x15d: {  	[sflag:s1] =	ssyncset.done $0x0  }
0x15e: {  	s7 =	rddreg [dreg:$0x6];
	[sflag:s1] =	ssyncadd.s32 $0xFFFF4000  }
0x15f: {  	[hbm4b:s7+s3] =	stream.linear.scatter [tilespmem:s12], [sflag:$0x4], $0xC000, $0x38;
	[tilespmem:$0x18100] =	vst v63  }
0x160: {  	p0 =	sne.s32 s8, $0x1;
	_ =	swait.ge [sflag:s0], $0xC000  }
.Ltmp0:
0x161: {  	[sflag:s0] =	ssyncset.done $0x0;
	(pc) =	sbr.rel @p0 .LBB2_1-.Ltmp0, $4  }
0x162: {  	[sflag:s0] =	ssyncadd.s32 $0xFFFF4000  }
0x163: {  	_ =	swait.ge [sflag:s4], $0xC000  }
0x164: {  	[sflag:s4] =	ssyncset.done $0x0  }
0x165: {  	s8 =	sadd.s32 $0xFFFFFFFF, s8;
	[sflag:s4] =	ssyncadd.s32 $0xFFFF4000  }
0x166: {  	_ =	sfence.sel $0x180000  }
0x167: {  	[bflag:$0x0] =	sbarrier.arrive $0xFFFF  }
0x168: {  	_ =	strace $0x90000047  }
0x169: {  	s0 =	stileid.u32;
	[bflag:$0x2] =	sbarrier.arrive $0xFFFF  }
0x16a: {  	p0 =	sne.s32 s0, $0x0;
	s0 =	rddreg [dreg:$0x2]  }
0x16b: {  	s0 =	sadd.s32 @!p0 $0x100000, s0  }
0x16c: {  	[sflag:s0] =	ssyncadd.tile.s32 @!p0 $0x1;
	_ =	shalt  }
.Lfunc_end2:
_tile_overlayer_lowered:
.L_overlay_start_2:
0x16d: {  	(tag) =	ssettag $0x2  }
0x16e: {  	s0 =	rddreg [dreg:$0x0];
	s2 =	stileid.u32  }
0x16f: {  	s1 =	rddreg [dreg:$0x1];
	p0 =	sne.s32 s2, $0x0  }
0x170: {  	s3 =	rddreg [dreg:$0x2];
	[bflag:$0x3] =	sbarrier.arrive $0xFFFF;
	s2 =	simm.s32 @!p0 $0x1C05  }
0x171: {  	[timem:s3], [sflag:s2] =	dma.local @!p0 [hbm:s0], s1  }
0x172: {  	s0 =	simm.s32 @!p0 $0x5  }
0x173: {  	_ =	swait.ge @!p0 [sflag:s0], s1  }
0x174: {  	s1 =	ssub.s32 @!p0 $0x0, s1;
	[sflag:s0] =	ssyncset.done @!p0 $0x0  }
0x175: {  	[sflag:s0] =	ssyncadd.s32 @!p0 s1  }
0x176: {  	[bflag:$0x3] =	sbarrier.arrive $0xFFFF  }
0x177: {  	_ =	shalt  }

// kernel: kernel.18.cloned.1.call-start
scs
__scs_entry_jumppad:
0x0: {  	(pc) =	sbr.rel $0x88, $3  }
0x1: {  	(tag) =	ssettag $0x0;
	lr =	simm.s32 $0x1  }
0x2: {  	[smem:$0x3F99] =	sst lr;
	_ =	strace $0xD0000000  }
0x3: {  	_ = 	snop  }
0x4: {  	_ = 	snop  }
0x5: {  	_ = 	snop  }
0x6: {  	_ = 	snop  }
0x7: {  	_ = 	snop  }
__scs_overlays_trampoline_lowered:
0x8: {  	[smem:$0x3FA8] =	sst s0  }
0x9: {  	[smem:$0x3FA9] =	sst s1  }
0xa: {  	[smem:$0x3FAA] =	sst s2  }
0xb: {  	[smem:$0x3FAB] =	sst s3  }
0xc: {  	[smem:$0x3FAC] =	sst s4  }
0xd: {  	[smem:$0x3FAD] =	sst s5  }
0xe: {  	[smem:$0x3FAE] =	sst s6  }
0xf: {  	[smem:$0x3FAF] =	sst s7  }
0x10: {  	[smem:$0x3FB0] =	sst s8  }
0x11: {  	[smem:$0x3FB1] =	sst s9;
	s0 =	simm.s32 @!p0 $0x0  }
0x12: {  	s1 =	sld [smem:$0x3F97];
	s0 =	simm.s32 @p0 $0x1  }
0x13: {  	[smem:$0x3FB2] =	sst s0;
	s0 =	simm.s32 @!p1 $0x0  }
0x14: {  	s2 =	sld [smem:$0x3F96];
	s0 =	simm.s32 @p1 $0x1  }
0x15: {  	[smem:$0x3FB3] =	sst s0;
	s0 =	simm.s32 @!p2 $0x0  }
0x16: {  	s3 =	sld [smem:$0x3FDB];
	s0 =	simm.s32 @p2 $0x1  }
0x17: {  	s4 =	simm.s32 $0x1BF5;
	[smem:$0x3FB5] =	sst s0  }
0x18: {  	s0 =	sld [smem:$0x3F98];
	_ =	swait.ge [sflag:s4], $0x0  }
0x19: {  	s7 =	sld [smem:$0x3F99]  }
0x1a: {  	s8 =	sadd.s32 $0xFFFFE003, lr  }
0x1b: {  	s9 =	sadd.s32 $0xFFFFFEF7, lr;
	s5 =	simm.s32 $0xFFFFFFFF;
	p2 =	slt.u32 s8, $0xFFFFF086  }
0x1c: {  	p1 =	slt.u32 s9, $0xF7A;
	s5 =	simm.s32 @!p2 $0x0  }
0x1d: {  	s5 =	simm.s32 @p1 $0x1;
	p0 =	seq.s32 s7, s2  }
0x1e: {  	s7 =	smul.u32 @!p0 $0xF7A, s2;
	p2 =	seq.s32 @!p0 s5, $0x0  }
0x1f: {  	s9 =	smul.u32 $0xF7A, s1;
	s8 =	simm.s32 @!p0 $0x1BF5;
	p2 =	por !p2, p0  }
0x20: {  	[sflag:s8] =	ssyncset.s32 @!p0 $0xFFFFF086;
	s6 =	sadd.s32 @!p0 s3, s7;
	s7 =	simm.s32 @!p0 $0x108  }
0x21: {  	s3 =	sadd.s32 s3, s9;
	s6 =	sadd.s32 @!p0 $0x88, s6;
	s7 =	simm.s32 @p2 $0x1082  }
0x22: {  	[simem:s7], [sflag:s8] =	dma.local @!p0 [hbm:s6], $0xF7A  }
0x23: {  	s9 =	sor.u32 $0xD0000000, s2;
	s6 =	simm.s32 $0x108;
	_ =	swait.ge @!p0 [sflag:s8], $0x0  }
0x24: {  	s3 =	sadd.s32 $0x88, s3;
	s6 =	simm.s32 @!p1 $0x1082;
	[sflag:s4] =	ssyncset.s32 $0xFFFFF086  }
0x25: {  	[simem:s6], [sflag:s4] =	dma.local [hbm:s3], $0xF7A  }
0x26: {  	[smem:$0x3F99] =	sst s1;
	(tag) =	ssettag s2;
	_ =	strace s9  }
0x27: {  	s1 =	sld [smem:$0x3FA9]  }
0x28: {  	s2 =	sld [smem:$0x3FAA]  }
0x29: {  	s4 =	sld [smem:$0x3FAC]  }
0x2a: {  	p0 =	seq.s32 s5, $0x0;
	s5 =	sld [smem:$0x3FAD]  }
0x2b: {  	s6 =	sld [smem:$0x3FAE]  }
0x2c: {  	s7 =	sld [smem:$0x3FAF]  }
0x2d: {  	s3 =	simm.s32 $0x108;
	s8 =	sld [smem:$0x3FB0]  }
0x2e: {  	s3 =	simm.s32 @!p0 $0x1082;
	s9 =	sld [smem:$0x3FB1]  }
0x2f: {  	lr =	sadd.s32 s0, s3;
	s0 =	sld [smem:$0x3FA8]  }
0x30: {  	s3 =	sld [smem:$0x3FAB]  }
0x31: {  	[smem:$0x3FB4] =	sst s10  }
0x32: {  	s10 =	sld [smem:$0x3FB2];
	_ =	sdelay $0x3  }
0x33: {  	p0 =	seq.s32 s10, $0x1;
	s10 =	sld [smem:$0x3FB4];
	_ =	sdelay $0x3  }
0x34: {  	[smem:$0x3FB4] =	sst s10  }
0x35: {  	s10 =	sld [smem:$0x3FB3];
	_ =	sdelay $0x3  }
0x36: {  	p1 =	seq.s32 s10, $0x1;
	s10 =	sld [smem:$0x3FB4];
	_ =	sdelay $0x3  }
0x37: {  	[smem:$0x3FB4] =	sst s10  }
0x38: {  	s10 =	sld [smem:$0x3FB5]  }
0x39: {  	_ = 	snop;
	(pc) =	sbr.ind lr, $3  }
0x3a: {  	_ = 	snop  }
0x3b: {  	_ = 	snop  }
0x3c: {  	p2 =	seq.s32 s10, $0x1;
	s10 =	sld [smem:$0x3FB4]  }
0x3d: {  	_ =	shalt  }
0x3e: {  	_ =	shalt  }
0x3f: {  	_ =	shalt  }
0x40: {  	_ =	shalt  }
0x41: {  	_ =	shalt  }
0x42: {  	_ =	shalt  }
0x43: {  	_ =	shalt  }
0x44: {  	_ =	shalt  }
0x45: {  	_ =	shalt  }
0x46: {  	_ =	shalt  }
0x47: {  	_ =	shalt  }
0x48: {  	_ =	shalt  }
0x49: {  	_ =	shalt  }
0x4a: {  	_ =	shalt  }
0x4b: {  	_ =	shalt  }
0x4c: {  	_ =	shalt  }
0x4d: {  	_ =	shalt  }
0x4e: {  	_ =	shalt  }
0x4f: {  	_ =	shalt  }
0x50: {  	_ =	shalt  }
0x51: {  	_ =	shalt  }
0x52: {  	_ =	shalt  }
0x53: {  	_ =	shalt  }
0x54: {  	_ =	shalt  }
0x55: {  	_ =	shalt  }
0x56: {  	_ =	shalt  }
0x57: {  	_ =	shalt  }
0x58: {  	_ =	shalt  }
0x59: {  	_ =	shalt  }
0x5a: {  	_ =	shalt  }
0x5b: {  	_ =	shalt  }
0x5c: {  	_ =	shalt  }
0x5d: {  	_ =	shalt  }
0x5e: {  	_ =	shalt  }
0x5f: {  	_ =	shalt  }
0x60: {  	_ =	shalt  }
0x61: {  	_ =	shalt  }
0x62: {  	_ =	shalt  }
0x63: {  	_ =	shalt  }
0x64: {  	_ =	shalt  }
0x65: {  	_ =	shalt  }
0x66: {  	_ =	shalt  }
0x67: {  	_ =	shalt  }
0x68: {  	_ =	shalt  }
0x69: {  	_ =	shalt  }
0x6a: {  	_ =	shalt  }
0x6b: {  	_ =	shalt  }
0x6c: {  	_ =	shalt  }
0x6d: {  	_ =	shalt  }
0x6e: {  	_ =	shalt  }
0x6f: {  	_ =	shalt  }
0x70: {  	_ =	shalt  }
0x71: {  	_ =	shalt  }
0x72: {  	_ =	shalt  }
0x73: {  	_ =	shalt  }
0x74: {  	_ =	shalt  }
0x75: {  	_ =	shalt  }
0x76: {  	_ =	shalt  }
0x77: {  	_ =	shalt  }
0x78: {  	_ =	shalt  }
0x79: {  	_ =	shalt  }
0x7a: {  	_ =	shalt  }
0x7b: {  	_ =	shalt  }
0x7c: {  	_ =	shalt  }
0x7d: {  	_ =	shalt  }
0x7e: {  	_ =	shalt  }
0x7f: {  	_ =	shalt  }
0x80: {  	_ =	shalt  }
0x81: {  	_ =	shalt  }
0x82: {  	_ =	shalt  }
0x83: {  	_ =	shalt  }
0x84: {  	_ =	shalt  }
0x85: {  	_ =	shalt  }
0x86: {  	_ =	shalt  }
0x87: {  	_ =	shalt  }
.Lfunc_end0:
.L_simem_size_0:
called_computation.2_lowered:
.L_overlay_start_0:
0x88: {  	s2 =	sld [smem:$0x3FD9]  }
0x89: {  	s3 =	sld [smem:$0x3FFE];
	_ =	sdelay $0x1  }
0x8a: {  	s1 =	srdreg.scid  }
0x8b: {  	s0 =	sand.u32 $0x1, s1  }
0x8c: {  	s17 =	sshll.u32 s0, $0xA;
	s2 =	sadd.s32 s3, s2  }
0x8d: {  	s2 =	sadd.s32 s2, s17  }
0x8e: {  	[smem:$0x3FC0] =	sst s2  }
0x8f: {  	_ = 	snop  }
0x90: {  	s18 =	sld [smem:$0x3FC6];
	(tm) =	ssettm $0x1  }
0x91: {  	s19 =	sld [smem:$0x3FFB];
	_ =	sdelay $0x3  }
0x92: {  	_ =	strace s19  }
0x93: {  	s2 =	sld [smem:$0x3FFC];
	_ =	sdelay $0x3  }
0x94: {  	_ =	strace s2  }
0x95: {  	s2 =	sld [smem:$0x3FFD];
	_ =	sdelay $0x3  }
0x96: {  	_ =	strace s2  }
0x97: {  	_ =	strace $0x8FFFFFFF  }
0x98: {  	s20 =	sld [smem:$0x3FDB];
	_ =	sdelay $0x1  }
0x99: {  	s4 =	simm.s32 $_scs_section_size  }
0x9a: {  	s5 =	simm.s32 $_size__tile_overlayer_lowered;
	s6 =	simm.s32 $_tile_overlayer_lowered  }
0x9b: {  	s7 =	simm.s32 $0x1BFF;
	s21 =	sshll.u32 s6, $0x1;
	s4 =	sadd.s32 s4, s20  }
0x9c: {  	s22 =	simm.s32 $0x0;
	s5 =	sshll.u32 s5, $0x1;
	s6 =	sadd.s32 s21, s4  }
0x9d: {  	[timem:s22], [sflag:s7] =	dma.local [hbm:s6], s5  }
0x9e: {  	_ =	swait.ge [sflag:s7], s5  }
0x9f: {  	s5 =	ssub.s32 $0x0, s5;
	[sflag:s7] =	ssyncset.done $0x0  }
0xa0: {  	[sflag:s7] =	ssyncadd.s32 s5;
	_ =	sdelay $0x1  }
0xa1: {  	s23 =	simm.s32 $0x1B8B  }
0xa2: {  	_ =	swait.ge [sflag:s23], $0x1  }
0xa3: {  	[sflag:s23] =	ssyncset.done $0x0  }
0xa4: {  	[sflag:s23] =	ssyncadd.s32 $0xFFFFFFFF  }
0xa5: {  	s5 =	sld [smem:$0x0]  }
0xa6: {  	s6 =	sand.u32 $0xFFFFFFFE, s1  }
0xa7: {  	p0 =	sne.s32 s1, s6  }
0xa8: {  	s6 =	sshll.u32 @p0 s6, $0xE  }
0xa9: {  	s6 =	sadd.s32 @p0 $0x11B8D, s6;
	s7 =	sshll.u32 @p0 s5, $0x11  }
0xaa: {  	s6 =	sor.u32 @p0 s7, s6  }
0xab: {  	[sflag:s6] =	ssyncadd.remote.s32 @p0 $0x1;
	_ =	sdelay $0x1  }
0xac: {  	s6 =	simm.s32 @p0 $0x1B8D  }
0xad: {  	_ =	swait.eq @p0 [sflag:s6], $0x1  }
0xae: {  	[sflag:s6] =	ssyncadd.s32 @p0 $0xFFFFFFFF  }
0xaf: {  	s7 =	sshll.u32 @!p0 s1, $0xE  }
0xb0: {  	s7 =	sor.u32 @!p0 $0x4000, s7;
	s6 =	simm.s32 @!p0 $0x1B8D  }
0xb1: {  	s5 =	sshll.u32 @!p0 s5, $0x11;
	s7 =	sadd.s32 @!p0 $0x11B8D, s7;
	_ =	swait.eq @!p0 [sflag:s6], $0x1  }
0xb2: {  	s5 =	sor.u32 @!p0 s5, s7;
	[sflag:s6] =	ssyncadd.s32 @!p0 $0xFFFFFFFF  }
0xb3: {  	s25 =	simm.s32 $0x1B8E;
	s24 =	sld [smem:$0x3FFE];
	[sflag:s5] =	ssyncadd.remote.s32 @!p0 $0x1  }
0xb4: {  	s26 =	simm.s32 $execute0_lowered;
	[smem:$0x3FD2] =	sst s25  }
0xb5: {  	s6 =	sshll.u32 s26, $0x1;
	_ =	strace $0x80000052;
	[dreg:$0x1] =	wrdreg $0xFFFFFFFF  }
0xb6: {  	s28 =	simm.s32 $_size_execute0_lowered;
	s4 =	sadd.s32 s4, s6;
	[dreg:$0x0] =	wrdreg $0x0  }
0xb7: {  	s6 =	sshll.u32 s28, $0x1;
	[dreg:$0x2] =	wrdreg s4  }
0xb8: {  	[dreg:$0x3] =	wrdreg s6  }
0xb9: {  	[dreg:$0x4] =	wrdreg $0xC0  }
0xba: {  	_ =	task [dreg:s22], $0x5FFFF  }
0xbb: {  	[dreg:$0x1] =	wrdreg $0xFFFFFFFF  }
0xbc: {  	[dreg:$0x0] =	wrdreg $0x60  }
0xbd: {  	[dreg:$0x2] =	wrdreg s18  }
0xbe: {  	[dreg:$0x3] =	wrdreg s24  }
0xbf: {  	[dreg:$0x4] =	wrdreg $0xB  }
0xc0: {  	_ =	task.clear_ibuf [dreg:s22], $0x5FFFF;
	_ =	strace $0x90000052  }
0xc1: {  	s29 =	simm.s32 $0xB;
	_ =	strace $0x80000054  }
0xc2: {  	_ =	swait.ge [sflag:s29], $0x1  }
0xc3: {  	[sflag:s29] =	ssyncadd.s32 $0xFFFFFFFF  }
0xc4: {  	_ =	strace $0x90000054  }
0xc5: {  	_ =	sfence  }
0xc6: {  	s30 =	sld [smem:$0x0];
	_ =	sdelay $0x2  }
0xc7: {  	s31 =	sshll.u32 s1, $0xD;
	s1 =	sshrl.u32 s1, $0x2  }
0xc8: {  	s4 =	sand.u32 $0x4000, s31;
	s1 =	sadd.s32 s1, s30  }
0xc9: {  	s0 =	sor.u32 s4, s0;
	s1 =	sshll.u32 s1, $0x11  }
0xca: {  	s0 =	sor.u32 s1, s0  }
0xcb: {  	s0 =	sadd.s32 $0x8F2B, s0  }
0xcc: {  	[sflag:s0] =	ssyncadd.remote.s32 $0x1  }
0xcd: {  	_ =	sfence.sel $0xFFFF  }
0xce: {  	[dreg:$0x0] =	wrdreg $0xFFFFFFFF;
	(pc) =	sbr.abs _section_cstart, $3  }
0xcf: {  	[dreg:$0x1] =	wrdreg $0xFFFFFFFF  }
0xd0: {  	_ =	task.clear_ibuf [dreg:s22], $0x2FFFF;
	_ =	strace $0x9FFFFFFF  }
0xd1: {  	(tm) =	ssettm $0x7FFFFFFF  }
tec
execute0_lowered:
.L_overlay_start_1:
0x0: {  	(tag) =	ssettag $0x1  }
0x1: {  	s2 =	rddreg [dreg:$0x0]  }
0x2: {  	s0 =	srdreg.scid;
	s3 =	stileid.u32  }
0x3: {  	s1 =	rddreg [dreg:$0x1];
	s16 =	simm.s32 $0x3;
	s17 =	simm.s32 $0x2  }
0x4: {  	s18 =	simm.s32 $0x4;
	s20 =	simm.s32 $0x900;
	s21 =	simm.s32 $0x1100  }
0x5: {  	s22 =	simm.s32 $0x1900;
	s28 =	simm.s32 $0x3900;
	s29 =	simm.s32 $0x4100  }
0x6: {  	s30 =	simm.s32 $0x4900;
	s31 =	simm.s32 $0x5100;
	s10 =	simm.s32 $0x7100  }
0x7: {  	s15 =	simm.s32 $0x7900;
	s11 =	simm.s32 $0x8100;
	s12 =	simm.s32 $0x8900  }
0x8: {  	s13 =	simm.s32 $0x9100;
	s0 =	sand.u32 $0x1, s0;
	s4 =	sshll.u32 s3, $0x1  }
0x9: {  	s14 =	simm.s32 $0x9900;
	s3 =	simm.s32 $0x0;
	s4 =	sor.u32 s0, s4  }
0xa: {  	[smem:$0x7FF] =	sst s3;
	s0 =	ssub.s32 $0x2, s0;
	s4 =	smul.u32 $0xA0, s4  }
0xb: {  	s5 =	sadd.s32 $0x183000, s1;
	_ =	strace $0x80000053;
	s25 =	sshrl.u32 s0, $0x1  }
0xc: {  	s0 =	ssub.s32 s0, s25;
	s25 =	simm.s32 $0x2900;
	s6 =	sshrl.u32 s4, $0x3  }
0xd: {  	s7 =	sadd.s32 $0x28, s4;
	s4 =	sadd.s32 $0x78, s4;
	s1 =	sadd.s32 s1, s6  }
0xe: {  	s6 =	smul.u32 $0x300, s6;
	s7 =	sshrl.u32 s7, $0x3;
	s23 =	sshrl.u32 s4, $0x3  }
0xf: {  	s4 =	simm.s32 $0x6900;
	s1 =	sadd.s32 $0x182D40, s1;
	s7 =	smul.u32 $0x300, s7  }
0x10: {  	[dreg:$0x3] =	wrdreg s1;
	s8 =	sadd.s32 s5, s6;
	s1 =	smul.u32 $0x300, s23  }
0x11: {  	s6 =	sadd.s32 $0x200, s2;
	s24 =	sadd.s32 s5, s7;
	[dreg:$0x7] =	wrdreg s8  }
0x12: {  	s23 =	simm.s32 $0x2100;
	s26 =	sadd.s32 $0x1E00, s8;
	[dreg:$0x4] =	wrdreg s24  }
0x13: {  	v2 =	vlaneseq.u32;
	s7 =	smax.u32 s0, $0x1;
	s8 =	simm.s32 $0x1;
	[dreg:$0x5] =	wrdreg s26  }
0x14: {  	vm0 =	vmmov $0xffff;
	v1 =	vshrl.u32 v2, $0x3;
	s1 =	sadd.s32 s5, s1;
	s5 =	sadd.s32 $0x100, s2;
	s24 =	simm.s32 $0x100  }
0x15: {  	v0 =	vand.u32 $0x7, v2;
	v2 =	vor.u32 $0x8, v2;
	v1 =	vmul.u32 $0x8, v1;
	s26 =	simm.s32 $0x3100;
	[dreg:$0x6] =	wrdreg s1;
	s1 =	simm.s32 $0x5900  }
.LBB2_1:
0x16: {  	s19 =	rddreg [dreg:$0x3];
	s0 =	simm.s32 $0x5  }
0x17: {  	[tilespmem:s3], [sflag:$0x5] =	stream.linear.gather [hbm4b:s19+s3], $0xA0, $0x38;
	[tilespmem:$0xF100] =	vst v63  }
0x18: {  	_ =	swait.ge [sflag:s0], $0xA0  }
0x19: {  	[sflag:s0] =	ssyncset.done $0x0  }
0x1a: {  	[sflag:s0] =	ssyncadd.s32 $0xFFFFFF60  }
0x1b: {  	v3 =	vld [tilespmem:$0x0];
	_ =	sdelay $0x4  }
0x1c: {  	v4 =	vshrl.u32 v3, $0x3  }
0x1d: {  	v4 =	vmul.u32 $0x30, v4  }
0x1e: {  	v3 =	vand.u32 $0x7, v3  }
0x1f: {  	v3 =	vor.u32 v3, v4  }
0x20: {  	v4 =	vperm.xlane v3, v0;
	_ =	sdelay $0x1  }
0x21: {  	v4 =	vadd.s32 v1, v4;
	_ =	sdelay $0x3  }
0x22: {  	v3 =	vperm.xlane v3, v2  }
0x23: {  	[tilespmem:s24], [sflag:$0x1] =	stream.indirect_vreg.gather [hbm4b:s2+s3], $0x80, v4, vm0, $0xb8;
	[tilespmem:$0xF100] =	vst v63  }
0x24: {  	v3 =	vadd.s32 v1, v3  }
0x25: {  	[tilespmem:s20], [sflag:$0x1] =	stream.indirect_vreg.gather [hbm4b:s5+s3], $0x80, v4, vm0, $0xb8;
	[tilespmem:$0xF100] =	vst v63  }
0x26: {  	_ = 	snop  }
0x27: {  	[tilespmem:s21], [sflag:$0x1] =	stream.indirect_vreg.gather [hbm4b:s6+s3], $0x80, v4, vm0, $0xb8;
	[tilespmem:$0xF100] =	vst v63  }
0x28: {  	_ = 	snop  }
0x29: {  	[tilespmem:s22], [sflag:$0x1] =	stream.indirect_vreg.gather [hbm4b:s2+s3], $0x80, v3, vm0, $0xb8;
	[tilespmem:$0xF100] =	vst v63  }
0x2a: {  	_ = 	snop  }
0x2b: {  	[tilespmem:s23], [sflag:$0x1] =	stream.indirect_vreg.gather [hbm4b:s5+s3], $0x80, v3, vm0, $0xb8;
	[tilespmem:$0xF100] =	vst v63  }
0x2c: {  	_ = 	snop  }
0x2d: {  	[tilespmem:s25], [sflag:$0x1] =	stream.indirect_vreg.gather [hbm4b:s6+s3], $0x80, v3, vm0, $0xb8;
	[tilespmem:$0xF100] =	vst v63  }
0x2e: {  	v3 =	vld [tilespmem:$0x10];
	_ =	sdelay $0x4  }
0x2f: {  	v53 =	vshrl.u32 v3, $0x3  }
0x30: {  	v4 =	vmul.u32 $0x30, v53  }
0x31: {  	v3 =	vand.u32 $0x7, v3  }
0x32: {  	v3 =	vor.u32 v3, v4  }
0x33: {  	v4 =	vperm.xlane v3, v0;
	_ =	sdelay $0x1  }
0x34: {  	v4 =	vadd.s32 v1, v4;
	_ =	sdelay $0x3  }
0x35: {  	v3 =	vperm.xlane v3, v2  }
0x36: {  	[tilespmem:s26], [sflag:$0x1] =	stream.indirect_vreg.gather [hbm4b:s2+s3], $0x80, v4, vm0, $0xb8;
	[tilespmem:$0xF100] =	vst v63  }
0x37: {  	v3 =	vadd.s32 v1, v3  }
0x38: {  	[tilespmem:s28], [sflag:$0x1] =	stream.indirect_vreg.gather [hbm4b:s5+s3], $0x80, v4, vm0, $0xb8;
	[tilespmem:$0xF100] =	vst v63  }
0x39: {  	_ = 	snop  }
0x3a: {  	[tilespmem:s29], [sflag:$0x1] =	stream.indirect_vreg.gather [hbm4b:s6+s3], $0x80, v4, vm0, $0xb8;
	[tilespmem:$0xF100] =	vst v63  }
0x3b: {  	_ = 	snop  }
0x3c: {  	[tilespmem:s30], [sflag:$0x1] =	stream.indirect_vreg.gather [hbm4b:s2+s3], $0x80, v3, vm0, $0xb8;
	[tilespmem:$0xF100] =	vst v63  }
0x3d: {  	_ = 	snop  }
0x3e: {  	[tilespmem:s31], [sflag:$0x1] =	stream.indirect_vreg.gather [hbm4b:s5+s3], $0x80, v3, vm0, $0xb8;
	[tilespmem:$0xF100] =	vst v63  }
0x3f: {  	_ = 	snop  }
0x40: {  	[tilespmem:s1], [sflag:$0x1] =	stream.indirect_vreg.gather [hbm4b:s6+s3], $0x80, v3, vm0, $0xb8;
	[tilespmem:$0xF100] =	vst v63  }
0x41: {  	v3 =	vld.msk [tilespmem:$0x20], $0xff;
	_ =	sdelay $0x4  }
0x42: {  	v54 =	vshrl.u32 v3, $0x3  }
0x43: {  	v4 =	vmul.u32 $0x30, v54  }
0x44: {  	v3 =	vand.u32 $0x7, v3  }
0x45: {  	v3 =	vor.u32 v3, v4  }
0x46: {  	v3 =	vperm.xlane v3, v0;
	_ =	sdelay $0x1  }
0x47: {  	v3 =	vadd.s32 v1, v3;
	_ =	sdelay $0x3  }
0x48: {  	s0 =	simm.s32 $0x6100  }
0x49: {  	[tilespmem:s0], [sflag:$0x1] =	stream.indirect_vreg.gather [hbm4b:s2+s3], $0x80, v3, vm0, $0xb8;
	[tilespmem:$0xF100] =	vst v63  }
0x4a: {  	_ = 	snop  }
0x4b: {  	[tilespmem:s4], [sflag:$0x1] =	stream.indirect_vreg.gather [hbm4b:s5+s3], $0x80, v3, vm0, $0xb8;
	[tilespmem:$0xF100] =	vst v63  }
0x4c: {  	_ = 	snop  }
0x4d: {  	[tilespmem:s10], [sflag:$0x1] =	stream.indirect_vreg.gather [hbm4b:s6+s3], $0x80, v3, vm0, $0xb8;
	[tilespmem:$0xF100] =	vst v63  }
0x4e: {  	v3 =	vld [tilespmem:$0x28];
	_ =	sdelay $0x4  }
0x4f: {  	v55 =	vshrl.u32 v3, $0x3  }
0x50: {  	v4 =	vmul.u32 $0x30, v55  }
0x51: {  	v3 =	vand.u32 $0x7, v3  }
0x52: {  	v3 =	vor.u32 v3, v4  }
0x53: {  	v4 =	vperm.xlane v3, v0;
	_ =	sdelay $0x1  }
0x54: {  	v4 =	vadd.s32 v1, v4;
	_ =	sdelay $0x3  }
0x55: {  	v3 =	vperm.xlane v3, v2  }
0x56: {  	[tilespmem:s15], [sflag:$0x2] =	stream.indirect_vreg.gather [hbm4b:s2+s3], $0x80, v4, vm0, $0xb8;
	[tilespmem:$0xF100] =	vst v63  }
0x57: {  	v3 =	vadd.s32 v1, v3  }
0x58: {  	[tilespmem:s11], [sflag:$0x2] =	stream.indirect_vreg.gather [hbm4b:s5+s3], $0x80, v4, vm0, $0xb8;
	[tilespmem:$0xF100] =	vst v63  }
0x59: {  	_ = 	snop  }
0x5a: {  	[tilespmem:s12], [sflag:$0x2] =	stream.indirect_vreg.gather [hbm4b:s6+s3], $0x80, v4, vm0, $0xb8;
	[tilespmem:$0xF100] =	vst v63  }
0x5b: {  	_ = 	snop  }
0x5c: {  	[tilespmem:s13], [sflag:$0x2] =	stream.indirect_vreg.gather [hbm4b:s2+s3], $0x80, v3, vm0, $0xb8;
	[tilespmem:$0xF100] =	vst v63  }
0x5d: {  	_ = 	snop  }
0x5e: {  	[tilespmem:s14], [sflag:$0x2] =	stream.indirect_vreg.gather [hbm4b:s5+s3], $0x80, v3, vm0, $0xb8;
	[tilespmem:$0xF100] =	vst v63  }
0x5f: {  	s9 =	simm.s32 $0xA100  }
0x60: {  	[tilespmem:s9], [sflag:$0x2] =	stream.indirect_vreg.gather [hbm4b:s6+s3], $0x80, v3, vm0, $0xb8;
	[tilespmem:$0xF100] =	vst v63  }
0x61: {  	v3 =	vld [tilespmem:$0x38];
	_ =	sdelay $0x4  }
0x62: {  	v56 =	vshrl.u32 v3, $0x3  }
0x63: {  	v4 =	vmul.u32 $0x30, v56  }
0x64: {  	v3 =	vand.u32 $0x7, v3  }
0x65: {  	v3 =	vor.u32 v3, v4  }
0x66: {  	v4 =	vperm.xlane v3, v0;
	_ =	sdelay $0x1  }
0x67: {  	v4 =	vadd.s32 v1, v4;
	_ =	sdelay $0x3  }
0x68: {  	s9 =	simm.s32 $0xA900;
	v3 =	vperm.xlane v3, v2  }
0x69: {  	[tilespmem:s9], [sflag:$0x2] =	stream.indirect_vreg.gather [hbm4b:s2+s3], $0x80, v4, vm0, $0xb8;
	[tilespmem:$0xF100] =	vst v63  }
0x6a: {  	s19 =	simm.s32 $0xB100;
	v3 =	vadd.s32 v1, v3  }
0x6b: {  	[tilespmem:s19], [sflag:$0x2] =	stream.indirect_vreg.gather [hbm4b:s5+s3], $0x80, v4, vm0, $0xb8;
	[tilespmem:$0xF100] =	vst v63  }
0x6c: {  	s19 =	simm.s32 $0xB900  }
0x6d: {  	[tilespmem:s19], [sflag:$0x2] =	stream.indirect_vreg.gather [hbm4b:s6+s3], $0x80, v4, vm0, $0xb8;
	[tilespmem:$0xF100] =	vst v63  }
0x6e: {  	s19 =	simm.s32 $0xC100  }
0x6f: {  	[tilespmem:s19], [sflag:$0x2] =	stream.indirect_vreg.gather [hbm4b:s2+s3], $0x80, v3, vm0, $0xb8;
	[tilespmem:$0xF100] =	vst v63  }
0x70: {  	s19 =	simm.s32 $0xC900  }
0x71: {  	[tilespmem:s19], [sflag:$0x2] =	stream.indirect_vreg.gather [hbm4b:s5+s3], $0x80, v3, vm0, $0xb8;
	[tilespmem:$0xF100] =	vst v63  }
0x72: {  	s19 =	simm.s32 $0xD100  }
0x73: {  	[tilespmem:s19], [sflag:$0x2] =	stream.indirect_vreg.gather [hbm4b:s6+s3], $0x80, v3, vm0, $0xb8;
	[tilespmem:$0xF100] =	vst v63  }
0x74: {  	v3 =	vld.msk [tilespmem:$0x48], $0xff;
	_ =	sdelay $0x4  }
0x75: {  	v57 =	vshrl.u32 v3, $0x3  }
0x76: {  	v4 =	vmul.u32 $0x30, v57  }
0x77: {  	v3 =	vand.u32 $0x7, v3  }
0x78: {  	v3 =	vor.u32 v3, v4  }
0x79: {  	v3 =	vperm.xlane v3, v0;
	_ =	sdelay $0x1  }
0x7a: {  	v3 =	vadd.s32 v1, v3;
	_ =	sdelay $0x3  }
0x7b: {  	s19 =	simm.s32 $0xD900  }
0x7c: {  	[tilespmem:s19], [sflag:$0x2] =	stream.indirect_vreg.gather [hbm4b:s2+s3], $0x80, v3, vm0, $0xb8;
	[tilespmem:$0xF100] =	vst v63  }
0x7d: {  	s19 =	simm.s32 $0xE100  }
0x7e: {  	[tilespmem:s19], [sflag:$0x2] =	stream.indirect_vreg.gather [hbm4b:s5+s3], $0x80, v3, vm0, $0xb8;
	[tilespmem:$0xF100] =	vst v63  }
0x7f: {  	s19 =	simm.s32 $0xE900  }
0x80: {  	[tilespmem:s19], [sflag:$0x2] =	stream.indirect_vreg.gather [hbm4b:s6+s3], $0x80, v3, vm0, $0xb8;
	[tilespmem:$0xF100] =	vst v63  }
0x81: {  	_ =	swait.ge [sflag:s8], $0x7800  }
0x82: {  	[sflag:s8] =	ssyncset.done $0x0  }
0x83: {  	s19 =	rddreg [dreg:$0x7];
	[sflag:s8] =	ssyncadd.s32 $0xFFFF8800  }
0x84: {  	[hbm4b:s19+s3] =	stream.linear.scatter [tilespmem:s24], [sflag:$0x3], $0x7800, $0x38;
	[tilespmem:$0xF100] =	vst v63  }
0x85: {  	_ =	swait.ge [sflag:s16], $0x7800  }
0x86: {  	[sflag:s16] =	ssyncset.done $0x0  }
0x87: {  	[sflag:s16] =	ssyncadd.s32 $0xFFFF8800  }
0x88: {  	v3 =	vld [tilespmem:$0x50];
	_ =	sdelay $0x4  }
0x89: {  	v58 =	vshrl.u32 v3, $0x3  }
0x8a: {  	v4 =	vmul.u32 $0x30, v58  }
0x8b: {  	v3 =	vand.u32 $0x7, v3  }
0x8c: {  	v3 =	vor.u32 v3, v4  }
0x8d: {  	v4 =	vperm.xlane v3, v0;
	_ =	sdelay $0x1  }
0x8e: {  	v4 =	vadd.s32 v1, v4;
	_ =	sdelay $0x3  }
0x8f: {  	v3 =	vperm.xlane v3, v2  }
0x90: {  	[tilespmem:s24], [sflag:$0x1] =	stream.indirect_vreg.gather [hbm4b:s2+s3], $0x80, v4, vm0, $0xb8;
	[tilespmem:$0xF100] =	vst v63  }
0x91: {  	v3 =	vadd.s32 v1, v3  }
0x92: {  	[tilespmem:s20], [sflag:$0x1] =	stream.indirect_vreg.gather [hbm4b:s5+s3], $0x80, v4, vm0, $0xb8;
	[tilespmem:$0xF100] =	vst v63  }
0x93: {  	_ = 	snop  }
0x94: {  	[tilespmem:s21], [sflag:$0x1] =	stream.indirect_vreg.gather [hbm4b:s6+s3], $0x80, v4, vm0, $0xb8;
	[tilespmem:$0xF100] =	vst v63  }
0x95: {  	_ = 	snop  }
0x96: {  	[tilespmem:s22], [sflag:$0x1] =	stream.indirect_vreg.gather [hbm4b:s2+s3], $0x80, v3, vm0, $0xb8;
	[tilespmem:$0xF100] =	vst v63  }
0x97: {  	_ = 	snop  }
0x98: {  	[tilespmem:s23], [sflag:$0x1] =	stream.indirect_vreg.gather [hbm4b:s5+s3], $0x80, v3, vm0, $0xb8;
	[tilespmem:$0xF100] =	vst v63  }
0x99: {  	_ = 	snop  }
0x9a: {  	[tilespmem:s25], [sflag:$0x1] =	stream.indirect_vreg.gather [hbm4b:s6+s3], $0x80, v3, vm0, $0xb8;
	[tilespmem:$0xF100] =	vst v63  }
0x9b: {  	v3 =	vld [tilespmem:$0x60];
	_ =	sdelay $0x4  }
0x9c: {  	v59 =	vshrl.u32 v3, $0x3  }
0x9d: {  	v4 =	vmul.u32 $0x30, v59  }
0x9e: {  	v3 =	vand.u32 $0x7, v3  }
0x9f: {  	v3 =	vor.u32 v3, v4  }
0xa0: {  	v4 =	vperm.xlane v3, v0;
	_ =	sdelay $0x1  }
0xa1: {  	v4 =	vadd.s32 v1, v4;
	_ =	sdelay $0x3  }
0xa2: {  	v3 =	vperm.xlane v3, v2  }
0xa3: {  	[tilespmem:s26], [sflag:$0x1] =	stream.indirect_vreg.gather [hbm4b:s2+s3], $0x80, v4, vm0, $0xb8;
	[tilespmem:$0xF100] =	vst v63  }
0xa4: {  	v3 =	vadd.s32 v1, v3  }
0xa5: {  	[tilespmem:s28], [sflag:$0x1] =	stream.indirect_vreg.gather [hbm4b:s5+s3], $0x80, v4, vm0, $0xb8;
	[tilespmem:$0xF100] =	vst v63  }
0xa6: {  	_ = 	snop  }
0xa7: {  	[tilespmem:s29], [sflag:$0x1] =	stream.indirect_vreg.gather [hbm4b:s6+s3], $0x80, v4, vm0, $0xb8;
	[tilespmem:$0xF100] =	vst v63  }
0xa8: {  	_ = 	snop  }
0xa9: {  	[tilespmem:s30], [sflag:$0x1] =	stream.indirect_vreg.gather [hbm4b:s2+s3], $0x80, v3, vm0, $0xb8;
	[tilespmem:$0xF100] =	vst v63  }
0xaa: {  	_ = 	snop  }
0xab: {  	[tilespmem:s31], [sflag:$0x1] =	stream.indirect_vreg.gather [hbm4b:s5+s3], $0x80, v3, vm0, $0xb8;
	[tilespmem:$0xF100] =	vst v63  }
0xac: {  	_ = 	snop  }
0xad: {  	[tilespmem:s1], [sflag:$0x1] =	stream.indirect_vreg.gather [hbm4b:s6+s3], $0x80, v3, vm0, $0xb8;
	[tilespmem:$0xF100] =	vst v63  }
0xae: {  	v3 =	vld.msk [tilespmem:$0x70], $0xff;
	_ =	sdelay $0x4  }
0xaf: {  	v60 =	vshrl.u32 v3, $0x3  }
0xb0: {  	v4 =	vmul.u32 $0x30, v60  }
0xb1: {  	v3 =	vand.u32 $0x7, v3  }
0xb2: {  	v3 =	vor.u32 v3, v4  }
0xb3: {  	v3 =	vperm.xlane v3, v0;
	_ =	sdelay $0x1  }
0xb4: {  	v3 =	vadd.s32 v1, v3;
	_ =	sdelay $0x4  }
0xb5: {  	[tilespmem:s0], [sflag:$0x1] =	stream.indirect_vreg.gather [hbm4b:s2+s3], $0x80, v3, vm0, $0xb8;
	[tilespmem:$0xF100] =	vst v63  }
0xb6: {  	_ = 	snop  }
0xb7: {  	[tilespmem:s4], [sflag:$0x1] =	stream.indirect_vreg.gather [hbm4b:s5+s3], $0x80, v3, vm0, $0xb8;
	[tilespmem:$0xF100] =	vst v63  }
0xb8: {  	_ = 	snop  }
0xb9: {  	[tilespmem:s10], [sflag:$0x1] =	stream.indirect_vreg.gather [hbm4b:s6+s3], $0x80, v3, vm0, $0xb8;
	[tilespmem:$0xF100] =	vst v63  }
0xba: {  	_ =	swait.ge [sflag:s17], $0x7800  }
0xbb: {  	[sflag:s17] =	ssyncset.done $0x0  }
0xbc: {  	s0 =	rddreg [dreg:$0x4];
	[sflag:s17] =	ssyncadd.s32 $0xFFFF8800  }
0xbd: {  	[hbm4b:s0+s3] =	stream.linear.scatter [tilespmem:s15], [sflag:$0x4], $0x7800, $0x38;
	[tilespmem:$0xF100] =	vst v63  }
0xbe: {  	_ =	swait.ge [sflag:s18], $0x7800  }
0xbf: {  	[sflag:s18] =	ssyncset.done $0x0  }
0xc0: {  	[sflag:s18] =	ssyncadd.s32 $0xFFFF8800  }
0xc1: {  	v3 =	vld [tilespmem:$0x78];
	_ =	sdelay $0x4  }
0xc2: {  	v61 =	vshrl.u32 v3, $0x3  }
0xc3: {  	v4 =	vmul.u32 $0x30, v61  }
0xc4: {  	v3 =	vand.u32 $0x7, v3  }
0xc5: {  	v3 =	vor.u32 v3, v4  }
0xc6: {  	v4 =	vperm.xlane v3, v0;
	_ =	sdelay $0x1  }
0xc7: {  	v4 =	vadd.s32 v1, v4;
	_ =	sdelay $0x3  }
0xc8: {  	v3 =	vperm.xlane v3, v2  }
0xc9: {  	[tilespmem:s15], [sflag:$0x2] =	stream.indirect_vreg.gather [hbm4b:s2+s3], $0x80, v4, vm0, $0xb8;
	[tilespmem:$0xF100] =	vst v63  }
0xca: {  	v3 =	vadd.s32 v1, v3  }
0xcb: {  	[tilespmem:s11], [sflag:$0x2] =	stream.indirect_vreg.gather [hbm4b:s5+s3], $0x80, v4, vm0, $0xb8;
	[tilespmem:$0xF100] =	vst v63  }
0xcc: {  	_ = 	snop  }
0xcd: {  	[tilespmem:s12], [sflag:$0x2] =	stream.indirect_vreg.gather [hbm4b:s6+s3], $0x80, v4, vm0, $0xb8;
	[tilespmem:$0xF100] =	vst v63  }
0xce: {  	_ = 	snop  }
0xcf: {  	[tilespmem:s13], [sflag:$0x2] =	stream.indirect_vreg.gather [hbm4b:s2+s3], $0x80, v3, vm0, $0xb8;
	[tilespmem:$0xF100] =	vst v63  }
0xd0: {  	_ = 	snop  }
0xd1: {  	[tilespmem:s14], [sflag:$0x2] =	stream.indirect_vreg.gather [hbm4b:s5+s3], $0x80, v3, vm0, $0xb8;
	[tilespmem:$0xF100] =	vst v63  }
0xd2: {  	s19 =	simm.s32 $0xA100  }
0xd3: {  	[tilespmem:s19], [sflag:$0x2] =	stream.indirect_vreg.gather [hbm4b:s6+s3], $0x80, v3, vm0, $0xb8;
	[tilespmem:$0xF100] =	vst v63  }
0xd4: {  	v3 =	vld [tilespmem:$0x88];
	_ =	sdelay $0x4  }
0xd5: {  	v62 =	vshrl.u32 v3, $0x3  }
0xd6: {  	v4 =	vmul.u32 $0x30, v62  }
0xd7: {  	v3 =	vand.u32 $0x7, v3  }
0xd8: {  	v3 =	vor.u32 v3, v4  }
0xd9: {  	v4 =	vperm.xlane v3, v0;
	_ =	sdelay $0x1  }
0xda: {  	v4 =	vadd.s32 v1, v4;
	_ =	sdelay $0x3  }
0xdb: {  	v3 =	vperm.xlane v3, v2  }
0xdc: {  	[tilespmem:s9], [sflag:$0x2] =	stream.indirect_vreg.gather [hbm4b:s2+s3], $0x80, v4, vm0, $0xb8;
	[tilespmem:$0xF100] =	vst v63  }
0xdd: {  	v3 =	vadd.s32 v1, v3;
	s9 =	simm.s32 $0xB100  }
0xde: {  	[tilespmem:s9], [sflag:$0x2] =	stream.indirect_vreg.gather [hbm4b:s5+s3], $0x80, v4, vm0, $0xb8;
	[tilespmem:$0xF100] =	vst v63  }
0xdf: {  	s19 =	simm.s32 $0xB900  }
0xe0: {  	[tilespmem:s19], [sflag:$0x2] =	stream.indirect_vreg.gather [hbm4b:s6+s3], $0x80, v4, vm0, $0xb8;
	[tilespmem:$0xF100] =	vst v63  }
0xe1: {  	s9 =	simm.s32 $0xC100  }
0xe2: {  	[tilespmem:s9], [sflag:$0x2] =	stream.indirect_vreg.gather [hbm4b:s2+s3], $0x80, v3, vm0, $0xb8;
	[tilespmem:$0xF100] =	vst v63  }
0xe3: {  	s19 =	simm.s32 $0xC900  }
0xe4: {  	[tilespmem:s19], [sflag:$0x2] =	stream.indirect_vreg.gather [hbm4b:s5+s3], $0x80, v3, vm0, $0xb8;
	[tilespmem:$0xF100] =	vst v63  }
0xe5: {  	s9 =	simm.s32 $0xD100  }
0xe6: {  	[tilespmem:s9], [sflag:$0x2] =	stream.indirect_vreg.gather [hbm4b:s6+s3], $0x80, v3, vm0, $0xb8;
	[tilespmem:$0xF100] =	vst v63  }
0xe7: {  	v3 =	vld.msk [tilespmem:$0x98], $0xff;
	_ =	sdelay $0x4  }
0xe8: {  	v63 =	vshrl.u32 v3, $0x3  }
0xe9: {  	v4 =	vmul.u32 $0x30, v63  }
0xea: {  	v3 =	vand.u32 $0x7, v3  }
0xeb: {  	v3 =	vor.u32 v3, v4  }
0xec: {  	v3 =	vperm.xlane v3, v0;
	_ =	sdelay $0x1  }
0xed: {  	v3 =	vadd.s32 v1, v3;
	_ =	sdelay $0x3  }
0xee: {  	s19 =	simm.s32 $0xD900  }
0xef: {  	[tilespmem:s19], [sflag:$0x2] =	stream.indirect_vreg.gather [hbm4b:s2+s3], $0x80, v3, vm0, $0xb8;
	[tilespmem:$0xF100] =	vst v63  }
0xf0: {  	s9 =	simm.s32 $0xE100  }
0xf1: {  	[tilespmem:s9], [sflag:$0x2] =	stream.indirect_vreg.gather [hbm4b:s5+s3], $0x80, v3, vm0, $0xb8;
	[tilespmem:$0xF100] =	vst v63  }
0xf2: {  	s19 =	simm.s32 $0xE900  }
0xf3: {  	[tilespmem:s19], [sflag:$0x2] =	stream.indirect_vreg.gather [hbm4b:s6+s3], $0x80, v3, vm0, $0xb8;
	[tilespmem:$0xF100] =	vst v63  }
0xf4: {  	_ =	swait.ge [sflag:s8], $0x7800  }
0xf5: {  	[sflag:s8] =	ssyncset.done $0x0  }
0xf6: {  	s0 =	rddreg [dreg:$0x5];
	[sflag:s8] =	ssyncadd.s32 $0xFFFF8800  }
0xf7: {  	[hbm4b:s0+s3] =	stream.linear.scatter [tilespmem:s24], [sflag:$0x3], $0x7800, $0x38;
	[tilespmem:$0xF100] =	vst v63  }
0xf8: {  	_ =	swait.ge [sflag:s17], $0x7800  }
0xf9: {  	[sflag:s17] =	ssyncset.done $0x0  }
0xfa: {  	s9 =	rddreg [dreg:$0x6];
	[sflag:s17] =	ssyncadd.s32 $0xFFFF8800  }
0xfb: {  	[hbm4b:s9+s3] =	stream.linear.scatter [tilespmem:s15], [sflag:$0x4], $0x7800, $0x38;
	[tilespmem:$0xF100] =	vst v63  }
0xfc: {  	p0 =	sne.s32 s7, $0x1;
	_ =	swait.ge [sflag:s16], $0x7800  }
.Ltmp0:
0xfd: {  	[sflag:s16] =	ssyncset.done $0x0;
	(pc) =	sbr.rel @p0 .LBB2_1-.Ltmp0, $4  }
0xfe: {  	[sflag:s16] =	ssyncadd.s32 $0xFFFF8800  }
0xff: {  	_ =	swait.ge [sflag:s18], $0x7800  }
0x100: {  	[sflag:s18] =	ssyncset.done $0x0  }
0x101: {  	s7 =	sadd.s32 $0xFFFFFFFF, s7;
	[sflag:s18] =	ssyncadd.s32 $0xFFFF8800  }
0x102: {  	_ =	sfence.sel $0x180000  }
0x103: {  	[bflag:$0x0] =	sbarrier.arrive $0xFFFF  }
0x104: {  	_ =	strace $0x90000053  }
0x105: {  	s0 =	stileid.u32;
	[bflag:$0x2] =	sbarrier.arrive $0xFFFF  }
0x106: {  	p0 =	sne.s32 s0, $0x0;
	s0 =	rddreg [dreg:$0x2]  }
0x107: {  	s0 =	sadd.s32 @!p0 $0x100000, s0  }
0x108: {  	[sflag:s0] =	ssyncadd.tile.s32 @!p0 $0x1;
	_ =	shalt  }
.Lfunc_end2:
_tile_overlayer_lowered:
.L_overlay_start_2:
0x109: {  	(tag) =	ssettag $0x2  }
0x10a: {  	s0 =	rddreg [dreg:$0x0];
	s2 =	stileid.u32  }
0x10b: {  	s1 =	rddreg [dreg:$0x1];
	p0 =	sne.s32 s2, $0x0  }
0x10c: {  	s3 =	rddreg [dreg:$0x2];
	[bflag:$0x3] =	sbarrier.arrive $0xFFFF;
	s2 =	simm.s32 @!p0 $0x1C05  }
0x10d: {  	[timem:s3], [sflag:s2] =	dma.local @!p0 [hbm:s0], s1  }
0x10e: {  	s0 =	simm.s32 @!p0 $0x5  }
0x10f: {  	_ =	swait.ge @!p0 [sflag:s0], s1  }
0x110: {  	s1 =	ssub.s32 @!p0 $0x0, s1;
	[sflag:s0] =	ssyncset.done @!p0 $0x0  }
0x111: {  	[sflag:s0] =	ssyncadd.s32 @!p0 s1  }
0x112: {  	[bflag:$0x3] =	sbarrier.arrive $0xFFFF  }
0x113: {  	_ =	shalt  }

// kernel: kernel.21.cloned.1.call-start
scs
__scs_entry_jumppad:
0x0: {  	(pc) =	sbr.rel $0x88, $3  }
0x1: {  	(tag) =	ssettag $0x0;
	lr =	simm.s32 $0x1  }
0x2: {  	[smem:$0x3F99] =	sst lr;
	_ =	strace $0xD0000000  }
0x3: {  	_ = 	snop  }
0x4: {  	_ = 	snop  }
0x5: {  	_ = 	snop  }
0x6: {  	_ = 	snop  }
0x7: {  	_ = 	snop  }
__scs_overlays_trampoline_lowered:
0x8: {  	[smem:$0x3FA8] =	sst s0  }
0x9: {  	[smem:$0x3FA9] =	sst s1  }
0xa: {  	[smem:$0x3FAA] =	sst s2  }
0xb: {  	[smem:$0x3FAB] =	sst s3  }
0xc: {  	[smem:$0x3FAC] =	sst s4  }
0xd: {  	[smem:$0x3FAD] =	sst s5  }
0xe: {  	[smem:$0x3FAE] =	sst s6  }
0xf: {  	[smem:$0x3FAF] =	sst s7  }
0x10: {  	[smem:$0x3FB0] =	sst s8  }
0x11: {  	[smem:$0x3FB1] =	sst s9;
	s0 =	simm.s32 @!p0 $0x0  }
0x12: {  	s1 =	sld [smem:$0x3F97];
	s0 =	simm.s32 @p0 $0x1  }
0x13: {  	[smem:$0x3FB2] =	sst s0;
	s0 =	simm.s32 @!p1 $0x0  }
0x14: {  	s2 =	sld [smem:$0x3F96];
	s0 =	simm.s32 @p1 $0x1  }
0x15: {  	[smem:$0x3FB3] =	sst s0;
	s0 =	simm.s32 @!p2 $0x0  }
0x16: {  	s3 =	sld [smem:$0x3FDB];
	s0 =	simm.s32 @p2 $0x1  }
0x17: {  	s4 =	simm.s32 $0x1BF5;
	[smem:$0x3FB5] =	sst s0  }
0x18: {  	s0 =	sld [smem:$0x3F98];
	_ =	swait.ge [sflag:s4], $0x0  }
0x19: {  	s7 =	sld [smem:$0x3F99]  }
0x1a: {  	s8 =	sadd.s32 $0xFFFFE003, lr  }
0x1b: {  	s9 =	sadd.s32 $0xFFFFFEF7, lr;
	s5 =	simm.s32 $0xFFFFFFFF;
	p2 =	slt.u32 s8, $0xFFFFF086  }
0x1c: {  	p1 =	slt.u32 s9, $0xF7A;
	s5 =	simm.s32 @!p2 $0x0  }
0x1d: {  	s5 =	simm.s32 @p1 $0x1;
	p0 =	seq.s32 s7, s2  }
0x1e: {  	s7 =	smul.u32 @!p0 $0xF7A, s2;
	p2 =	seq.s32 @!p0 s5, $0x0  }
0x1f: {  	s9 =	smul.u32 $0xF7A, s1;
	s8 =	simm.s32 @!p0 $0x1BF5;
	p2 =	por !p2, p0  }
0x20: {  	[sflag:s8] =	ssyncset.s32 @!p0 $0xFFFFF086;
	s6 =	sadd.s32 @!p0 s3, s7;
	s7 =	simm.s32 @!p0 $0x108  }
0x21: {  	s3 =	sadd.s32 s3, s9;
	s6 =	sadd.s32 @!p0 $0x88, s6;
	s7 =	simm.s32 @p2 $0x1082  }
0x22: {  	[simem:s7], [sflag:s8] =	dma.local @!p0 [hbm:s6], $0xF7A  }
0x23: {  	s9 =	sor.u32 $0xD0000000, s2;
	s6 =	simm.s32 $0x108;
	_ =	swait.ge @!p0 [sflag:s8], $0x0  }
0x24: {  	s3 =	sadd.s32 $0x88, s3;
	s6 =	simm.s32 @!p1 $0x1082;
	[sflag:s4] =	ssyncset.s32 $0xFFFFF086  }
0x25: {  	[simem:s6], [sflag:s4] =	dma.local [hbm:s3], $0xF7A  }
0x26: {  	[smem:$0x3F99] =	sst s1;
	(tag) =	ssettag s2;
	_ =	strace s9  }
0x27: {  	s1 =	sld [smem:$0x3FA9]  }
0x28: {  	s2 =	sld [smem:$0x3FAA]  }
0x29: {  	s4 =	sld [smem:$0x3FAC]  }
0x2a: {  	p0 =	seq.s32 s5, $0x0;
	s5 =	sld [smem:$0x3FAD]  }
0x2b: {  	s6 =	sld [smem:$0x3FAE]  }
0x2c: {  	s7 =	sld [smem:$0x3FAF]  }
0x2d: {  	s3 =	simm.s32 $0x108;
	s8 =	sld [smem:$0x3FB0]  }
0x2e: {  	s3 =	simm.s32 @!p0 $0x1082;
	s9 =	sld [smem:$0x3FB1]  }
0x2f: {  	lr =	sadd.s32 s0, s3;
	s0 =	sld [smem:$0x3FA8]  }
0x30: {  	s3 =	sld [smem:$0x3FAB]  }
0x31: {  	[smem:$0x3FB4] =	sst s10  }
0x32: {  	s10 =	sld [smem:$0x3FB2];
	_ =	sdelay $0x3  }
0x33: {  	p0 =	seq.s32 s10, $0x1;
	s10 =	sld [smem:$0x3FB4];
	_ =	sdelay $0x3  }
0x34: {  	[smem:$0x3FB4] =	sst s10  }
0x35: {  	s10 =	sld [smem:$0x3FB3];
	_ =	sdelay $0x3  }
0x36: {  	p1 =	seq.s32 s10, $0x1;
	s10 =	sld [smem:$0x3FB4];
	_ =	sdelay $0x3  }
0x37: {  	[smem:$0x3FB4] =	sst s10  }
0x38: {  	s10 =	sld [smem:$0x3FB5]  }
0x39: {  	_ = 	snop;
	(pc) =	sbr.ind lr, $3  }
0x3a: {  	_ = 	snop  }
0x3b: {  	_ = 	snop  }
0x3c: {  	p2 =	seq.s32 s10, $0x1;
	s10 =	sld [smem:$0x3FB4]  }
0x3d: {  	_ =	shalt  }
0x3e: {  	_ =	shalt  }
0x3f: {  	_ =	shalt  }
0x40: {  	_ =	shalt  }
0x41: {  	_ =	shalt  }
0x42: {  	_ =	shalt  }
0x43: {  	_ =	shalt  }
0x44: {  	_ =	shalt  }
0x45: {  	_ =	shalt  }
0x46: {  	_ =	shalt  }
0x47: {  	_ =	shalt  }
0x48: {  	_ =	shalt  }
0x49: {  	_ =	shalt  }
0x4a: {  	_ =	shalt  }
0x4b: {  	_ =	shalt  }
0x4c: {  	_ =	shalt  }
0x4d: {  	_ =	shalt  }
0x4e: {  	_ =	shalt  }
0x4f: {  	_ =	shalt  }
0x50: {  	_ =	shalt  }
0x51: {  	_ =	shalt  }
0x52: {  	_ =	shalt  }
0x53: {  	_ =	shalt  }
0x54: {  	_ =	shalt  }
0x55: {  	_ =	shalt  }
0x56: {  	_ =	shalt  }
0x57: {  	_ =	shalt  }
0x58: {  	_ =	shalt  }
0x59: {  	_ =	shalt  }
0x5a: {  	_ =	shalt  }
0x5b: {  	_ =	shalt  }
0x5c: {  	_ =	shalt  }
0x5d: {  	_ =	shalt  }
0x5e: {  	_ =	shalt  }
0x5f: {  	_ =	shalt  }
0x60: {  	_ =	shalt  }
0x61: {  	_ =	shalt  }
0x62: {  	_ =	shalt  }
0x63: {  	_ =	shalt  }
0x64: {  	_ =	shalt  }
0x65: {  	_ =	shalt  }
0x66: {  	_ =	shalt  }
0x67: {  	_ =	shalt  }
0x68: {  	_ =	shalt  }
0x69: {  	_ =	shalt  }
0x6a: {  	_ =	shalt  }
0x6b: {  	_ =	shalt  }
0x6c: {  	_ =	shalt  }
0x6d: {  	_ =	shalt  }
0x6e: {  	_ =	shalt  }
0x6f: {  	_ =	shalt  }
0x70: {  	_ =	shalt  }
0x71: {  	_ =	shalt  }
0x72: {  	_ =	shalt  }
0x73: {  	_ =	shalt  }
0x74: {  	_ =	shalt  }
0x75: {  	_ =	shalt  }
0x76: {  	_ =	shalt  }
0x77: {  	_ =	shalt  }
0x78: {  	_ =	shalt  }
0x79: {  	_ =	shalt  }
0x7a: {  	_ =	shalt  }
0x7b: {  	_ =	shalt  }
0x7c: {  	_ =	shalt  }
0x7d: {  	_ =	shalt  }
0x7e: {  	_ =	shalt  }
0x7f: {  	_ =	shalt  }
0x80: {  	_ =	shalt  }
0x81: {  	_ =	shalt  }
0x82: {  	_ =	shalt  }
0x83: {  	_ =	shalt  }
0x84: {  	_ =	shalt  }
0x85: {  	_ =	shalt  }
0x86: {  	_ =	shalt  }
0x87: {  	_ =	shalt  }
.Lfunc_end0:
.L_simem_size_0:
called_computation.3_lowered:
.L_overlay_start_0:
0x88: {  	s2 =	sld [smem:$0x3FD9]  }
0x89: {  	s3 =	sld [smem:$0x3FFE];
	_ =	sdelay $0x1  }
0x8a: {  	s1 =	srdreg.scid  }
0x8b: {  	s0 =	sand.u32 $0x1, s1  }
0x8c: {  	s17 =	sshll.u32 s0, $0xA;
	s2 =	sadd.s32 s3, s2  }
0x8d: {  	s2 =	sadd.s32 s2, s17  }
0x8e: {  	[smem:$0x3FC0] =	sst s2  }
0x8f: {  	_ = 	snop  }
0x90: {  	s18 =	sld [smem:$0x3FC6];
	(tm) =	ssettm $0x1  }
0x91: {  	s19 =	sld [smem:$0x3FFB];
	_ =	sdelay $0x3  }
0x92: {  	_ =	strace s19  }
0x93: {  	s2 =	sld [smem:$0x3FFC];
	_ =	sdelay $0x3  }
0x94: {  	_ =	strace s2  }
0x95: {  	s2 =	sld [smem:$0x3FFD];
	_ =	sdelay $0x3  }
0x96: {  	_ =	strace s2  }
0x97: {  	_ =	strace $0x8FFFFFFF  }
0x98: {  	s20 =	sld [smem:$0x3FDB];
	_ =	sdelay $0x1  }
0x99: {  	s4 =	simm.s32 $_scs_section_size  }
0x9a: {  	s5 =	simm.s32 $_size__tile_overlayer_lowered;
	s6 =	simm.s32 $_tile_overlayer_lowered  }
0x9b: {  	s7 =	simm.s32 $0x1BFF;
	s21 =	sshll.u32 s6, $0x1;
	s4 =	sadd.s32 s4, s20  }
0x9c: {  	s22 =	simm.s32 $0x0;
	s5 =	sshll.u32 s5, $0x1;
	s6 =	sadd.s32 s21, s4  }
0x9d: {  	[timem:s22], [sflag:s7] =	dma.local [hbm:s6], s5  }
0x9e: {  	_ =	swait.ge [sflag:s7], s5  }
0x9f: {  	s5 =	ssub.s32 $0x0, s5;
	[sflag:s7] =	ssyncset.done $0x0  }
0xa0: {  	[sflag:s7] =	ssyncadd.s32 s5;
	_ =	sdelay $0x1  }
0xa1: {  	s23 =	simm.s32 $0x1B8B  }
0xa2: {  	_ =	swait.ge [sflag:s23], $0x1  }
0xa3: {  	[sflag:s23] =	ssyncset.done $0x0  }
0xa4: {  	[sflag:s23] =	ssyncadd.s32 $0xFFFFFFFF  }
0xa5: {  	s5 =	sld [smem:$0x0]  }
0xa6: {  	s6 =	sand.u32 $0xFFFFFFFE, s1  }
0xa7: {  	p0 =	sne.s32 s1, s6  }
0xa8: {  	s6 =	sshll.u32 @p0 s6, $0xE  }
0xa9: {  	s6 =	sadd.s32 @p0 $0x11B8D, s6;
	s7 =	sshll.u32 @p0 s5, $0x11  }
0xaa: {  	s6 =	sor.u32 @p0 s7, s6  }
0xab: {  	[sflag:s6] =	ssyncadd.remote.s32 @p0 $0x1;
	_ =	sdelay $0x1  }
0xac: {  	s6 =	simm.s32 @p0 $0x1B8D  }
0xad: {  	_ =	swait.eq @p0 [sflag:s6], $0x1  }
0xae: {  	[sflag:s6] =	ssyncadd.s32 @p0 $0xFFFFFFFF  }
0xaf: {  	s7 =	sshll.u32 @!p0 s1, $0xE  }
0xb0: {  	s7 =	sor.u32 @!p0 $0x4000, s7;
	s6 =	simm.s32 @!p0 $0x1B8D  }
0xb1: {  	s5 =	sshll.u32 @!p0 s5, $0x11;
	s7 =	sadd.s32 @!p0 $0x11B8D, s7;
	_ =	swait.eq @!p0 [sflag:s6], $0x1  }
0xb2: {  	s5 =	sor.u32 @!p0 s5, s7;
	[sflag:s6] =	ssyncadd.s32 @!p0 $0xFFFFFFFF  }
0xb3: {  	s25 =	simm.s32 $0x1B8E;
	s24 =	sld [smem:$0x3FFE];
	[sflag:s5] =	ssyncadd.remote.s32 @!p0 $0x1  }
0xb4: {  	s26 =	simm.s32 $execute0_lowered;
	[smem:$0x3FD2] =	sst s25  }
0xb5: {  	s6 =	sshll.u32 s26, $0x1;
	_ =	strace $0x80000049;
	[dreg:$0x1] =	wrdreg $0xFFFFFFFF  }
0xb6: {  	s28 =	simm.s32 $_size_execute0_lowered;
	s4 =	sadd.s32 s4, s6;
	[dreg:$0x0] =	wrdreg $0x0  }
0xb7: {  	s6 =	sshll.u32 s28, $0x1;
	[dreg:$0x2] =	wrdreg s4  }
0xb8: {  	[dreg:$0x3] =	wrdreg s6  }
0xb9: {  	[dreg:$0x4] =	wrdreg $0xC0  }
0xba: {  	_ =	task [dreg:s22], $0x5FFFF  }
0xbb: {  	[dreg:$0x1] =	wrdreg $0xFFFFFFFF  }
0xbc: {  	[dreg:$0x0] =	wrdreg $0x60  }
0xbd: {  	[dreg:$0x2] =	wrdreg s18  }
0xbe: {  	[dreg:$0x3] =	wrdreg s24  }
0xbf: {  	[dreg:$0x4] =	wrdreg $0xC  }
0xc0: {  	_ =	task.clear_ibuf [dreg:s22], $0x5FFFF;
	_ =	strace $0x90000049  }
0xc1: {  	s29 =	simm.s32 $0xC;
	_ =	strace $0x8000004B  }
0xc2: {  	_ =	swait.ge [sflag:s29], $0x1  }
0xc3: {  	[sflag:s29] =	ssyncadd.s32 $0xFFFFFFFF  }
0xc4: {  	_ =	strace $0x9000004B  }
0xc5: {  	_ =	sfence  }
0xc6: {  	s30 =	sld [smem:$0x0];
	_ =	sdelay $0x2  }
0xc7: {  	s31 =	sshll.u32 s1, $0xD;
	s1 =	sshrl.u32 s1, $0x2  }
0xc8: {  	s4 =	sand.u32 $0x4000, s31;
	s1 =	sadd.s32 s1, s30  }
0xc9: {  	s0 =	sor.u32 s4, s0;
	s1 =	sshll.u32 s1, $0x11  }
0xca: {  	s0 =	sor.u32 s1, s0  }
0xcb: {  	s0 =	sadd.s32 $0x8F2B, s0  }
0xcc: {  	[sflag:s0] =	ssyncadd.remote.s32 $0x1  }
0xcd: {  	_ =	sfence.sel $0xFFFF  }
0xce: {  	[dreg:$0x0] =	wrdreg $0xFFFFFFFF;
	(pc) =	sbr.abs _section_cstart, $3  }
0xcf: {  	[dreg:$0x1] =	wrdreg $0xFFFFFFFF  }
0xd0: {  	_ =	task.clear_ibuf [dreg:s22], $0x2FFFF;
	_ =	strace $0x9FFFFFFF  }
0xd1: {  	(tm) =	ssettm $0x7FFFFFFF  }
tec
execute0_lowered:
.L_overlay_start_1:
0x0: {  	(tag) =	ssettag $0x1  }
0x1: {  	s0 =	srdreg.scid  }
0x2: {  	s2 =	rddreg [dreg:$0x0];
	s3 =	stileid.u32  }
0x3: {  	s1 =	rddreg [dreg:$0x1];
	s15 =	simm.s32 $0x900;
	s16 =	simm.s32 $0x1100  }
0x4: {  	s17 =	simm.s32 $0x1900;
	s18 =	simm.s32 $0x2100;
	s19 =	simm.s32 $0x2900  }
0x5: {  	s20 =	simm.s32 $0x3100;
	s21 =	simm.s32 $0x3900;
	s22 =	simm.s32 $0x4100  }
0x6: {  	s28 =	simm.s32 $0x6900;
	s29 =	simm.s32 $0x7100;
	s30 =	simm.s32 $0x7900  }
0x7: {  	s31 =	simm.s32 $0x8100;
	s9 =	simm.s32 $0xA100;
	s10 =	simm.s32 $0xB100  }
0x8: {  	s11 =	simm.s32 $0xB900;
	s12 =	simm.s32 $0xC100;
	s0 =	sand.u32 $0x1, s0  }
0x9: {  	s4 =	sshll.u32 s3, $0x6;
	s3 =	simm.s32 $0x0;
	s5 =	sshll.u32 s0, $0x5  }
0xa: {  	s13 =	simm.s32 $0x1;
	[smem:$0x7FF] =	sst s3;
	s4 =	sor.u32 s5, s4  }
0xb: {  	s0 =	ssub.s32 $0x2, s0;
	_ =	strace $0x8000004A;
	s5 =	smul.u32 $0x300, s4  }
0xc: {  	s25 =	sshrl.u32 s0, $0x1;
	s6 =	smul.u32 $0x1800, s4;
	s4 =	sadd.s32 s4, s1  }
0xd: {  	s1 =	sadd.s32 $0xC2A00, s1;
	s0 =	ssub.s32 s0, s25;
	s25 =	simm.s32 $0x5900  }
0xe: {  	s4 =	sadd.s32 $0x2600, s4;
	s8 =	smax.u32 s0, $0x1;
	s7 =	sadd.s32 s1, s5  }
0xf: {  	s23 =	sshrl.u32 s6, $0x3;
	[dreg:$0x3] =	wrdreg s4;
	s5 =	sadd.s32 $0x100, s2  }
0x10: {  	[dreg:$0x7] =	wrdreg s7;
	s24 =	sadd.s32 $0x1800, s7;
	s1 =	sadd.s32 s1, s23  }
0x11: {  	v2 =	vlaneseq.u32;
	s6 =	sadd.s32 $0x200, s2;
	[dreg:$0x4] =	wrdreg s24;
	s26 =	sadd.s32 $0x3000, s1  }
0x12: {  	vm0 =	vmmov $0xffff;
	v1 =	vshrl.u32 v2, $0x3;
	s23 =	simm.s32 $0x4900;
	s1 =	sadd.s32 $0x4800, s1;
	[dreg:$0x5] =	wrdreg s26  }
0x13: {  	v0 =	vand.u32 $0x7, v2;
	v2 =	vor.u32 $0x8, v2;
	v1 =	vmul.u32 $0x8, v1;
	s24 =	simm.s32 $0x5100;
	[dreg:$0x6] =	wrdreg s1;
	s26 =	simm.s32 $0x6100  }
.LBB2_1:
0x14: {  	s14 =	rddreg [dreg:$0x3];
	s0 =	simm.s32 $0x5  }
0x15: {  	[tilespmem:s3], [sflag:$0x5] =	stream.linear.gather [hbm4b:s14+s3], $0x100, $0x38;
	[tilespmem:$0x18100] =	vst v63  }
0x16: {  	_ =	swait.ge [sflag:s0], $0x100  }
0x17: {  	[sflag:s0] =	ssyncset.done $0x0  }
0x18: {  	[sflag:s0] =	ssyncadd.s32 $0xFFFFFF00  }
0x19: {  	v3 =	vld [tilespmem:$0x0];
	_ =	sdelay $0x4  }
0x1a: {  	v4 =	vshrl.u32 v3, $0x3  }
0x1b: {  	v4 =	vmul.u32 $0x30, v4  }
0x1c: {  	v3 =	vand.u32 $0x7, v3  }
0x1d: {  	v3 =	vor.u32 v3, v4  }
0x1e: {  	v4 =	vperm.xlane v3, v0;
	_ =	sdelay $0x1  }
0x1f: {  	v4 =	vadd.s32 v1, v4;
	_ =	sdelay $0x3  }
0x20: {  	s1 =	simm.s32 $0x100;
	v3 =	vperm.xlane v3, v2  }
0x21: {  	[tilespmem:s1], [sflag:$0x1] =	stream.indirect_vreg.gather [hbm4b:s2+s3], $0x80, v4, vm0, $0xb8;
	[tilespmem:$0x18100] =	vst v63  }
0x22: {  	v3 =	vadd.s32 v1, v3  }
0x23: {  	[tilespmem:s15], [sflag:$0x1] =	stream.indirect_vreg.gather [hbm4b:s5+s3], $0x80, v4, vm0, $0xb8;
	[tilespmem:$0x18100] =	vst v63  }
0x24: {  	_ = 	snop  }
0x25: {  	[tilespmem:s16], [sflag:$0x1] =	stream.indirect_vreg.gather [hbm4b:s6+s3], $0x80, v4, vm0, $0xb8;
	[tilespmem:$0x18100] =	vst v63  }
0x26: {  	_ = 	snop  }
0x27: {  	[tilespmem:s17], [sflag:$0x1] =	stream.indirect_vreg.gather [hbm4b:s2+s3], $0x80, v3, vm0, $0xb8;
	[tilespmem:$0x18100] =	vst v63  }
0x28: {  	_ = 	snop  }
0x29: {  	[tilespmem:s18], [sflag:$0x1] =	stream.indirect_vreg.gather [hbm4b:s5+s3], $0x80, v3, vm0, $0xb8;
	[tilespmem:$0x18100] =	vst v63  }
0x2a: {  	_ = 	snop  }
0x2b: {  	[tilespmem:s19], [sflag:$0x1] =	stream.indirect_vreg.gather [hbm4b:s6+s3], $0x80, v3, vm0, $0xb8;
	[tilespmem:$0x18100] =	vst v63  }
0x2c: {  	v3 =	vld [tilespmem:$0x10];
	_ =	sdelay $0x4  }
0x2d: {  	v49 =	vshrl.u32 v3, $0x3  }
0x2e: {  	v4 =	vmul.u32 $0x30, v49  }
0x2f: {  	v3 =	vand.u32 $0x7, v3  }
0x30: {  	v3 =	vor.u32 v3, v4  }
0x31: {  	v4 =	vperm.xlane v3, v0;
	_ =	sdelay $0x1  }
0x32: {  	v4 =	vadd.s32 v1, v4;
	_ =	sdelay $0x3  }
0x33: {  	v3 =	vperm.xlane v3, v2  }
0x34: {  	[tilespmem:s20], [sflag:$0x1] =	stream.indirect_vreg.gather [hbm4b:s2+s3], $0x80, v4, vm0, $0xb8;
	[tilespmem:$0x18100] =	vst v63  }
0x35: {  	v3 =	vadd.s32 v1, v3  }
0x36: {  	[tilespmem:s21], [sflag:$0x1] =	stream.indirect_vreg.gather [hbm4b:s5+s3], $0x80, v4, vm0, $0xb8;
	[tilespmem:$0x18100] =	vst v63  }
0x37: {  	_ = 	snop  }
0x38: {  	[tilespmem:s22], [sflag:$0x1] =	stream.indirect_vreg.gather [hbm4b:s6+s3], $0x80, v4, vm0, $0xb8;
	[tilespmem:$0x18100] =	vst v63  }
0x39: {  	_ = 	snop  }
0x3a: {  	[tilespmem:s23], [sflag:$0x1] =	stream.indirect_vreg.gather [hbm4b:s2+s3], $0x80, v3, vm0, $0xb8;
	[tilespmem:$0x18100] =	vst v63  }
0x3b: {  	_ = 	snop  }
0x3c: {  	[tilespmem:s24], [sflag:$0x1] =	stream.indirect_vreg.gather [hbm4b:s5+s3], $0x80, v3, vm0, $0xb8;
	[tilespmem:$0x18100] =	vst v63  }
0x3d: {  	_ = 	snop  }
0x3e: {  	[tilespmem:s25], [sflag:$0x1] =	stream.indirect_vreg.gather [hbm4b:s6+s3], $0x80, v3, vm0, $0xb8;
	[tilespmem:$0x18100] =	vst v63  }
0x3f: {  	v3 =	vld [tilespmem:$0x20];
	_ =	sdelay $0x4  }
0x40: {  	v50 =	vshrl.u32 v3, $0x3  }
0x41: {  	v4 =	vmul.u32 $0x30, v50  }
0x42: {  	v3 =	vand.u32 $0x7, v3  }
0x43: {  	v3 =	vor.u32 v3, v4  }
0x44: {  	v4 =	vperm.xlane v3, v0;
	_ =	sdelay $0x1  }
0x45: {  	v4 =	vadd.s32 v1, v4;
	_ =	sdelay $0x3  }
0x46: {  	v3 =	vperm.xlane v3, v2  }
0x47: {  	[tilespmem:s26], [sflag:$0x1] =	stream.indirect_vreg.gather [hbm4b:s2+s3], $0x80, v4, vm0, $0xb8;
	[tilespmem:$0x18100] =	vst v63  }
0x48: {  	v3 =	vadd.s32 v1, v3  }
0x49: {  	[tilespmem:s28], [sflag:$0x1] =	stream.indirect_vreg.gather [hbm4b:s5+s3], $0x80, v4, vm0, $0xb8;
	[tilespmem:$0x18100] =	vst v63  }
0x4a: {  	_ = 	snop  }
0x4b: {  	[tilespmem:s29], [sflag:$0x1] =	stream.indirect_vreg.gather [hbm4b:s6+s3], $0x80, v4, vm0, $0xb8;
	[tilespmem:$0x18100] =	vst v63  }
0x4c: {  	_ = 	snop  }
0x4d: {  	[tilespmem:s30], [sflag:$0x1] =	stream.indirect_vreg.gather [hbm4b:s2+s3], $0x80, v3, vm0, $0xb8;
	[tilespmem:$0x18100] =	vst v63  }
0x4e: {  	_ = 	snop  }
0x4f: {  	[tilespmem:s31], [sflag:$0x1] =	stream.indirect_vreg.gather [hbm4b:s5+s3], $0x80, v3, vm0, $0xb8;
	[tilespmem:$0x18100] =	vst v63  }
0x50: {  	s1 =	simm.s32 $0x8900  }
0x51: {  	[tilespmem:s1], [sflag:$0x1] =	stream.indirect_vreg.gather [hbm4b:s6+s3], $0x80, v3, vm0, $0xb8;
	[tilespmem:$0x18100] =	vst v63  }
0x52: {  	v3 =	vld [tilespmem:$0x30];
	_ =	sdelay $0x4  }
0x53: {  	v51 =	vshrl.u32 v3, $0x3  }
0x54: {  	v4 =	vmul.u32 $0x30, v51  }
0x55: {  	v3 =	vand.u32 $0x7, v3  }
0x56: {  	v3 =	vor.u32 v3, v4  }
0x57: {  	v4 =	vperm.xlane v3, v0;
	_ =	sdelay $0x1  }
0x58: {  	v4 =	vadd.s32 v1, v4;
	_ =	sdelay $0x3  }
0x59: {  	s4 =	simm.s32 $0x9100;
	v3 =	vperm.xlane v3, v2  }
0x5a: {  	[tilespmem:s4], [sflag:$0x1] =	stream.indirect_vreg.gather [hbm4b:s2+s3], $0x80, v4, vm0, $0xb8;
	[tilespmem:$0x18100] =	vst v63  }
0x5b: {  	s7 =	simm.s32 $0x9900;
	v3 =	vadd.s32 v1, v3  }
0x5c: {  	[tilespmem:s7], [sflag:$0x1] =	stream.indirect_vreg.gather [hbm4b:s5+s3], $0x80, v4, vm0, $0xb8;
	[tilespmem:$0x18100] =	vst v63  }
0x5d: {  	_ = 	snop  }
0x5e: {  	[tilespmem:s9], [sflag:$0x1] =	stream.indirect_vreg.gather [hbm4b:s6+s3], $0x80, v4, vm0, $0xb8;
	[tilespmem:$0x18100] =	vst v63  }
0x5f: {  	s4 =	simm.s32 $0xA900  }
0x60: {  	[tilespmem:s4], [sflag:$0x1] =	stream.indirect_vreg.gather [hbm4b:s2+s3], $0x80, v3, vm0, $0xb8;
	[tilespmem:$0x18100] =	vst v63  }
0x61: {  	_ = 	snop  }
0x62: {  	[tilespmem:s10], [sflag:$0x1] =	stream.indirect_vreg.gather [hbm4b:s5+s3], $0x80, v3, vm0, $0xb8;
	[tilespmem:$0x18100] =	vst v63  }
0x63: {  	_ = 	snop  }
0x64: {  	[tilespmem:s11], [sflag:$0x1] =	stream.indirect_vreg.gather [hbm4b:s6+s3], $0x80, v3, vm0, $0xb8;
	[tilespmem:$0x18100] =	vst v63  }
0x65: {  	v3 =	vld [tilespmem:$0x40];
	_ =	sdelay $0x4  }
0x66: {  	v52 =	vshrl.u32 v3, $0x3  }
0x67: {  	v4 =	vmul.u32 $0x30, v52  }
0x68: {  	v3 =	vand.u32 $0x7, v3  }
0x69: {  	v3 =	vor.u32 v3, v4  }
0x6a: {  	v4 =	vperm.xlane v3, v0;
	_ =	sdelay $0x1  }
0x6b: {  	v4 =	vadd.s32 v1, v4;
	_ =	sdelay $0x3  }
0x6c: {  	v3 =	vperm.xlane v3, v2  }
0x6d: {  	[tilespmem:s12], [sflag:$0x2] =	stream.indirect_vreg.gather [hbm4b:s2+s3], $0x80, v4, vm0, $0xb8;
	[tilespmem:$0x18100] =	vst v63  }
0x6e: {  	s14 =	simm.s32 $0xC900;
	v3 =	vadd.s32 v1, v3  }
0x6f: {  	[tilespmem:s14], [sflag:$0x2] =	stream.indirect_vreg.gather [hbm4b:s5+s3], $0x80, v4, vm0, $0xb8;
	[tilespmem:$0x18100] =	vst v63  }
0x70: {  	s7 =	simm.s32 $0xD100  }
0x71: {  	[tilespmem:s7], [sflag:$0x2] =	stream.indirect_vreg.gather [hbm4b:s6+s3], $0x80, v4, vm0, $0xb8;
	[tilespmem:$0x18100] =	vst v63  }
0x72: {  	s14 =	simm.s32 $0xD900  }
0x73: {  	[tilespmem:s14], [sflag:$0x2] =	stream.indirect_vreg.gather [hbm4b:s2+s3], $0x80, v3, vm0, $0xb8;
	[tilespmem:$0x18100] =	vst v63  }
0x74: {  	s7 =	simm.s32 $0xE100  }
0x75: {  	[tilespmem:s7], [sflag:$0x2] =	stream.indirect_vreg.gather [hbm4b:s5+s3], $0x80, v3, vm0, $0xb8;
	[tilespmem:$0x18100] =	vst v63  }
0x76: {  	s14 =	simm.s32 $0xE900  }
0x77: {  	[tilespmem:s14], [sflag:$0x2] =	stream.indirect_vreg.gather [hbm4b:s6+s3], $0x80, v3, vm0, $0xb8;
	[tilespmem:$0x18100] =	vst v63  }
0x78: {  	v3 =	vld [tilespmem:$0x50];
	_ =	sdelay $0x4  }
0x79: {  	v53 =	vshrl.u32 v3, $0x3  }
0x7a: {  	v4 =	vmul.u32 $0x30, v53  }
0x7b: {  	v3 =	vand.u32 $0x7, v3  }
0x7c: {  	v3 =	vor.u32 v3, v4  }
0x7d: {  	v4 =	vperm.xlane v3, v0;
	_ =	sdelay $0x1  }
0x7e: {  	v4 =	vadd.s32 v1, v4;
	_ =	sdelay $0x3  }
0x7f: {  	s7 =	simm.s32 $0xF100;
	v3 =	vperm.xlane v3, v2  }
0x80: {  	[tilespmem:s7], [sflag:$0x2] =	stream.indirect_vreg.gather [hbm4b:s2+s3], $0x80, v4, vm0, $0xb8;
	[tilespmem:$0x18100] =	vst v63  }
0x81: {  	s14 =	simm.s32 $0xF900;
	v3 =	vadd.s32 v1, v3  }
0x82: {  	[tilespmem:s14], [sflag:$0x2] =	stream.indirect_vreg.gather [hbm4b:s5+s3], $0x80, v4, vm0, $0xb8;
	[tilespmem:$0x18100] =	vst v63  }
0x83: {  	s7 =	simm.s32 $0x10100  }
0x84: {  	[tilespmem:s7], [sflag:$0x2] =	stream.indirect_vreg.gather [hbm4b:s6+s3], $0x80, v4, vm0, $0xb8;
	[tilespmem:$0x18100] =	vst v63  }
0x85: {  	s14 =	simm.s32 $0x10900  }
0x86: {  	[tilespmem:s14], [sflag:$0x2] =	stream.indirect_vreg.gather [hbm4b:s2+s3], $0x80, v3, vm0, $0xb8;
	[tilespmem:$0x18100] =	vst v63  }
0x87: {  	s7 =	simm.s32 $0x11100  }
0x88: {  	[tilespmem:s7], [sflag:$0x2] =	stream.indirect_vreg.gather [hbm4b:s5+s3], $0x80, v3, vm0, $0xb8;
	[tilespmem:$0x18100] =	vst v63  }
0x89: {  	s14 =	simm.s32 $0x11900  }
0x8a: {  	[tilespmem:s14], [sflag:$0x2] =	stream.indirect_vreg.gather [hbm4b:s6+s3], $0x80, v3, vm0, $0xb8;
	[tilespmem:$0x18100] =	vst v63  }
0x8b: {  	v3 =	vld [tilespmem:$0x60];
	_ =	sdelay $0x4  }
0x8c: {  	v54 =	vshrl.u32 v3, $0x3  }
0x8d: {  	v4 =	vmul.u32 $0x30, v54  }
0x8e: {  	v3 =	vand.u32 $0x7, v3  }
0x8f: {  	v3 =	vor.u32 v3, v4  }
0x90: {  	v4 =	vperm.xlane v3, v0;
	_ =	sdelay $0x1  }
0x91: {  	v4 =	vadd.s32 v1, v4;
	_ =	sdelay $0x3  }
0x92: {  	s7 =	simm.s32 $0x12100;
	v3 =	vperm.xlane v3, v2  }
0x93: {  	[tilespmem:s7], [sflag:$0x2] =	stream.indirect_vreg.gather [hbm4b:s2+s3], $0x80, v4, vm0, $0xb8;
	[tilespmem:$0x18100] =	vst v63  }
0x94: {  	s14 =	simm.s32 $0x12900;
	v3 =	vadd.s32 v1, v3  }
0x95: {  	[tilespmem:s14], [sflag:$0x2] =	stream.indirect_vreg.gather [hbm4b:s5+s3], $0x80, v4, vm0, $0xb8;
	[tilespmem:$0x18100] =	vst v63  }
0x96: {  	s7 =	simm.s32 $0x13100  }
0x97: {  	[tilespmem:s7], [sflag:$0x2] =	stream.indirect_vreg.gather [hbm4b:s6+s3], $0x80, v4, vm0, $0xb8;
	[tilespmem:$0x18100] =	vst v63  }
0x98: {  	s14 =	simm.s32 $0x13900  }
0x99: {  	[tilespmem:s14], [sflag:$0x2] =	stream.indirect_vreg.gather [hbm4b:s2+s3], $0x80, v3, vm0, $0xb8;
	[tilespmem:$0x18100] =	vst v63  }
0x9a: {  	s7 =	simm.s32 $0x14100  }
0x9b: {  	[tilespmem:s7], [sflag:$0x2] =	stream.indirect_vreg.gather [hbm4b:s5+s3], $0x80, v3, vm0, $0xb8;
	[tilespmem:$0x18100] =	vst v63  }
0x9c: {  	s14 =	simm.s32 $0x14900  }
0x9d: {  	[tilespmem:s14], [sflag:$0x2] =	stream.indirect_vreg.gather [hbm4b:s6+s3], $0x80, v3, vm0, $0xb8;
	[tilespmem:$0x18100] =	vst v63  }
0x9e: {  	v3 =	vld [tilespmem:$0x70];
	_ =	sdelay $0x4  }
0x9f: {  	v55 =	vshrl.u32 v3, $0x3  }
0xa0: {  	v4 =	vmul.u32 $0x30, v55  }
0xa1: {  	v3 =	vand.u32 $0x7, v3  }
0xa2: {  	v3 =	vor.u32 v3, v4  }
0xa3: {  	v4 =	vperm.xlane v3, v0;
	_ =	sdelay $0x1  }
0xa4: {  	v4 =	vadd.s32 v1, v4;
	_ =	sdelay $0x3  }
0xa5: {  	s7 =	simm.s32 $0x15100;
	v3 =	vperm.xlane v3, v2  }
0xa6: {  	[tilespmem:s7], [sflag:$0x2] =	stream.indirect_vreg.gather [hbm4b:s2+s3], $0x80, v4, vm0, $0xb8;
	[tilespmem:$0x18100] =	vst v63  }
0xa7: {  	s14 =	simm.s32 $0x15900;
	v3 =	vadd.s32 v1, v3  }
0xa8: {  	[tilespmem:s14], [sflag:$0x2] =	stream.indirect_vreg.gather [hbm4b:s5+s3], $0x80, v4, vm0, $0xb8;
	[tilespmem:$0x18100] =	vst v63  }
0xa9: {  	s7 =	simm.s32 $0x16100  }
0xaa: {  	[tilespmem:s7], [sflag:$0x2] =	stream.indirect_vreg.gather [hbm4b:s6+s3], $0x80, v4, vm0, $0xb8;
	[tilespmem:$0x18100] =	vst v63  }
0xab: {  	s14 =	simm.s32 $0x16900  }
0xac: {  	[tilespmem:s14], [sflag:$0x2] =	stream.indirect_vreg.gather [hbm4b:s2+s3], $0x80, v3, vm0, $0xb8;
	[tilespmem:$0x18100] =	vst v63  }
0xad: {  	s7 =	simm.s32 $0x17100  }
0xae: {  	[tilespmem:s7], [sflag:$0x2] =	stream.indirect_vreg.gather [hbm4b:s5+s3], $0x80, v3, vm0, $0xb8;
	[tilespmem:$0x18100] =	vst v63  }
0xaf: {  	s14 =	simm.s32 $0x17900  }
0xb0: {  	[tilespmem:s14], [sflag:$0x2] =	stream.indirect_vreg.gather [hbm4b:s6+s3], $0x80, v3, vm0, $0xb8;
	[tilespmem:$0x18100] =	vst v63  }
0xb1: {  	_ =	swait.ge [sflag:s13], $0xC000  }
0xb2: {  	[sflag:s13] =	ssyncset.done $0x0  }
0xb3: {  	s7 =	simm.s32 $0x100;
	s0 =	rddreg [dreg:$0x7];
	[sflag:s13] =	ssyncadd.s32 $0xFFFF4000  }
0xb4: {  	[hbm4b:s0+s3] =	stream.linear.scatter [tilespmem:s7], [sflag:$0x3], $0xC000, $0x38;
	[tilespmem:$0x18100] =	vst v63  }
0xb5: {  	s0 =	simm.s32 $0x3  }
0xb6: {  	_ =	swait.ge [sflag:s0], $0xC000  }
0xb7: {  	[sflag:s0] =	ssyncset.done $0x0  }
0xb8: {  	[sflag:s0] =	ssyncadd.s32 $0xFFFF4000  }
0xb9: {  	v3 =	vld [tilespmem:$0x80];
	_ =	sdelay $0x4  }
0xba: {  	v56 =	vshrl.u32 v3, $0x3  }
0xbb: {  	v4 =	vmul.u32 $0x30, v56  }
0xbc: {  	v3 =	vand.u32 $0x7, v3  }
0xbd: {  	v3 =	vor.u32 v3, v4  }
0xbe: {  	v4 =	vperm.xlane v3, v0;
	_ =	sdelay $0x1  }
0xbf: {  	v4 =	vadd.s32 v1, v4;
	_ =	sdelay $0x3  }
0xc0: {  	v3 =	vperm.xlane v3, v2  }
0xc1: {  	[tilespmem:s7], [sflag:$0x1] =	stream.indirect_vreg.gather [hbm4b:s2+s3], $0x80, v4, vm0, $0xb8;
	[tilespmem:$0x18100] =	vst v63  }
0xc2: {  	v3 =	vadd.s32 v1, v3  }
0xc3: {  	[tilespmem:s15], [sflag:$0x1] =	stream.indirect_vreg.gather [hbm4b:s5+s3], $0x80, v4, vm0, $0xb8;
	[tilespmem:$0x18100] =	vst v63  }
0xc4: {  	_ = 	snop  }
0xc5: {  	[tilespmem:s16], [sflag:$0x1] =	stream.indirect_vreg.gather [hbm4b:s6+s3], $0x80, v4, vm0, $0xb8;
	[tilespmem:$0x18100] =	vst v63  }
0xc6: {  	_ = 	snop  }
0xc7: {  	[tilespmem:s17], [sflag:$0x1] =	stream.indirect_vreg.gather [hbm4b:s2+s3], $0x80, v3, vm0, $0xb8;
	[tilespmem:$0x18100] =	vst v63  }
0xc8: {  	_ = 	snop  }
0xc9: {  	[tilespmem:s18], [sflag:$0x1] =	stream.indirect_vreg.gather [hbm4b:s5+s3], $0x80, v3, vm0, $0xb8;
	[tilespmem:$0x18100] =	vst v63  }
0xca: {  	_ = 	snop  }
0xcb: {  	[tilespmem:s19], [sflag:$0x1] =	stream.indirect_vreg.gather [hbm4b:s6+s3], $0x80, v3, vm0, $0xb8;
	[tilespmem:$0x18100] =	vst v63  }
0xcc: {  	v3 =	vld [tilespmem:$0x90];
	_ =	sdelay $0x4  }
0xcd: {  	v57 =	vshrl.u32 v3, $0x3  }
0xce: {  	v4 =	vmul.u32 $0x30, v57  }
0xcf: {  	v3 =	vand.u32 $0x7, v3  }
0xd0: {  	v3 =	vor.u32 v3, v4  }
0xd1: {  	v4 =	vperm.xlane v3, v0;
	_ =	sdelay $0x1  }
0xd2: {  	v4 =	vadd.s32 v1, v4;
	_ =	sdelay $0x3  }
0xd3: {  	v3 =	vperm.xlane v3, v2  }
0xd4: {  	[tilespmem:s20], [sflag:$0x1] =	stream.indirect_vreg.gather [hbm4b:s2+s3], $0x80, v4, vm0, $0xb8;
	[tilespmem:$0x18100] =	vst v63  }
0xd5: {  	v3 =	vadd.s32 v1, v3  }
0xd6: {  	[tilespmem:s21], [sflag:$0x1] =	stream.indirect_vreg.gather [hbm4b:s5+s3], $0x80, v4, vm0, $0xb8;
	[tilespmem:$0x18100] =	vst v63  }
0xd7: {  	_ = 	snop  }
0xd8: {  	[tilespmem:s22], [sflag:$0x1] =	stream.indirect_vreg.gather [hbm4b:s6+s3], $0x80, v4, vm0, $0xb8;
	[tilespmem:$0x18100] =	vst v63  }
0xd9: {  	_ = 	snop  }
0xda: {  	[tilespmem:s23], [sflag:$0x1] =	stream.indirect_vreg.gather [hbm4b:s2+s3], $0x80, v3, vm0, $0xb8;
	[tilespmem:$0x18100] =	vst v63  }
0xdb: {  	_ = 	snop  }
0xdc: {  	[tilespmem:s24], [sflag:$0x1] =	stream.indirect_vreg.gather [hbm4b:s5+s3], $0x80, v3, vm0, $0xb8;
	[tilespmem:$0x18100] =	vst v63  }
0xdd: {  	_ = 	snop  }
0xde: {  	[tilespmem:s25], [sflag:$0x1] =	stream.indirect_vreg.gather [hbm4b:s6+s3], $0x80, v3, vm0, $0xb8;
	[tilespmem:$0x18100] =	vst v63  }
0xdf: {  	v3 =	vld [tilespmem:$0xA0];
	_ =	sdelay $0x4  }
0xe0: {  	v58 =	vshrl.u32 v3, $0x3  }
0xe1: {  	v4 =	vmul.u32 $0x30, v58  }
0xe2: {  	v3 =	vand.u32 $0x7, v3  }
0xe3: {  	v3 =	vor.u32 v3, v4  }
0xe4: {  	v4 =	vperm.xlane v3, v0;
	_ =	sdelay $0x1  }
0xe5: {  	v4 =	vadd.s32 v1, v4;
	_ =	sdelay $0x3  }
0xe6: {  	v3 =	vperm.xlane v3, v2  }
0xe7: {  	[tilespmem:s26], [sflag:$0x1] =	stream.indirect_vreg.gather [hbm4b:s2+s3], $0x80, v4, vm0, $0xb8;
	[tilespmem:$0x18100] =	vst v63  }
0xe8: {  	v3 =	vadd.s32 v1, v3  }
0xe9: {  	[tilespmem:s28], [sflag:$0x1] =	stream.indirect_vreg.gather [hbm4b:s5+s3], $0x80, v4, vm0, $0xb8;
	[tilespmem:$0x18100] =	vst v63  }
0xea: {  	_ = 	snop  }
0xeb: {  	[tilespmem:s29], [sflag:$0x1] =	stream.indirect_vreg.gather [hbm4b:s6+s3], $0x80, v4, vm0, $0xb8;
	[tilespmem:$0x18100] =	vst v63  }
0xec: {  	_ = 	snop  }
0xed: {  	[tilespmem:s30], [sflag:$0x1] =	stream.indirect_vreg.gather [hbm4b:s2+s3], $0x80, v3, vm0, $0xb8;
	[tilespmem:$0x18100] =	vst v63  }
0xee: {  	_ = 	snop  }
0xef: {  	[tilespmem:s31], [sflag:$0x1] =	stream.indirect_vreg.gather [hbm4b:s5+s3], $0x80, v3, vm0, $0xb8;
	[tilespmem:$0x18100] =	vst v63  }
0xf0: {  	_ = 	snop  }
0xf1: {  	[tilespmem:s1], [sflag:$0x1] =	stream.indirect_vreg.gather [hbm4b:s6+s3], $0x80, v3, vm0, $0xb8;
	[tilespmem:$0x18100] =	vst v63  }
0xf2: {  	v3 =	vld [tilespmem:$0xB0];
	_ =	sdelay $0x4  }
0xf3: {  	v59 =	vshrl.u32 v3, $0x3  }
0xf4: {  	v4 =	vmul.u32 $0x30, v59  }
0xf5: {  	v3 =	vand.u32 $0x7, v3  }
0xf6: {  	v3 =	vor.u32 v3, v4  }
0xf7: {  	v4 =	vperm.xlane v3, v0;
	_ =	sdelay $0x1  }
0xf8: {  	v4 =	vadd.s32 v1, v4;
	_ =	sdelay $0x3  }
0xf9: {  	s7 =	simm.s32 $0x9100;
	v3 =	vperm.xlane v3, v2  }
0xfa: {  	[tilespmem:s7], [sflag:$0x1] =	stream.indirect_vreg.gather [hbm4b:s2+s3], $0x80, v4, vm0, $0xb8;
	[tilespmem:$0x18100] =	vst v63  }
0xfb: {  	s14 =	simm.s32 $0x9900;
	v3 =	vadd.s32 v1, v3  }
0xfc: {  	[tilespmem:s14], [sflag:$0x1] =	stream.indirect_vreg.gather [hbm4b:s5+s3], $0x80, v4, vm0, $0xb8;
	[tilespmem:$0x18100] =	vst v63  }
0xfd: {  	_ = 	snop  }
0xfe: {  	[tilespmem:s9], [sflag:$0x1] =	stream.indirect_vreg.gather [hbm4b:s6+s3], $0x80, v4, vm0, $0xb8;
	[tilespmem:$0x18100] =	vst v63  }
0xff: {  	_ = 	snop  }
0x100: {  	[tilespmem:s4], [sflag:$0x1] =	stream.indirect_vreg.gather [hbm4b:s2+s3], $0x80, v3, vm0, $0xb8;
	[tilespmem:$0x18100] =	vst v63  }
0x101: {  	_ = 	snop  }
0x102: {  	[tilespmem:s10], [sflag:$0x1] =	stream.indirect_vreg.gather [hbm4b:s5+s3], $0x80, v3, vm0, $0xb8;
	[tilespmem:$0x18100] =	vst v63  }
0x103: {  	s1 =	simm.s32 $0x2  }
0x104: {  	[tilespmem:s11], [sflag:$0x1] =	stream.indirect_vreg.gather [hbm4b:s6+s3], $0x80, v3, vm0, $0xb8;
	[tilespmem:$0x18100] =	vst v63  }
0x105: {  	_ =	swait.ge [sflag:s1], $0xC000  }
0x106: {  	[sflag:s1] =	ssyncset.done $0x0  }
0x107: {  	s4 =	simm.s32 $0x4;
	s7 =	rddreg [dreg:$0x4];
	[sflag:s1] =	ssyncadd.s32 $0xFFFF4000  }
0x108: {  	[hbm4b:s7+s3] =	stream.linear.scatter [tilespmem:s12], [sflag:$0x4], $0xC000, $0x38;
	[tilespmem:$0x18100] =	vst v63  }
0x109: {  	_ =	swait.ge [sflag:s4], $0xC000  }
0x10a: {  	[sflag:s4] =	ssyncset.done $0x0  }
0x10b: {  	[sflag:s4] =	ssyncadd.s32 $0xFFFF4000  }
0x10c: {  	v3 =	vld [tilespmem:$0xC0];
	_ =	sdelay $0x4  }
0x10d: {  	v60 =	vshrl.u32 v3, $0x3  }
0x10e: {  	v4 =	vmul.u32 $0x30, v60  }
0x10f: {  	v3 =	vand.u32 $0x7, v3  }
0x110: {  	v3 =	vor.u32 v3, v4  }
0x111: {  	v4 =	vperm.xlane v3, v0;
	_ =	sdelay $0x1  }
0x112: {  	v4 =	vadd.s32 v1, v4;
	_ =	sdelay $0x3  }
0x113: {  	v3 =	vperm.xlane v3, v2  }
0x114: {  	[tilespmem:s12], [sflag:$0x2] =	stream.indirect_vreg.gather [hbm4b:s2+s3], $0x80, v4, vm0, $0xb8;
	[tilespmem:$0x18100] =	vst v63  }
0x115: {  	s14 =	simm.s32 $0xC900;
	v3 =	vadd.s32 v1, v3  }
0x116: {  	[tilespmem:s14], [sflag:$0x2] =	stream.indirect_vreg.gather [hbm4b:s5+s3], $0x80, v4, vm0, $0xb8;
	[tilespmem:$0x18100] =	vst v63  }
0x117: {  	s14 =	simm.s32 $0xD100  }
0x118: {  	[tilespmem:s14], [sflag:$0x2] =	stream.indirect_vreg.gather [hbm4b:s6+s3], $0x80, v4, vm0, $0xb8;
	[tilespmem:$0x18100] =	vst v63  }
0x119: {  	s14 =	simm.s32 $0xD900  }
0x11a: {  	[tilespmem:s14], [sflag:$0x2] =	stream.indirect_vreg.gather [hbm4b:s2+s3], $0x80, v3, vm0, $0xb8;
	[tilespmem:$0x18100] =	vst v63  }
0x11b: {  	s14 =	simm.s32 $0xE100  }
0x11c: {  	[tilespmem:s14], [sflag:$0x2] =	stream.indirect_vreg.gather [hbm4b:s5+s3], $0x80, v3, vm0, $0xb8;
	[tilespmem:$0x18100] =	vst v63  }
0x11d: {  	s14 =	simm.s32 $0xE900  }
0x11e: {  	[tilespmem:s14], [sflag:$0x2] =	stream.indirect_vreg.gather [hbm4b:s6+s3], $0x80, v3, vm0, $0xb8;
	[tilespmem:$0x18100] =	vst v63  }
0x11f: {  	v3 =	vld [tilespmem:$0xD0];
	_ =	sdelay $0x4  }
0x120: {  	v61 =	vshrl.u32 v3, $0x3  }
0x121: {  	v4 =	vmul.u32 $0x30, v61  }
0x122: {  	v3 =	vand.u32 $0x7, v3  }
0x123: {  	v3 =	vor.u32 v3, v4  }
0x124: {  	v4 =	vperm.xlane v3, v0;
	_ =	sdelay $0x1  }
0x125: {  	v4 =	vadd.s32 v1, v4;
	_ =	sdelay $0x3  }
0x126: {  	s14 =	simm.s32 $0xF100;
	v3 =	vperm.xlane v3, v2  }
0x127: {  	[tilespmem:s14], [sflag:$0x2] =	stream.indirect_vreg.gather [hbm4b:s2+s3], $0x80, v4, vm0, $0xb8;
	[tilespmem:$0x18100] =	vst v63  }
0x128: {  	v3 =	vadd.s32 v1, v3;
	s14 =	simm.s32 $0xF900  }
0x129: {  	[tilespmem:s14], [sflag:$0x2] =	stream.indirect_vreg.gather [hbm4b:s5+s3], $0x80, v4, vm0, $0xb8;
	[tilespmem:$0x18100] =	vst v63  }
0x12a: {  	s14 =	simm.s32 $0x10100  }
0x12b: {  	[tilespmem:s14], [sflag:$0x2] =	stream.indirect_vreg.gather [hbm4b:s6+s3], $0x80, v4, vm0, $0xb8;
	[tilespmem:$0x18100] =	vst v63  }
0x12c: {  	s14 =	simm.s32 $0x10900  }
0x12d: {  	[tilespmem:s14], [sflag:$0x2] =	stream.indirect_vreg.gather [hbm4b:s2+s3], $0x80, v3, vm0, $0xb8;
	[tilespmem:$0x18100] =	vst v63  }
0x12e: {  	s14 =	simm.s32 $0x11100  }
0x12f: {  	[tilespmem:s14], [sflag:$0x2] =	stream.indirect_vreg.gather [hbm4b:s5+s3], $0x80, v3, vm0, $0xb8;
	[tilespmem:$0x18100] =	vst v63  }
0x130: {  	s14 =	simm.s32 $0x11900  }
0x131: {  	[tilespmem:s14], [sflag:$0x2] =	stream.indirect_vreg.gather [hbm4b:s6+s3], $0x80, v3, vm0, $0xb8;
	[tilespmem:$0x18100] =	vst v63  }
0x132: {  	v3 =	vld [tilespmem:$0xE0];
	_ =	sdelay $0x4  }
0x133: {  	v62 =	vshrl.u32 v3, $0x3  }
0x134: {  	v4 =	vmul.u32 $0x30, v62  }
0x135: {  	v3 =	vand.u32 $0x7, v3  }
0x136: {  	v3 =	vor.u32 v3, v4  }
0x137: {  	v4 =	vperm.xlane v3, v0;
	_ =	sdelay $0x1  }
0x138: {  	v4 =	vadd.s32 v1, v4;
	_ =	sdelay $0x3  }
0x139: {  	s14 =	simm.s32 $0x12100;
	v3 =	vperm.xlane v3, v2  }
0x13a: {  	[tilespmem:s14], [sflag:$0x2] =	stream.indirect_vreg.gather [hbm4b:s2+s3], $0x80, v4, vm0, $0xb8;
	[tilespmem:$0x18100] =	vst v63  }
0x13b: {  	v3 =	vadd.s32 v1, v3;
	s14 =	simm.s32 $0x12900  }
0x13c: {  	[tilespmem:s14], [sflag:$0x2] =	stream.indirect_vreg.gather [hbm4b:s5+s3], $0x80, v4, vm0, $0xb8;
	[tilespmem:$0x18100] =	vst v63  }
0x13d: {  	s14 =	simm.s32 $0x13100  }
0x13e: {  	[tilespmem:s14], [sflag:$0x2] =	stream.indirect_vreg.gather [hbm4b:s6+s3], $0x80, v4, vm0, $0xb8;
	[tilespmem:$0x18100] =	vst v63  }
0x13f: {  	s14 =	simm.s32 $0x13900  }
0x140: {  	[tilespmem:s14], [sflag:$0x2] =	stream.indirect_vreg.gather [hbm4b:s2+s3], $0x80, v3, vm0, $0xb8;
	[tilespmem:$0x18100] =	vst v63  }
0x141: {  	s14 =	simm.s32 $0x14100  }
0x142: {  	[tilespmem:s14], [sflag:$0x2] =	stream.indirect_vreg.gather [hbm4b:s5+s3], $0x80, v3, vm0, $0xb8;
	[tilespmem:$0x18100] =	vst v63  }
0x143: {  	s14 =	simm.s32 $0x14900  }
0x144: {  	[tilespmem:s14], [sflag:$0x2] =	stream.indirect_vreg.gather [hbm4b:s6+s3], $0x80, v3, vm0, $0xb8;
	[tilespmem:$0x18100] =	vst v63  }
0x145: {  	v3 =	vld [tilespmem:$0xF0];
	_ =	sdelay $0x4  }
0x146: {  	v63 =	vshrl.u32 v3, $0x3  }
0x147: {  	v4 =	vmul.u32 $0x30, v63  }
0x148: {  	v3 =	vand.u32 $0x7, v3  }
0x149: {  	v3 =	vor.u32 v3, v4  }
0x14a: {  	v4 =	vperm.xlane v3, v0;
	_ =	sdelay $0x1  }
0x14b: {  	v4 =	vadd.s32 v1, v4;
	_ =	sdelay $0x3  }
0x14c: {  	s14 =	simm.s32 $0x15100;
	v3 =	vperm.xlane v3, v2  }
0x14d: {  	[tilespmem:s14], [sflag:$0x2] =	stream.indirect_vreg.gather [hbm4b:s2+s3], $0x80, v4, vm0, $0xb8;
	[tilespmem:$0x18100] =	vst v63  }
0x14e: {  	v3 =	vadd.s32 v1, v3;
	s14 =	simm.s32 $0x15900  }
0x14f: {  	[tilespmem:s14], [sflag:$0x2] =	stream.indirect_vreg.gather [hbm4b:s5+s3], $0x80, v4, vm0, $0xb8;
	[tilespmem:$0x18100] =	vst v63  }
0x150: {  	s14 =	simm.s32 $0x16100  }
0x151: {  	[tilespmem:s14], [sflag:$0x2] =	stream.indirect_vreg.gather [hbm4b:s6+s3], $0x80, v4, vm0, $0xb8;
	[tilespmem:$0x18100] =	vst v63  }
0x152: {  	s14 =	simm.s32 $0x16900  }
0x153: {  	[tilespmem:s14], [sflag:$0x2] =	stream.indirect_vreg.gather [hbm4b:s2+s3], $0x80, v3, vm0, $0xb8;
	[tilespmem:$0x18100] =	vst v63  }
0x154: {  	s14 =	simm.s32 $0x17100  }
0x155: {  	[tilespmem:s14], [sflag:$0x2] =	stream.indirect_vreg.gather [hbm4b:s5+s3], $0x80, v3, vm0, $0xb8;
	[tilespmem:$0x18100] =	vst v63  }
0x156: {  	s14 =	simm.s32 $0x17900  }
0x157: {  	[tilespmem:s14], [sflag:$0x2] =	stream.indirect_vreg.gather [hbm4b:s6+s3], $0x80, v3, vm0, $0xb8;
	[tilespmem:$0x18100] =	vst v63  }
0x158: {  	_ =	swait.ge [sflag:s13], $0xC000  }
0x159: {  	[sflag:s13] =	ssyncset.done $0x0  }
0x15a: {  	s7 =	simm.s32 $0x100;
	s14 =	rddreg [dreg:$0x5];
	[sflag:s13] =	ssyncadd.s32 $0xFFFF4000  }
0x15b: {  	[hbm4b:s14+s3] =	stream.linear.scatter [tilespmem:s7], [sflag:$0x3], $0xC000, $0x38;
	[tilespmem:$0x18100] =	vst v63  }
0x15c: {  	_ =	swait.ge [sflag:s1], $0xC000  }
0x15d: {  	[sflag:s1] =	ssyncset.done $0x0  }
0x15e: {  	s7 =	rddreg [dreg:$0x6];
	[sflag:s1] =	ssyncadd.s32 $0xFFFF4000  }
0x15f: {  	[hbm4b:s7+s3] =	stream.linear.scatter [tilespmem:s12], [sflag:$0x4], $0xC000, $0x38;
	[tilespmem:$0x18100] =	vst v63  }
0x160: {  	p0 =	sne.s32 s8, $0x1;
	_ =	swait.ge [sflag:s0], $0xC000  }
.Ltmp0:
0x161: {  	[sflag:s0] =	ssyncset.done $0x0;
	(pc) =	sbr.rel @p0 .LBB2_1-.Ltmp0, $4  }
0x162: {  	[sflag:s0] =	ssyncadd.s32 $0xFFFF4000  }
0x163: {  	_ =	swait.ge [sflag:s4], $0xC000  }
0x164: {  	[sflag:s4] =	ssyncset.done $0x0  }
0x165: {  	s8 =	sadd.s32 $0xFFFFFFFF, s8;
	[sflag:s4] =	ssyncadd.s32 $0xFFFF4000  }
0x166: {  	_ =	sfence.sel $0x180000  }
0x167: {  	[bflag:$0x0] =	sbarrier.arrive $0xFFFF  }
0x168: {  	_ =	strace $0x9000004A  }
0x169: {  	s0 =	stileid.u32;
	[bflag:$0x2] =	sbarrier.arrive $0xFFFF  }
0x16a: {  	p0 =	sne.s32 s0, $0x0;
	s0 =	rddreg [dreg:$0x2]  }
0x16b: {  	s0 =	sadd.s32 @!p0 $0x100000, s0  }
0x16c: {  	[sflag:s0] =	ssyncadd.tile.s32 @!p0 $0x1;
	_ =	shalt  }
.Lfunc_end2:
_tile_overlayer_lowered:
.L_overlay_start_2:
0x16d: {  	(tag) =	ssettag $0x2  }
0x16e: {  	s0 =	rddreg [dreg:$0x0];
	s2 =	stileid.u32  }
0x16f: {  	s1 =	rddreg [dreg:$0x1];
	p0 =	sne.s32 s2, $0x0  }
0x170: {  	s3 =	rddreg [dreg:$0x2];
	[bflag:$0x3] =	sbarrier.arrive $0xFFFF;
	s2 =	simm.s32 @!p0 $0x1C05  }
0x171: {  	[timem:s3], [sflag:s2] =	dma.local @!p0 [hbm:s0], s1  }
0x172: {  	s0 =	simm.s32 @!p0 $0x5  }
0x173: {  	_ =	swait.ge @!p0 [sflag:s0], s1  }
0x174: {  	s1 =	ssub.s32 @!p0 $0x0, s1;
	[sflag:s0] =	ssyncset.done @!p0 $0x0  }
0x175: {  	[sflag:s0] =	ssyncadd.s32 @!p0 s1  }
0x176: {  	[bflag:$0x3] =	sbarrier.arrive $0xFFFF  }
0x177: {  	_ =	shalt  }

// kernel: kernel.24.cloned.1.call-start
scs
__scs_entry_jumppad:
0x0: {  	(pc) =	sbr.rel $0x88, $3  }
0x1: {  	(tag) =	ssettag $0x0;
	lr =	simm.s32 $0x1  }
0x2: {  	[smem:$0x3F99] =	sst lr;
	_ =	strace $0xD0000000  }
0x3: {  	_ = 	snop  }
0x4: {  	_ = 	snop  }
0x5: {  	_ = 	snop  }
0x6: {  	_ = 	snop  }
0x7: {  	_ = 	snop  }
__scs_overlays_trampoline_lowered:
0x8: {  	[smem:$0x3FA8] =	sst s0  }
0x9: {  	[smem:$0x3FA9] =	sst s1  }
0xa: {  	[smem:$0x3FAA] =	sst s2  }
0xb: {  	[smem:$0x3FAB] =	sst s3  }
0xc: {  	[smem:$0x3FAC] =	sst s4  }
0xd: {  	[smem:$0x3FAD] =	sst s5  }
0xe: {  	[smem:$0x3FAE] =	sst s6  }
0xf: {  	[smem:$0x3FAF] =	sst s7  }
0x10: {  	[smem:$0x3FB0] =	sst s8  }
0x11: {  	[smem:$0x3FB1] =	sst s9;
	s0 =	simm.s32 @!p0 $0x0  }
0x12: {  	s1 =	sld [smem:$0x3F97];
	s0 =	simm.s32 @p0 $0x1  }
0x13: {  	[smem:$0x3FB2] =	sst s0;
	s0 =	simm.s32 @!p1 $0x0  }
0x14: {  	s2 =	sld [smem:$0x3F96];
	s0 =	simm.s32 @p1 $0x1  }
0x15: {  	[smem:$0x3FB3] =	sst s0;
	s0 =	simm.s32 @!p2 $0x0  }
0x16: {  	s3 =	sld [smem:$0x3FDB];
	s0 =	simm.s32 @p2 $0x1  }
0x17: {  	s4 =	simm.s32 $0x1BF5;
	[smem:$0x3FB5] =	sst s0  }
0x18: {  	s0 =	sld [smem:$0x3F98];
	_ =	swait.ge [sflag:s4], $0x0  }
0x19: {  	s7 =	sld [smem:$0x3F99]  }
0x1a: {  	s8 =	sadd.s32 $0xFFFFE003, lr  }
0x1b: {  	s9 =	sadd.s32 $0xFFFFFEF7, lr;
	s5 =	simm.s32 $0xFFFFFFFF;
	p2 =	slt.u32 s8, $0xFFFFF086  }
0x1c: {  	p1 =	slt.u32 s9, $0xF7A;
	s5 =	simm.s32 @!p2 $0x0  }
0x1d: {  	s5 =	simm.s32 @p1 $0x1;
	p0 =	seq.s32 s7, s2  }
0x1e: {  	s7 =	smul.u32 @!p0 $0xF7A, s2;
	p2 =	seq.s32 @!p0 s5, $0x0  }
0x1f: {  	s9 =	smul.u32 $0xF7A, s1;
	s8 =	simm.s32 @!p0 $0x1BF5;
	p2 =	por !p2, p0  }
0x20: {  	[sflag:s8] =	ssyncset.s32 @!p0 $0xFFFFF086;
	s6 =	sadd.s32 @!p0 s3, s7;
	s7 =	simm.s32 @!p0 $0x108  }
0x21: {  	s3 =	sadd.s32 s3, s9;
	s6 =	sadd.s32 @!p0 $0x88, s6;
	s7 =	simm.s32 @p2 $0x1082  }
0x22: {  	[simem:s7], [sflag:s8] =	dma.local @!p0 [hbm:s6], $0xF7A  }
0x23: {  	s9 =	sor.u32 $0xD0000000, s2;
	s6 =	simm.s32 $0x108;
	_ =	swait.ge @!p0 [sflag:s8], $0x0  }
0x24: {  	s3 =	sadd.s32 $0x88, s3;
	s6 =	simm.s32 @!p1 $0x1082;
	[sflag:s4] =	ssyncset.s32 $0xFFFFF086  }
0x25: {  	[simem:s6], [sflag:s4] =	dma.local [hbm:s3], $0xF7A  }
0x26: {  	[smem:$0x3F99] =	sst s1;
	(tag) =	ssettag s2;
	_ =	strace s9  }
0x27: {  	s1 =	sld [smem:$0x3FA9]  }
0x28: {  	s2 =	sld [smem:$0x3FAA]  }
0x29: {  	s4 =	sld [smem:$0x3FAC]  }
0x2a: {  	p0 =	seq.s32 s5, $0x0;
	s5 =	sld [smem:$0x3FAD]  }
0x2b: {  	s6 =	sld [smem:$0x3FAE]  }
0x2c: {  	s7 =	sld [smem:$0x3FAF]  }
0x2d: {  	s3 =	simm.s32 $0x108;
	s8 =	sld [smem:$0x3FB0]  }
0x2e: {  	s3 =	simm.s32 @!p0 $0x1082;
	s9 =	sld [smem:$0x3FB1]  }
0x2f: {  	lr =	sadd.s32 s0, s3;
	s0 =	sld [smem:$0x3FA8]  }
0x30: {  	s3 =	sld [smem:$0x3FAB]  }
0x31: {  	[smem:$0x3FB4] =	sst s10  }
0x32: {  	s10 =	sld [smem:$0x3FB2];
	_ =	sdelay $0x3  }
0x33: {  	p0 =	seq.s32 s10, $0x1;
	s10 =	sld [smem:$0x3FB4];
	_ =	sdelay $0x3  }
0x34: {  	[smem:$0x3FB4] =	sst s10  }
0x35: {  	s10 =	sld [smem:$0x3FB3];
	_ =	sdelay $0x3  }
0x36: {  	p1 =	seq.s32 s10, $0x1;
	s10 =	sld [smem:$0x3FB4];
	_ =	sdelay $0x3  }
0x37: {  	[smem:$0x3FB4] =	sst s10  }
0x38: {  	s10 =	sld [smem:$0x3FB5]  }
0x39: {  	_ = 	snop;
	(pc) =	sbr.ind lr, $3  }
0x3a: {  	_ = 	snop  }
0x3b: {  	_ = 	snop  }
0x3c: {  	p2 =	seq.s32 s10, $0x1;
	s10 =	sld [smem:$0x3FB4]  }
0x3d: {  	_ =	shalt  }
0x3e: {  	_ =	shalt  }
0x3f: {  	_ =	shalt  }
0x40: {  	_ =	shalt  }
0x41: {  	_ =	shalt  }
0x42: {  	_ =	shalt  }
0x43: {  	_ =	shalt  }
0x44: {  	_ =	shalt  }
0x45: {  	_ =	shalt  }
0x46: {  	_ =	shalt  }
0x47: {  	_ =	shalt  }
0x48: {  	_ =	shalt  }
0x49: {  	_ =	shalt  }
0x4a: {  	_ =	shalt  }
0x4b: {  	_ =	shalt  }
0x4c: {  	_ =	shalt  }
0x4d: {  	_ =	shalt  }
0x4e: {  	_ =	shalt  }
0x4f: {  	_ =	shalt  }
0x50: {  	_ =	shalt  }
0x51: {  	_ =	shalt  }
0x52: {  	_ =	shalt  }
0x53: {  	_ =	shalt  }
0x54: {  	_ =	shalt  }
0x55: {  	_ =	shalt  }
0x56: {  	_ =	shalt  }
0x57: {  	_ =	shalt  }
0x58: {  	_ =	shalt  }
0x59: {  	_ =	shalt  }
0x5a: {  	_ =	shalt  }
0x5b: {  	_ =	shalt  }
0x5c: {  	_ =	shalt  }
0x5d: {  	_ =	shalt  }
0x5e: {  	_ =	shalt  }
0x5f: {  	_ =	shalt  }
0x60: {  	_ =	shalt  }
0x61: {  	_ =	shalt  }
0x62: {  	_ =	shalt  }
0x63: {  	_ =	shalt  }
0x64: {  	_ =	shalt  }
0x65: {  	_ =	shalt  }
0x66: {  	_ =	shalt  }
0x67: {  	_ =	shalt  }
0x68: {  	_ =	shalt  }
0x69: {  	_ =	shalt  }
0x6a: {  	_ =	shalt  }
0x6b: {  	_ =	shalt  }
0x6c: {  	_ =	shalt  }
0x6d: {  	_ =	shalt  }
0x6e: {  	_ =	shalt  }
0x6f: {  	_ =	shalt  }
0x70: {  	_ =	shalt  }
0x71: {  	_ =	shalt  }
0x72: {  	_ =	shalt  }
0x73: {  	_ =	shalt  }
0x74: {  	_ =	shalt  }
0x75: {  	_ =	shalt  }
0x76: {  	_ =	shalt  }
0x77: {  	_ =	shalt  }
0x78: {  	_ =	shalt  }
0x79: {  	_ =	shalt  }
0x7a: {  	_ =	shalt  }
0x7b: {  	_ =	shalt  }
0x7c: {  	_ =	shalt  }
0x7d: {  	_ =	shalt  }
0x7e: {  	_ =	shalt  }
0x7f: {  	_ =	shalt  }
0x80: {  	_ =	shalt  }
0x81: {  	_ =	shalt  }
0x82: {  	_ =	shalt  }
0x83: {  	_ =	shalt  }
0x84: {  	_ =	shalt  }
0x85: {  	_ =	shalt  }
0x86: {  	_ =	shalt  }
0x87: {  	_ =	shalt  }
.Lfunc_end0:
.L_simem_size_0:
called_computation.4_lowered:
.L_overlay_start_0:
0x88: {  	s2 =	sld [smem:$0x3FD9]  }
0x89: {  	s3 =	sld [smem:$0x3FFE];
	_ =	sdelay $0x1  }
0x8a: {  	s1 =	srdreg.scid  }
0x8b: {  	s0 =	sand.u32 $0x1, s1  }
0x8c: {  	s15 =	sshll.u32 s0, $0xA;
	s2 =	sadd.s32 s3, s2  }
0x8d: {  	s2 =	sadd.s32 s2, s15  }
0x8e: {  	[smem:$0x3FC0] =	sst s2  }
0x8f: {  	_ = 	snop  }
0x90: {  	s16 =	sld [smem:$0x3FD0];
	_ =	sdelay $0x2  }
0x91: {  	s4 =	simm.s32 $0xE;
	s5 =	simm.s32 $0x10;
	s2 =	sld [smem:$0x3FC6]  }
0x92: {  	[smem:s5], [sflag:s4] =	dma.local [hbm:s16], $0x1  }
0x93: {  	_ =	swait.eq [sflag:s4], $0x1  }
0x94: {  	[sflag:s4] =	ssyncset.done $0x0  }
0x95: {  	[sflag:s4] =	ssyncadd.s32 $0xFFFFFFFF  }
0x96: {  	s17 =	sld [smem:$0x11];
	(tm) =	ssettm $0x1  }
0x97: {  	s18 =	sld [smem:$0x3FFB];
	_ =	sdelay $0x3  }
0x98: {  	_ =	strace s18  }
0x99: {  	s3 =	sld [smem:$0x3FFC];
	_ =	sdelay $0x3  }
0x9a: {  	_ =	strace s3  }
0x9b: {  	s3 =	sld [smem:$0x3FFD];
	_ =	sdelay $0x3  }
0x9c: {  	_ =	strace s3  }
0x9d: {  	_ =	strace $0x8FFFFFFF  }
0x9e: {  	s19 =	sld [smem:$0x3FDB];
	_ =	sdelay $0x1  }
0x9f: {  	s20 =	simm.s32 $_scs_section_size  }
0xa0: {  	s6 =	simm.s32 $_size__tile_overlayer_lowered;
	s7 =	simm.s32 $_tile_overlayer_lowered  }
0xa1: {  	s8 =	simm.s32 $0x1BFF;
	s21 =	sshll.u32 s7, $0x1;
	s5 =	sadd.s32 s20, s19  }
0xa2: {  	s22 =	simm.s32 $0x0;
	s6 =	sshll.u32 s6, $0x1;
	s7 =	sadd.s32 s21, s5  }
0xa3: {  	[timem:s22], [sflag:s8] =	dma.local [hbm:s7], s6  }
0xa4: {  	_ =	swait.ge [sflag:s8], s6  }
0xa5: {  	s6 =	ssub.s32 $0x0, s6;
	[sflag:s8] =	ssyncset.done $0x0  }
0xa6: {  	[sflag:s8] =	ssyncadd.s32 s6;
	_ =	sdelay $0x1  }
0xa7: {  	s23 =	simm.s32 $0x1B8B  }
0xa8: {  	_ =	swait.ge [sflag:s23], $0x1  }
0xa9: {  	[sflag:s23] =	ssyncset.done $0x0  }
0xaa: {  	[sflag:s23] =	ssyncadd.s32 $0xFFFFFFFF  }
0xab: {  	s6 =	sld [smem:$0x0]  }
0xac: {  	s7 =	sand.u32 $0xFFFFFFFE, s1  }
0xad: {  	p0 =	sne.s32 s1, s7  }
0xae: {  	s7 =	sshll.u32 @p0 s7, $0xE  }
0xaf: {  	s7 =	sadd.s32 @p0 $0x11B8D, s7;
	s8 =	sshll.u32 @p0 s6, $0x11  }
0xb0: {  	s7 =	sor.u32 @p0 s8, s7  }
0xb1: {  	[sflag:s7] =	ssyncadd.remote.s32 @p0 $0x1;
	_ =	sdelay $0x1  }
0xb2: {  	s7 =	simm.s32 @p0 $0x1B8D  }
0xb3: {  	_ =	swait.eq @p0 [sflag:s7], $0x1  }
0xb4: {  	[sflag:s7] =	ssyncadd.s32 @p0 $0xFFFFFFFF  }
0xb5: {  	s8 =	sshll.u32 @!p0 s1, $0xE  }
0xb6: {  	s8 =	sor.u32 @!p0 $0x4000, s8;
	s7 =	simm.s32 @!p0 $0x1B8D  }
0xb7: {  	s6 =	sshll.u32 @!p0 s6, $0x11;
	s8 =	sadd.s32 @!p0 $0x11B8D, s8;
	_ =	swait.eq @!p0 [sflag:s7], $0x1  }
0xb8: {  	s6 =	sor.u32 @!p0 s6, s8;
	[sflag:s7] =	ssyncadd.s32 @!p0 $0xFFFFFFFF  }
0xb9: {  	s25 =	simm.s32 $0x1B8E;
	s24 =	sld [smem:$0x3FFE];
	[sflag:s6] =	ssyncadd.remote.s32 @!p0 $0x1  }
0xba: {  	s26 =	simm.s32 $execute0_lowered;
	[smem:$0x3FD2] =	sst s25  }
0xbb: {  	s7 =	sshll.u32 s26, $0x1;
	_ =	strace $0x8000004C;
	[dreg:$0x1] =	wrdreg $0xFFFFFFFF  }
0xbc: {  	s28 =	simm.s32 $_size_execute0_lowered;
	s5 =	sadd.s32 s5, s7;
	[dreg:$0x0] =	wrdreg $0x0  }
0xbd: {  	s7 =	sshll.u32 s28, $0x1;
	[dreg:$0x2] =	wrdreg s5  }
0xbe: {  	[dreg:$0x3] =	wrdreg s7  }
0xbf: {  	[dreg:$0x4] =	wrdreg $0xC0  }
0xc0: {  	_ =	task [dreg:s22], $0x5FFFF  }
0xc1: {  	[dreg:$0x1] =	wrdreg $0xFFFFFFFF  }
0xc2: {  	[dreg:$0x0] =	wrdreg $0x60  }
0xc3: {  	[dreg:$0x2] =	wrdreg s2  }
0xc4: {  	[dreg:$0x3] =	wrdreg s24  }
0xc5: {  	[dreg:$0x4] =	wrdreg s17  }
0xc6: {  	[dreg:$0x5] =	wrdreg $0xD  }
0xc7: {  	_ =	task.clear_ibuf [dreg:s22], $0x6FFFF;
	_ =	strace $0x9000004C  }
0xc8: {  	s29 =	simm.s32 $0xD;
	_ =	strace $0x8000004E  }
0xc9: {  	_ =	swait.ge [sflag:s29], $0x1  }
0xca: {  	[sflag:s29] =	ssyncadd.s32 $0xFFFFFFFF  }
0xcb: {  	_ =	strace $0x9000004E  }
0xcc: {  	_ =	sfence  }
0xcd: {  	s30 =	sld [smem:$0x0];
	_ =	sdelay $0x2  }
0xce: {  	s31 =	sshll.u32 s1, $0xD;
	s1 =	sshrl.u32 s1, $0x2  }
0xcf: {  	s4 =	sand.u32 $0x4000, s31;
	s1 =	sadd.s32 s1, s30  }
0xd0: {  	s0 =	sor.u32 s4, s0;
	s1 =	sshll.u32 s1, $0x11  }
0xd1: {  	s0 =	sor.u32 s1, s0  }
0xd2: {  	s0 =	sadd.s32 $0x8F2B, s0  }
0xd3: {  	[sflag:s0] =	ssyncadd.remote.s32 $0x1  }
0xd4: {  	_ =	sfence.sel $0xFFFF  }
0xd5: {  	[dreg:$0x0] =	wrdreg $0xFFFFFFFF;
	(pc) =	sbr.abs _section_cstart, $3  }
0xd6: {  	[dreg:$0x1] =	wrdreg $0xFFFFFFFF  }
0xd7: {  	_ =	task.clear_ibuf [dreg:s22], $0x2FFFF;
	_ =	strace $0x9FFFFFFF  }
0xd8: {  	(tm) =	ssettm $0x7FFFFFFF  }
0xd9: {  	_ =	shalt  }
tec
execute0_lowered:
.L_overlay_start_1:
0x0: {  	(tag) =	ssettag $0x1  }
0x1: {  	s1 =	rddreg [dreg:$0x0]  }
0x2: {  	s0 =	rddreg [dreg:$0x1]  }
0x3: {  	s4 =	rddreg [dreg:$0x2];
	s3 =	srdreg.scid  }
0x4: {  	s2 =	stileid.u32;
	s25 =	simm.s32 $0x880;
	s8 =	simm.s32 $0x80  }
0x5: {  	s26 =	simm.s32 $0x1080;
	s10 =	simm.s32 $0x2080;
	s11 =	simm.s32 $0x2880  }
0x6: {  	s12 =	simm.s32 $0x3080;
	s13 =	simm.s32 $0x3880;
	s14 =	simm.s32 $0x4080  }
0x7: {  	s15 =	simm.s32 $0x4880;
	s16 =	simm.s32 $0x5080;
	s17 =	simm.s32 $0x5880  }
0x8: {  	s18 =	simm.s32 $0x6080;
	s19 =	simm.s32 $0x6880;
	s20 =	simm.s32 $0x7080  }
0x9: {  	s21 =	simm.s32 $0x7880;
	s22 =	simm.s32 $0x8080;
	s28 =	simm.s32 $0xA880  }
0xa: {  	s29 =	simm.s32 $0xB080;
	s30 =	simm.s32 $0xB880;
	s31 =	simm.s32 $0x1  }
0xb: {  	s5 =	sand.u32 $0x1, s3;
	s3 =	simm.s32 $0x0;
	s6 =	sshll.u32 s2, $0x4  }
0xc: {  	s7 =	sshll.u32 s5, $0x3;
	[smem:$0x7FF] =	sst s3;
	s5 =	ssub.s32 $0x2, s5  }
0xd: {  	s6 =	sor.u32 s7, s6;
	_ =	strace $0x8000004D;
	[dreg:$0x6] =	wrdreg s25  }
0xe: {  	s23 =	sshrl.u32 s5, $0x1;
	[dreg:$0x7] =	wrdreg s26;
	s25 =	simm.s32 $0x9880  }
0xf: {  	s26 =	simm.s32 $0xA080;
	s0 =	sadd.s32 s6, s0;
	s6 =	smul.u32 $0x300, s6  }
0x10: {  	s7 =	ssub.s32 s5, s23;
	s5 =	sadd.s32 $0x200, s1;
	s0 =	sadd.s32 $0x182A00, s0  }
0x11: {  	v2 =	vlaneseq.u32;
	s23 =	simm.s32 $0x8880;
	[dreg:$0x4] =	wrdreg s0;
	s24 =	sadd.s32 s4, s6  }
0x12: {  	vm0 =	vmmov $0xffff;
	v1 =	vshrl.u32 v2, $0x3;
	s4 =	sadd.s32 $0x100, s1;
	s6 =	smax.u32 s7, $0x1;
	s7 =	simm.s32 $0x3  }
0x13: {  	v0 =	vand.u32 $0x7, v2;
	v2 =	vor.u32 $0x8, v2;
	v1 =	vmul.u32 $0x8, v1;
	s0 =	simm.s32 $0x2;
	[dreg:$0x5] =	wrdreg s24;
	s24 =	simm.s32 $0x9080  }
.LBB2_1:
0x14: {  	s2 =	rddreg [dreg:$0x4]  }
0x15: {  	[tilespmem:s3], [sflag:$0x3] =	stream.linear.gather [hbm4b:s2+s3], $0x40, $0x38;
	[tilespmem:$0xC080] =	vst v63  }
0x16: {  	_ =	swait.ge [sflag:s7], $0x40  }
0x17: {  	[sflag:s7] =	ssyncset.done $0x0  }
0x18: {  	[sflag:s7] =	ssyncadd.s32 $0xFFFFFFC0  }
0x19: {  	v3 =	vld [tilespmem:$0x0];
	_ =	sdelay $0x4  }
0x1a: {  	v4 =	vshrl.u32 v3, $0x3  }
0x1b: {  	v4 =	vmul.u32 $0x30, v4  }
0x1c: {  	v3 =	vand.u32 $0x7, v3  }
0x1d: {  	v3 =	vor.u32 v3, v4  }
0x1e: {  	v4 =	vperm.xlane v3, v0;
	_ =	sdelay $0x1  }
0x1f: {  	v4 =	vadd.s32 v1, v4;
	_ =	sdelay $0x3  }
0x20: {  	v3 =	vperm.xlane v3, v2  }
0x21: {  	[tilespmem:s8], [sflag:$0x1] =	stream.indirect_vreg.gather [hbm4b:s1+s3], $0x80, v4, vm0, $0xb8;
	[tilespmem:$0xC080] =	vst v63  }
0x22: {  	s2 =	rddreg [dreg:$0x6];
	v3 =	vadd.s32 v1, v3  }
0x23: {  	[tilespmem:s2], [sflag:$0x1] =	stream.indirect_vreg.gather [hbm4b:s4+s3], $0x80, v4, vm0, $0xb8;
	[tilespmem:$0xC080] =	vst v63  }
0x24: {  	s9 =	rddreg [dreg:$0x7]  }
0x25: {  	[tilespmem:s9], [sflag:$0x1] =	stream.indirect_vreg.gather [hbm4b:s5+s3], $0x80, v4, vm0, $0xb8;
	[tilespmem:$0xC080] =	vst v63  }
0x26: {  	s9 =	simm.s32 $0x1880  }
0x27: {  	[tilespmem:s9], [sflag:$0x1] =	stream.indirect_vreg.gather [hbm4b:s1+s3], $0x80, v3, vm0, $0xb8;
	[tilespmem:$0xC080] =	vst v63  }
0x28: {  	_ = 	snop  }
0x29: {  	[tilespmem:s10], [sflag:$0x1] =	stream.indirect_vreg.gather [hbm4b:s4+s3], $0x80, v3, vm0, $0xb8;
	[tilespmem:$0xC080] =	vst v63  }
0x2a: {  	_ = 	snop  }
0x2b: {  	[tilespmem:s11], [sflag:$0x1] =	stream.indirect_vreg.gather [hbm4b:s5+s3], $0x80, v3, vm0, $0xb8;
	[tilespmem:$0xC080] =	vst v63  }
0x2c: {  	v3 =	vld [tilespmem:$0x10];
	_ =	sdelay $0x4  }
0x2d: {  	v61 =	vshrl.u32 v3, $0x3  }
0x2e: {  	v4 =	vmul.u32 $0x30, v61  }
0x2f: {  	v3 =	vand.u32 $0x7, v3  }
0x30: {  	v3 =	vor.u32 v3, v4  }
0x31: {  	v4 =	vperm.xlane v3, v0;
	_ =	sdelay $0x1  }
0x32: {  	v4 =	vadd.s32 v1, v4;
	_ =	sdelay $0x3  }
0x33: {  	v3 =	vperm.xlane v3, v2  }
0x34: {  	[tilespmem:s12], [sflag:$0x1] =	stream.indirect_vreg.gather [hbm4b:s1+s3], $0x80, v4, vm0, $0xb8;
	[tilespmem:$0xC080] =	vst v63  }
0x35: {  	v3 =	vadd.s32 v1, v3  }
0x36: {  	[tilespmem:s13], [sflag:$0x1] =	stream.indirect_vreg.gather [hbm4b:s4+s3], $0x80, v4, vm0, $0xb8;
	[tilespmem:$0xC080] =	vst v63  }
0x37: {  	_ = 	snop  }
0x38: {  	[tilespmem:s14], [sflag:$0x1] =	stream.indirect_vreg.gather [hbm4b:s5+s3], $0x80, v4, vm0, $0xb8;
	[tilespmem:$0xC080] =	vst v63  }
0x39: {  	_ = 	snop  }
0x3a: {  	[tilespmem:s15], [sflag:$0x1] =	stream.indirect_vreg.gather [hbm4b:s1+s3], $0x80, v3, vm0, $0xb8;
	[tilespmem:$0xC080] =	vst v63  }
0x3b: {  	_ = 	snop  }
0x3c: {  	[tilespmem:s16], [sflag:$0x1] =	stream.indirect_vreg.gather [hbm4b:s4+s3], $0x80, v3, vm0, $0xb8;
	[tilespmem:$0xC080] =	vst v63  }
0x3d: {  	_ = 	snop  }
0x3e: {  	[tilespmem:s17], [sflag:$0x1] =	stream.indirect_vreg.gather [hbm4b:s5+s3], $0x80, v3, vm0, $0xb8;
	[tilespmem:$0xC080] =	vst v63  }
0x3f: {  	v3 =	vld [tilespmem:$0x20];
	_ =	sdelay $0x4  }
0x40: {  	v62 =	vshrl.u32 v3, $0x3  }
0x41: {  	v4 =	vmul.u32 $0x30, v62  }
0x42: {  	v3 =	vand.u32 $0x7, v3  }
0x43: {  	v3 =	vor.u32 v3, v4  }
0x44: {  	v4 =	vperm.xlane v3, v0;
	_ =	sdelay $0x1  }
0x45: {  	v4 =	vadd.s32 v1, v4;
	_ =	sdelay $0x3  }
0x46: {  	v3 =	vperm.xlane v3, v2  }
0x47: {  	[tilespmem:s18], [sflag:$0x1] =	stream.indirect_vreg.gather [hbm4b:s1+s3], $0x80, v4, vm0, $0xb8;
	[tilespmem:$0xC080] =	vst v63  }
0x48: {  	v3 =	vadd.s32 v1, v3  }
0x49: {  	[tilespmem:s19], [sflag:$0x1] =	stream.indirect_vreg.gather [hbm4b:s4+s3], $0x80, v4, vm0, $0xb8;
	[tilespmem:$0xC080] =	vst v63  }
0x4a: {  	_ = 	snop  }
0x4b: {  	[tilespmem:s20], [sflag:$0x1] =	stream.indirect_vreg.gather [hbm4b:s5+s3], $0x80, v4, vm0, $0xb8;
	[tilespmem:$0xC080] =	vst v63  }
0x4c: {  	_ = 	snop  }
0x4d: {  	[tilespmem:s21], [sflag:$0x1] =	stream.indirect_vreg.gather [hbm4b:s1+s3], $0x80, v3, vm0, $0xb8;
	[tilespmem:$0xC080] =	vst v63  }
0x4e: {  	_ = 	snop  }
0x4f: {  	[tilespmem:s22], [sflag:$0x1] =	stream.indirect_vreg.gather [hbm4b:s4+s3], $0x80, v3, vm0, $0xb8;
	[tilespmem:$0xC080] =	vst v63  }
0x50: {  	_ = 	snop  }
0x51: {  	[tilespmem:s23], [sflag:$0x1] =	stream.indirect_vreg.gather [hbm4b:s5+s3], $0x80, v3, vm0, $0xb8;
	[tilespmem:$0xC080] =	vst v63  }
0x52: {  	v3 =	vld [tilespmem:$0x30];
	_ =	sdelay $0x4  }
0x53: {  	v63 =	vshrl.u32 v3, $0x3  }
0x54: {  	v4 =	vmul.u32 $0x30, v63  }
0x55: {  	v3 =	vand.u32 $0x7, v3  }
0x56: {  	v3 =	vor.u32 v3, v4  }
0x57: {  	v4 =	vperm.xlane v3, v0;
	_ =	sdelay $0x1  }
0x58: {  	v4 =	vadd.s32 v1, v4;
	_ =	sdelay $0x3  }
0x59: {  	v3 =	vperm.xlane v3, v2  }
0x5a: {  	[tilespmem:s24], [sflag:$0x1] =	stream.indirect_vreg.gather [hbm4b:s1+s3], $0x80, v4, vm0, $0xb8;
	[tilespmem:$0xC080] =	vst v63  }
0x5b: {  	v3 =	vadd.s32 v1, v3  }
0x5c: {  	[tilespmem:s25], [sflag:$0x1] =	stream.indirect_vreg.gather [hbm4b:s4+s3], $0x80, v4, vm0, $0xb8;
	[tilespmem:$0xC080] =	vst v63  }
0x5d: {  	_ = 	snop  }
0x5e: {  	[tilespmem:s26], [sflag:$0x1] =	stream.indirect_vreg.gather [hbm4b:s5+s3], $0x80, v4, vm0, $0xb8;
	[tilespmem:$0xC080] =	vst v63  }
0x5f: {  	_ = 	snop  }
0x60: {  	[tilespmem:s28], [sflag:$0x1] =	stream.indirect_vreg.gather [hbm4b:s1+s3], $0x80, v3, vm0, $0xb8;
	[tilespmem:$0xC080] =	vst v63  }
0x61: {  	_ = 	snop  }
0x62: {  	[tilespmem:s29], [sflag:$0x1] =	stream.indirect_vreg.gather [hbm4b:s4+s3], $0x80, v3, vm0, $0xb8;
	[tilespmem:$0xC080] =	vst v63  }
0x63: {  	_ = 	snop  }
0x64: {  	[tilespmem:s30], [sflag:$0x1] =	stream.indirect_vreg.gather [hbm4b:s5+s3], $0x80, v3, vm0, $0xb8;
	[tilespmem:$0xC080] =	vst v63  }
0x65: {  	_ =	swait.ge [sflag:s31], $0xC000  }
0x66: {  	p0 =	sne.s32 s6, $0x1;
	[sflag:s31] =	ssyncset.done $0x0  }
.Ltmp0:
0x67: {  	s9 =	rddreg [dreg:$0x5];
	[sflag:s31] =	ssyncadd.s32 $0xFFFF4000;
	(pc) =	sbr.rel @p0 .LBB2_1-.Ltmp0, $4  }
0x68: {  	[hbm4b:s9+s3] =	stream.linear.scatter [tilespmem:s8], [sflag:$0x2], $0xC000, $0x38;
	[tilespmem:$0xC080] =	vst v63  }
0x69: {  	_ =	swait.ge [sflag:s0], $0xC000  }
0x6a: {  	[sflag:s0] =	ssyncset.done $0x0  }
0x6b: {  	s6 =	sadd.s32 $0xFFFFFFFF, s6;
	[sflag:s0] =	ssyncadd.s32 $0xFFFF4000  }
0x6c: {  	_ =	sfence.sel $0x180000  }
0x6d: {  	[bflag:$0x0] =	sbarrier.arrive $0xFFFF  }
0x6e: {  	_ =	strace $0x9000004D  }
0x6f: {  	s0 =	stileid.u32;
	[bflag:$0x2] =	sbarrier.arrive $0xFFFF  }
0x70: {  	p0 =	sne.s32 s0, $0x0;
	s0 =	rddreg [dreg:$0x3]  }
0x71: {  	s0 =	sadd.s32 @!p0 $0x100000, s0  }
0x72: {  	[sflag:s0] =	ssyncadd.tile.s32 @!p0 $0x1;
	_ =	shalt  }
.Lfunc_end2:
_tile_overlayer_lowered:
.L_overlay_start_2:
0x73: {  	(tag) =	ssettag $0x2  }
0x74: {  	s0 =	rddreg [dreg:$0x0];
	s2 =	stileid.u32  }
0x75: {  	s1 =	rddreg [dreg:$0x1];
	p0 =	sne.s32 s2, $0x0  }
0x76: {  	s3 =	rddreg [dreg:$0x2];
	[bflag:$0x3] =	sbarrier.arrive $0xFFFF;
	s2 =	simm.s32 @!p0 $0x1C03  }
0x77: {  	[timem:s3], [sflag:s2] =	dma.local @!p0 [hbm:s0], s1  }
0x78: {  	s0 =	simm.s32 @!p0 $0x3  }
0x79: {  	_ =	swait.ge @!p0 [sflag:s0], s1  }
0x7a: {  	s1 =	ssub.s32 @!p0 $0x0, s1;
	[sflag:s0] =	ssyncset.done @!p0 $0x0  }
0x7b: {  	[sflag:s0] =	ssyncadd.s32 @!p0 s1  }
0x7c: {  	[bflag:$0x3] =	sbarrier.arrive $0xFFFF  }
0x7d: {  	_ =	shalt  }

</sc_bundles>
